<compile_context>
chip_gen: v7x
topology: tpu7x:2x2x1
jax: 0.10.2.dev20260603
libtpu: 0.0.44.dev20260713+nightly
codegen_flags: <defaults>
</compile_context>

<pallas_src>
import functools

import jax
import jax.numpy as jnp
from jax import lax
from jax.experimental import pallas as pl
from jax.experimental.pallas import tpu as pltpu
from jax.experimental.pallas import tpu_sc as plsc

D = 64
SCALE = 8.0
V = 1000000
B = 4096
S = 200

W1 = 128
PAIR = 2 * W1
NPAIR = V // PAIR
VTAIL = V - NPAIR * PAIR

NBT = B // 128
NST = S // 8

NRING1 = 2
NRING2 = 4


def _iota16():
    return lax.iota(jnp.int32, 16)


@jax.jit
def _stage1(tbl_t, x_t):
    info = plsc.get_sparse_core_info()
    nw = info.num_cores * info.num_subcores
    mesh = plsc.VectorSubcoreMesh(core_axis_name="c", subcore_axis_name="s")
    n_xt = NST * NBT
    n_sup = n_xt // 4

    @functools.partial(
        pl.kernel,
        mesh=mesh,
        out_type=(
            jax.ShapeDtypeStruct((V * D,), jnp.float32),
            jax.ShapeDtypeStruct((n_xt, 8, 128), jnp.int32),
        ),
        scratch_types=(
            [pltpu.VMEM((2 * D, W1), jnp.float32) for _ in range(NRING1)]
            + [pltpu.VMEM((PAIR * D,), jnp.float32) for _ in range(NRING1)]
            + [
                pltpu.VMEM((W1 * 65,), jnp.float32),
                pltpu.VMEM((D, VTAIL), jnp.float32),
                pltpu.VMEM((VTAIL * D,), jnp.float32),
                pltpu.VMEM((8, 512), jnp.int32),
                pltpu.VMEM((8, 512), jnp.int32),
            ]
            + [pltpu.SemaphoreType.DMA for _ in range(2 * NRING1 + 2)]
        ),
        compiler_params=pltpu.CompilerParams(needs_layout_passes=False),
    )
    def k1(tbl_hbm, x_hbm, tflat_hbm, idx_hbm, *bufs):
        sb = bufs[:NRING1]
        db = bufs[NRING1:2 * NRING1]
        scr, st_v, dt_v, xa, xb = bufs[2 * NRING1:2 * NRING1 + 5]
        si = bufs[2 * NRING1 + 5:3 * NRING1 + 5]
        so = bufs[3 * NRING1 + 5:4 * NRING1 + 5]
        xsem, wsem = bufs[4 * NRING1 + 5:]

        wid = lax.axis_index("s") * info.num_cores + lax.axis_index("c")

        nb = NPAIR // nw + jnp.where(wid < NPAIR % nw, 1, 0)

        def pair_of(i):
            return wid + i * nw

        def start_in(i, r):
            v0 = pair_of(i) * PAIR
            for h in range(2):
                pltpu.async_copy(
                    tbl_hbm.at[:, pl.ds(v0 + h * W1, W1)],
                    sb[r].at[pl.ds(h * D, D)], si[r])

        def wait_in(r):
            for h in range(2):
                pltpu.make_async_copy(
                    tbl_hbm.at[:, pl.ds(0, W1)],
                    sb[r].at[pl.ds(h * D, D)], si[r]).wait()

        def start_out(i, r):
            pltpu.async_copy(
                db[r], tflat_hbm.at[pl.ds(pair_of(i) * PAIR * D, PAIR * D)],
                so[r])

        def wait_out(r):
            pltpu.make_async_copy(
                db[r], tflat_hbm.at[pl.ds(0, PAIR * D)], so[r]).wait()

        for r in range(NRING1):
            @pl.when(nb > r)
            def _(r=r):
                start_in(r, r)

        n_x = n_sup // nw + jnp.where(wid < n_sup % nw, 1, 0)

        def sup_of(t):
            return wid + t * nw

        def x_read(t, buf):
            sup = sup_of(t)
            st = sup // (NBT // 4)
            bc4 = sup % (NBT // 4)
            pltpu.async_copy(
                x_hbm.at[pl.ds(st * 8, 8), pl.ds(bc4 * 512, 512)], buf, xsem)

        def x_step(t, buf):
            pltpu.make_async_copy(
                x_hbm.at[pl.ds(0, 8), pl.ds(0, 512)], buf, xsem).wait()
            tile0 = sup_of(t) * 4
            for k in range(4):
                pltpu.async_copy(
                    buf.at[:, pl.ds(k * 128, 128)],
                    idx_hbm.at[tile0 + k], wsem).wait()

            @pl.when(t + 2 < n_x)
            def _():
                x_read(t + 2, buf)

        x_read(0, xa)

        @pl.when(n_x > 1)
        def _():
            x_read(1, xb)

        def x_loop(t, carry):
            @pl.when(t < n_x)
            def _():
                @pl.when(t % 2 == 0)
                def _():
                    x_step(t, xa)

                @pl.when(t % 2 == 1)
                def _():
                    x_step(t, xb)

            return carry

        lax.fori_loop(0, n_sup // nw + 1, x_loop, 0)

        iota = _iota16()
        cbase = tuple((c * 16 + iota) * 65 for c in range(W1 // 16))

        def transpose(sbuf, row0, dbuf, dst0, width):
            def p1(f, fv):
                vals = [sbuf[row0 + f, pl.ds(c * 16, 16)] * SCALE
                        for c in range(width // 16)]
                for c in range(width // 16):
                    plsc.store_scatter(scr, [cbase[c] + fv], vals[c])
                return fv + 1

            lax.fori_loop(0, D, p1, jnp.zeros((16,), jnp.int32), unroll=2)

            def p2(vl, carry):
                src_off = vl * 65
                dst_off = dst0 + vl * D
                for fc in range(D // 16):
                    dbuf[pl.ds(dst_off + fc * 16, 16)] = (
                        scr[pl.ds(src_off + fc * 16, 16)])
                return carry

            lax.fori_loop(0, width, p2, 0, unroll=4)

        def stage_step(i, r):
            wait_in(r)

            @pl.when(i >= NRING1)
            def _():
                wait_out(r)

            for h in range(2):
                transpose(sb[r], h * D, db[r], h * W1 * D, W1)
            start_out(i, r)

            @pl.when(i + NRING1 < nb)
            def _():
                start_in(i + NRING1, r)

        def loop_body(i, carry):
            @pl.when(i < nb)
            def _():
                for r in range(NRING1):
                    @pl.when(i % NRING1 == r)
                    def _(r=r):
                        stage_step(i, r)

            return carry

        lax.fori_loop(0, NPAIR // nw + 1, loop_body, 0)

        for r in range(NRING1):
            wait_out(r)

        @pl.when(wid == 2)
        def _():
            v0 = NPAIR * PAIR
            pltpu.async_copy(
                tbl_hbm.at[:, pl.ds(v0, VTAIL)], st_v, si[0]).wait()
            transpose(st_v, 0, dt_v, 0, VTAIL)
            pltpu.async_copy(
                dt_v, tflat_hbm.at[pl.ds(v0 * D, VTAIL * D)], si[0]).wait()

    return k1(tbl_t, x_t)


@jax.jit
def _stage2(tbl_lin, idx2d):
    info = plsc.get_sparse_core_info()
    nw = info.num_cores * info.num_subcores
    mesh = plsc.VectorSubcoreMesh(core_axis_name="c", subcore_axis_name="s")
    n_unit = NST * NBT * 4
    per_w = n_unit // nw

    @functools.partial(
        pl.kernel,
        mesh=mesh,
        out_type=jax.ShapeDtypeStruct((S, 8, NBT, 1024), jnp.float32),
        scratch_types=(
            [pltpu.VMEM((2, 128), jnp.int32) for _ in range(NRING2)]
            + [pltpu.VMEM((256, D), jnp.float32) for _ in range(NRING2)]
            + [pltpu.VMEM((8, 1, 1024), jnp.float32) for _ in range(2)]
            + [pltpu.VMEM((D * 129,), jnp.float32)]
            + [pltpu.SemaphoreType.DMA for _ in range(2 * NRING2 + 2)]
        ),
        compiler_params=pltpu.CompilerParams(
            use_tc_tiling_on_sc=False, needs_layout_passes=False),
    )
    def k2(tbl_hbm, idx_hbm, out_hbm, *bufs):
        ib = bufs[:NRING2]
        rb = bufs[NRING2:2 * NRING2]
        t0, t1 = bufs[2 * NRING2:2 * NRING2 + 2]
        scr = bufs[2 * NRING2 + 2]
        gi = bufs[2 * NRING2 + 3:3 * NRING2 + 3]
        gs = bufs[3 * NRING2 + 3:4 * NRING2 + 3]
        os0, os1 = bufs[4 * NRING2 + 3:]

        wid = lax.axis_index("s") * info.num_cores + lax.axis_index("c")

        def hu_of(j):
            return wid + j * nw

        def start_idx(j, r):
            pltpu.async_copy(idx_hbm.at[pl.ds(hu_of(j) * 2, 2)], ib[r],
                             gi[r])

        def wait_idx(r):
            pltpu.make_async_copy(
                idx_hbm.at[pl.ds(0, 2)], ib[r], gi[r]).wait()

        def start_gathers(r):
            for q in range(2):
                pltpu.async_copy(
                    tbl_hbm.at[ib[r].at[q]],
                    rb[r].at[pl.ds(q * 128, 128)], gs[r])

        def drain_gathers(r):
            for q in range(2):
                pltpu.make_async_copy(
                    tbl_hbm.at[ib[r].at[q]],
                    rb[r].at[pl.ds(q * 128, 128)], gs[r]).wait()

        def wait_out(tbuf, sem):
            pltpu.make_async_copy(
                tbuf, out_hbm.at[0, pl.ds(0, 8), pl.ds(0, 1)], sem).wait()

        iota = _iota16()
        fbase = tuple((fc * 16 + iota) * 129 for fc in range(D // 16))

        def write_block(j, rbuf, sub_l, tbuf, sem):
            hu = hu_of(j)
            g = hu // 4
            st = g // NBT
            bc = g % NBT
            s = st * 8 + (hu % 4) * 2 + sub_l
            row0 = sub_l * 128

            def p1(l, lv):
                vals = [rbuf[row0 + l, pl.ds(fc * 16, 16)]
                        for fc in range(D // 16)]
                for fc in range(D // 16):
                    plsc.store_scatter(scr, [fbase[fc] + lv], vals[fc])
                return lv + 1

            lax.fori_loop(0, 128, p1, jnp.zeros((16,), jnp.int32),
                          unroll=2)

            def p2(ft, carry):
                def p2i(sub2, c2):
                    src0 = (ft * 8 + sub2) * 129
                    dst0 = sub2 * 128
                    for lc in range(8):
                        tbuf[ft, 0, pl.ds(dst0 + lc * 16, 16)] = (
                            scr[pl.ds(src0 + lc * 16, 16)])
                    return c2

                lax.fori_loop(0, 8, p2i, 0)
                return carry

            lax.fori_loop(0, 8, p2, 0)
            pltpu.async_copy(
                tbuf, out_hbm.at[s, pl.ds(0, 8), pl.ds(bc, 1)], sem)

        def step(j, r):
            r3 = (r + 3) % NRING2
            drain_gathers(r)

            @pl.when(j + 3 < per_w)
            def _():
                wait_idx(r3)
                start_gathers(r3)

            @pl.when(j + 4 < per_w)
            def _():
                start_idx(j + 4, r)

            for sub_l in range(2):
                tb, osem = (t0, os0) if sub_l == 0 else (t1, os1)

                @pl.when(j > 0)
                def _():
                    wait_out(tb, osem)

                write_block(j, rb[r], sub_l, tb, osem)

        for r in range(NRING2):
            @pl.when(per_w > r)
            def _(r=r):
                start_idx(r, r)

        for r in range(3):
            @pl.when(per_w > r)
            def _(r=r):
                wait_idx(r)
                start_gathers(r)

        def loop_body(j, carry):
            for r in range(NRING2):
                @pl.when(j % NRING2 == r)
                def _(r=r):
                    step(j, r)

            return carry

        lax.fori_loop(0, per_w, loop_body, 0)

        wait_out(t0, os0)
        wait_out(t1, os1)

    return k2(tbl_lin, idx2d)


def kernel(x, table):
    x = x.astype(jnp.int32)
    tbl_t = table.T
    x_t = x.T
    tbl_flat, idx4 = _stage1(tbl_t, x_t)
    tbl_lin = tbl_flat.reshape(V, D)
    idx2d = idx4.reshape(NST * NBT * 8, 128)
    out4 = _stage2(tbl_lin, idx2d)
    out5 = out4.reshape(S, 8, NBT, 8, 128)
    return out5.transpose(2, 4, 0, 1, 3).reshape(B, S, D)

# --- scband reference (transcript-rebuilt; emitter-appended) ---
"""Pipeline reference for scband-input-embedding-4174708212377 (READ-ONLY COPY).

The authoritative reference and input builder live on the scoring server;
editing this copy changes nothing except your own understanding.
"""

import jax, jax.numpy as jnp
import numpy as np
import math

VOCAB_SIZE = 1000000
D_MODEL = 64

def setup_inputs(seed: int = 0) -> dict:
    key = jax.random.key(seed)
    k_idx, k_tab = jax.random.split(key)
    x = jax.random.randint(k_idx, (4096, 200), 0, VOCAB_SIZE, dtype=jnp.int64 if jax.config.jax_enable_x64 else jnp.int32)
    table = jax.random.normal(k_tab, (VOCAB_SIZE, D_MODEL), dtype=jnp.float32)
    return {"x": x, "table": table}

def reference(x, table):
    # nn.Embedding lookup followed by scaling by sqrt(d_model)
    emb = jnp.take(table, x, axis=0)
    return emb * math.sqrt(D_MODEL)

if __name__ == "__main__":
    import jax
    _d = setup_inputs()
    print(jax.jit(kernel)(*tuple(_d.values())))

</pallas_src>

<mosaic_0001>
#map = affine_map<(d0, d1) -> (0, 0)>
#map1 = affine_map<(d0, d1) -> (0)>
#map2 = affine_map<(d0, d1) -> (0, 0, 0)>
module attributes {stable_mosaic.version = 14 : i64} {
  func.func @k1(%arg0: i32, %arg1: i32, %arg2: memref<64x1000000xf32, #tpu.memory_space<hbm>>, %arg3: memref<200x4096xi32, #tpu.memory_space<hbm>>, %arg4: memref<64000000xf32, #tpu.memory_space<hbm>>, %arg5: memref<800x8x128xi32, #tpu.memory_space<hbm>>, %arg6: memref<128x128xf32, #tpu.memory_space<vmem>>, %arg7: memref<128x128xf32, #tpu.memory_space<vmem>>, %arg8: memref<16384xf32, #tpu.memory_space<vmem>>, %arg9: memref<16384xf32, #tpu.memory_space<vmem>>, %arg10: memref<8320xf32, #tpu.memory_space<vmem>>, %arg11: memref<64x64xf32, #tpu.memory_space<vmem>>, %arg12: memref<4096xf32, #tpu.memory_space<vmem>>, %arg13: memref<8x512xi32, #tpu.memory_space<vmem>>, %arg14: memref<8x512xi32, #tpu.memory_space<vmem>>, %arg15: memref<!tpu.dma_semaphore, #tpu.memory_space<semaphore_mem>>, %arg16: memref<!tpu.dma_semaphore, #tpu.memory_space<semaphore_mem>>, %arg17: memref<!tpu.dma_semaphore, #tpu.memory_space<semaphore_mem>>, %arg18: memref<!tpu.dma_semaphore, #tpu.memory_space<semaphore_mem>>, %arg19: memref<!tpu.dma_semaphore, #tpu.memory_space<semaphore_mem>>, %arg20: memref<!tpu.dma_semaphore, #tpu.memory_space<semaphore_mem>>) attributes {dimension_semantics = [#tpu.dimension_semantics<core_parallel>, #tpu.dimension_semantics<subcore_parallel>], iteration_bounds = array<i64: 2, 16>, scalar_prefetch = 0 : i64, scratch_operands = 15 : i64, tpu.core_type = #tpu.core_type<sc_vector_subcore>, window_params = [{transform_indices = #map}, {transform_indices = #map}, {transform_indices = #map1}, {transform_indices = #map2}]} {
    %mul3A = arith.constant 2 : i32
    %mul3A_0 = arith.muli %arg1, %mul3A : i32
    %add3A = arith.addi %mul3A_0, %arg0 : i32
    %lt3A = arith.constant 2 : i32
    %lt3A_1 = arith.cmpi slt, %add3A, %lt3A : i32
    %jit3A = arith.constant 1 : i32
    %jit3A_2 = arith.constant 0 : i32
    %select_n3A = arith.select %lt3A_1, %jit3A, %jit3A_2 : i32
    %add3A_3 = arith.constant 122 : i32
    %add3A_4 = arith.addi %add3A_3, %select_n3A : i32
    %gt3A = arith.constant 0 : i32
    %gt3A_5 = arith.cmpi sgt, %add3A_4, %gt3A : i32
    %convert_element_type3A = arith.extui %gt3A_5 : i1 to i32
    %cond3A = arith.constant 0 : i32
    %cond3A_6 = arith.cmpi ne, %convert_element_type3A, %cond3A : i32
    scf.if %cond3A_6 {
      %add3A_135 = arith.constant 0 : i32
      %add3A_136 = arith.addi %add3A, %add3A_135 : i32
      %mul3A_137 = arith.constant 256 : i32
      %mul3A_138 = arith.muli %add3A_136, %mul3A_137 : i32
      %add3A_139 = arith.constant 0 : i32
      %add3A_140 = arith.addi %mul3A_138, %add3A_139 : i32
      %dma_start3A_141 = arith.constant 0 : i32
      %dma_start3A_142 = arith.constant 0 : i32
      %dma_start3A_143 = tpu.memref_slice %arg6[%dma_start3A_141, %dma_start3A_142] : memref<128x128xf32, #tpu.memory_space<vmem>> -> memref<64x128xf32, #tpu.memory_space<vmem>>
      %dma_start3A_144 = arith.constant 0 : i32
      %dma_start3A_145 = tpu.memref_slice %arg2[%dma_start3A_144, %add3A_140] : memref<64x1000000xf32, #tpu.memory_space<hbm>> -> memref<64x128xf32, #tpu.memory_space<hbm>>
      %dma_start3A_146 = arith.constant 0 : i32
      %dma_start3A_147 = arith.constant 0 : i32
      %dma_start3A_148 = tpu.memref_slice %arg6[%dma_start3A_146, %dma_start3A_147] : memref<128x128xf32, #tpu.memory_space<vmem>> -> memref<64x128xf32, #tpu.memory_space<vmem>>
      %dma_start3A_149 = arith.constant 0 : i32
      %dma_start3A_150 = tpu.memref_slice %arg2[%dma_start3A_149, %add3A_140] : memref<64x1000000xf32, #tpu.memory_space<hbm>> -> memref<64x128xf32, #tpu.memory_space<hbm>>
      tpu.enqueue_dma source(%dma_start3A_150 : memref<64x128xf32, #tpu.memory_space<hbm>>) target(%dma_start3A_148 : memref<64x128xf32, #tpu.memory_space<vmem>>) target_semaphore(%arg15 : memref<!tpu.dma_semaphore, #tpu.memory_space<semaphore_mem>>)
      %add3A_151 = arith.constant 128 : i32
      %add3A_152 = arith.addi %mul3A_138, %add3A_151 : i32
      %dma_start3A_153 = arith.constant 64 : i32
      %dma_start3A_154 = arith.constant 0 : i32
      %dma_start3A_155 = tpu.memref_slice %arg6[%dma_start3A_153, %dma_start3A_154] : memref<128x128xf32, #tpu.memory_space<vmem>> -> memref<64x128xf32, #tpu.memory_space<vmem>>
      %dma_start3A_156 = arith.constant 0 : i32
      %dma_start3A_157 = tpu.memref_slice %arg2[%dma_start3A_156, %add3A_152] : memref<64x1000000xf32, #tpu.memory_space<hbm>> -> memref<64x128xf32, #tpu.memory_space<hbm>>
      %dma_start3A_158 = arith.constant 64 : i32
      %dma_start3A_159 = arith.constant 0 : i32
      %dma_start3A_160 = tpu.memref_slice %arg6[%dma_start3A_158, %dma_start3A_159] : memref<128x128xf32, #tpu.memory_space<vmem>> -> memref<64x128xf32, #tpu.memory_space<vmem>>
      %dma_start3A_161 = arith.constant 0 : i32
      %dma_start3A_162 = tpu.memref_slice %arg2[%dma_start3A_161, %add3A_152] : memref<64x1000000xf32, #tpu.memory_space<hbm>> -> memref<64x128xf32, #tpu.memory_space<hbm>>
      tpu.enqueue_dma source(%dma_start3A_162 : memref<64x128xf32, #tpu.memory_space<hbm>>) target(%dma_start3A_160 : memref<64x128xf32, #tpu.memory_space<vmem>>) target_semaphore(%arg15 : memref<!tpu.dma_semaphore, #tpu.memory_space<semaphore_mem>>)
    } else {
    }
    %gt3A_7 = arith.constant 1 : i32
    %gt3A_8 = arith.cmpi sgt, %add3A_4, %gt3A_7 : i32
    %convert_element_type3A_9 = arith.extui %gt3A_8 : i1 to i32
    %cond3A_10 = arith.constant 0 : i32
    %cond3A_11 = arith.cmpi ne, %convert_element_type3A_9, %cond3A_10 : i32
    scf.if %cond3A_11 {
      %add3A_135 = arith.constant 32 : i32
      %add3A_136 = arith.addi %add3A, %add3A_135 : i32
      %mul3A_137 = arith.constant 256 : i32
      %mul3A_138 = arith.muli %add3A_136, %mul3A_137 : i32
      %add3A_139 = arith.constant 0 : i32
      %add3A_140 = arith.addi %mul3A_138, %add3A_139 : i32
      %dma_start3A_141 = arith.constant 0 : i32
      %dma_start3A_142 = arith.constant 0 : i32
      %dma_start3A_143 = tpu.memref_slice %arg7[%dma_start3A_141, %dma_start3A_142] : memref<128x128xf32, #tpu.memory_space<vmem>> -> memref<64x128xf32, #tpu.memory_space<vmem>>
      %dma_start3A_144 = arith.constant 0 : i32
      %dma_start3A_145 = tpu.memref_slice %arg2[%dma_start3A_144, %add3A_140] : memref<64x1000000xf32, #tpu.memory_space<hbm>> -> memref<64x128xf32, #tpu.memory_space<hbm>>
      %dma_start3A_146 = arith.constant 0 : i32
      %dma_start3A_147 = arith.constant 0 : i32
      %dma_start3A_148 = tpu.memref_slice %arg7[%dma_start3A_146, %dma_start3A_147] : memref<128x128xf32, #tpu.memory_space<vmem>> -> memref<64x128xf32, #tpu.memory_space<vmem>>
      %dma_start3A_149 = arith.constant 0 : i32
      %dma_start3A_150 = tpu.memref_slice %arg2[%dma_start3A_149, %add3A_140] : memref<64x1000000xf32, #tpu.memory_space<hbm>> -> memref<64x128xf32, #tpu.memory_space<hbm>>
      tpu.enqueue_dma source(%dma_start3A_150 : memref<64x128xf32, #tpu.memory_space<hbm>>) target(%dma_start3A_148 : memref<64x128xf32, #tpu.memory_space<vmem>>) target_semaphore(%arg16 : memref<!tpu.dma_semaphore, #tpu.memory_space<semaphore_mem>>)
      %add3A_151 = arith.constant 128 : i32
      %add3A_152 = arith.addi %mul3A_138, %add3A_151 : i32
      %dma_start3A_153 = arith.constant 64 : i32
      %dma_start3A_154 = arith.constant 0 : i32
      %dma_start3A_155 = tpu.memref_slice %arg7[%dma_start3A_153, %dma_start3A_154] : memref<128x128xf32, #tpu.memory_space<vmem>> -> memref<64x128xf32, #tpu.memory_space<vmem>>
      %dma_start3A_156 = arith.constant 0 : i32
      %dma_start3A_157 = tpu.memref_slice %arg2[%dma_start3A_156, %add3A_152] : memref<64x1000000xf32, #tpu.memory_space<hbm>> -> memref<64x128xf32, #tpu.memory_space<hbm>>
      %dma_start3A_158 = arith.constant 64 : i32
      %dma_start3A_159 = arith.constant 0 : i32
      %dma_start3A_160 = tpu.memref_slice %arg7[%dma_start3A_158, %dma_start3A_159] : memref<128x128xf32, #tpu.memory_space<vmem>> -> memref<64x128xf32, #tpu.memory_space<vmem>>
      %dma_start3A_161 = arith.constant 0 : i32
      %dma_start3A_162 = tpu.memref_slice %arg2[%dma_start3A_161, %add3A_152] : memref<64x1000000xf32, #tpu.memory_space<hbm>> -> memref<64x128xf32, #tpu.memory_space<hbm>>
      tpu.enqueue_dma source(%dma_start3A_162 : memref<64x128xf32, #tpu.memory_space<hbm>>) target(%dma_start3A_160 : memref<64x128xf32, #tpu.memory_space<vmem>>) target_semaphore(%arg16 : memref<!tpu.dma_semaphore, #tpu.memory_space<semaphore_mem>>)
    } else {
    }
    %lt3A_12 = arith.constant 8 : i32
    %lt3A_13 = arith.cmpi slt, %add3A, %lt3A_12 : i32
    %jit3A_14 = arith.constant 1 : i32
    %jit3A_15 = arith.constant 0 : i32
    %select_n3A_16 = arith.select %lt3A_13, %jit3A_14, %jit3A_15 : i32
    %add3A_17 = arith.constant 6 : i32
    %add3A_18 = arith.addi %add3A_17, %select_n3A_16 : i32
    %add3A_19 = arith.constant 0 : i32
    %add3A_20 = arith.addi %add3A, %add3A_19 : i32
    %jit3A_21 = arith.constant 8 : i32
    %div3A = arith.divsi %add3A_20, %jit3A_21 : i32
    %sign3A = arith.constant 0 : i32
    %sign3A_22 = arith.cmpi sgt, %add3A_20, %sign3A : i32
    %sign3A_23 = arith.extui %sign3A_22 : i1 to i32
    %sign3A_24 = arith.constant 0 : i32
    %sign3A_25 = arith.cmpi slt, %add3A_20, %sign3A_24 : i32
    %sign3A_26 = arith.extui %sign3A_25 : i1 to i32
    %sign3A_27 = arith.subi %sign3A_23, %sign3A_26 : i32
    %sign3A_28 = arith.constant 0 : i32
    %sign3A_29 = arith.cmpi sgt, %jit3A_21, %sign3A_28 : i32
    %sign3A_30 = arith.extui %sign3A_29 : i1 to i32
    %sign3A_31 = arith.constant 0 : i32
    %sign3A_32 = arith.cmpi slt, %jit3A_21, %sign3A_31 : i32
    %sign3A_33 = arith.extui %sign3A_32 : i1 to i32
    %sign3A_34 = arith.subi %sign3A_30, %sign3A_33 : i32
    %ne3A = arith.cmpi ne, %sign3A_27, %sign3A_34 : i32
    %rem3A = arith.remsi %add3A_20, %jit3A_21 : i32
    %ne3A_35 = arith.constant 0 : i32
    %ne3A_36 = arith.cmpi ne, %rem3A, %ne3A_35 : i32
    %and3A = arith.andi %ne3A, %ne3A_36 : i1
    %sub3A = arith.constant 1 : i32
    %sub3A_37 = arith.subi %div3A, %sub3A : i32
    %select_n3A_38 = arith.select %and3A, %sub3A_37, %div3A : i32
    %jit3A_39 = arith.constant 8 : i32
    %eq3A = arith.constant 0 : i32
    %eq3A_40 = arith.cmpi eq, %jit3A_39, %eq3A : i32
    %jit3A_41 = arith.constant 1 : i32
    %select_n3A_42 = arith.select %eq3A_40, %jit3A_41, %jit3A_39 : i32
    %rem3A_43 = arith.remsi %add3A_20, %select_n3A_42 : i32
    %ne3A_44 = arith.constant 0 : i32
    %ne3A_45 = arith.cmpi ne, %rem3A_43, %ne3A_44 : i32
    %lt3A_46 = arith.constant 0 : i32
    %lt3A_47 = arith.cmpi slt, %rem3A_43, %lt3A_46 : i32
    %lt3A_48 = arith.constant 0 : i32
    %lt3A_49 = arith.cmpi slt, %select_n3A_42, %lt3A_48 : i32
    %ne3A_50 = arith.xori %lt3A_47, %lt3A_49 : i1
    %and3A_51 = arith.andi %ne3A_50, %ne3A_45 : i1
    %add3A_52 = arith.addi %rem3A_43, %select_n3A_42 : i32
    %select_n3A_53 = arith.select %and3A_51, %add3A_52, %rem3A_43 : i32
    %mul3A_54 = arith.constant 8 : i32
    %mul3A_55 = arith.muli %select_n3A_38, %mul3A_54 : i32
    %mul3A_56 = arith.constant 512 : i32
    %mul3A_57 = arith.muli %select_n3A_53, %mul3A_56 : i32
    %dma_start3A = tpu.memref_slice %arg3[%mul3A_55, %mul3A_57] : memref<200x4096xi32, #tpu.memory_space<hbm>> -> memref<8x512xi32, #tpu.memory_space<hbm>>
    %dma_start3A_58 = tpu.memref_slice %arg3[%mul3A_55, %mul3A_57] : memref<200x4096xi32, #tpu.memory_space<hbm>> -> memref<8x512xi32, #tpu.memory_space<hbm>>
    tpu.enqueue_dma source(%dma_start3A_58 : memref<8x512xi32, #tpu.memory_space<hbm>>) target(%arg13 : memref<8x512xi32, #tpu.memory_space<vmem>>) target_semaphore(%arg19 : memref<!tpu.dma_semaphore, #tpu.memory_space<semaphore_mem>>)
    %gt3A_59 = arith.constant 1 : i32
    %gt3A_60 = arith.cmpi sgt, %add3A_18, %gt3A_59 : i32
    %convert_element_type3A_61 = arith.extui %gt3A_60 : i1 to i32
    %cond3A_62 = arith.constant 0 : i32
    %cond3A_63 = arith.cmpi ne, %convert_element_type3A_61, %cond3A_62 : i32
    scf.if %cond3A_63 {
      %add3A_135 = arith.constant 32 : i32
      %add3A_136 = arith.addi %add3A, %add3A_135 : i32
      %jit3A_137 = arith.constant 8 : i32
      %div3A_138 = arith.divsi %add3A_136, %jit3A_137 : i32
      %sign3A_139 = arith.constant 0 : i32
      %sign3A_140 = arith.cmpi sgt, %add3A_136, %sign3A_139 : i32
      %sign3A_141 = arith.extui %sign3A_140 : i1 to i32
      %sign3A_142 = arith.constant 0 : i32
      %sign3A_143 = arith.cmpi slt, %add3A_136, %sign3A_142 : i32
      %sign3A_144 = arith.extui %sign3A_143 : i1 to i32
      %sign3A_145 = arith.subi %sign3A_141, %sign3A_144 : i32
      %sign3A_146 = arith.constant 0 : i32
      %sign3A_147 = arith.cmpi sgt, %jit3A_137, %sign3A_146 : i32
      %sign3A_148 = arith.extui %sign3A_147 : i1 to i32
      %sign3A_149 = arith.constant 0 : i32
      %sign3A_150 = arith.cmpi slt, %jit3A_137, %sign3A_149 : i32
      %sign3A_151 = arith.extui %sign3A_150 : i1 to i32
      %sign3A_152 = arith.subi %sign3A_148, %sign3A_151 : i32
      %ne3A_153 = arith.cmpi ne, %sign3A_145, %sign3A_152 : i32
      %rem3A_154 = arith.remsi %add3A_136, %jit3A_137 : i32
      %ne3A_155 = arith.constant 0 : i32
      %ne3A_156 = arith.cmpi ne, %rem3A_154, %ne3A_155 : i32
      %and3A_157 = arith.andi %ne3A_153, %ne3A_156 : i1
      %sub3A_158 = arith.constant 1 : i32
      %sub3A_159 = arith.subi %div3A_138, %sub3A_158 : i32
      %select_n3A_160 = arith.select %and3A_157, %sub3A_159, %div3A_138 : i32
      %jit3A_161 = arith.constant 8 : i32
      %eq3A_162 = arith.constant 0 : i32
      %eq3A_163 = arith.cmpi eq, %jit3A_161, %eq3A_162 : i32
      %jit3A_164 = arith.constant 1 : i32
      %select_n3A_165 = arith.select %eq3A_163, %jit3A_164, %jit3A_161 : i32
      %rem3A_166 = arith.remsi %add3A_136, %select_n3A_165 : i32
      %ne3A_167 = arith.constant 0 : i32
      %ne3A_168 = arith.cmpi ne, %rem3A_166, %ne3A_167 : i32
      %lt3A_169 = arith.constant 0 : i32
      %lt3A_170 = arith.cmpi slt, %rem3A_166, %lt3A_169 : i32
      %lt3A_171 = arith.constant 0 : i32
      %lt3A_172 = arith.cmpi slt, %select_n3A_165, %lt3A_171 : i32
      %ne3A_173 = arith.xori %lt3A_170, %lt3A_172 : i1
      %and3A_174 = arith.andi %ne3A_173, %ne3A_168 : i1
      %add3A_175 = arith.addi %rem3A_166, %select_n3A_165 : i32
      %select_n3A_176 = arith.select %and3A_174, %add3A_175, %rem3A_166 : i32
      %mul3A_177 = arith.constant 8 : i32
      %mul3A_178 = arith.muli %select_n3A_160, %mul3A_177 : i32
      %mul3A_179 = arith.constant 512 : i32
      %mul3A_180 = arith.muli %select_n3A_176, %mul3A_179 : i32
      %dma_start3A_181 = tpu.memref_slice %arg3[%mul3A_178, %mul3A_180] : memref<200x4096xi32, #tpu.memory_space<hbm>> -> memref<8x512xi32, #tpu.memory_space<hbm>>
      %dma_start3A_182 = tpu.memref_slice %arg3[%mul3A_178, %mul3A_180] : memref<200x4096xi32, #tpu.memory_space<hbm>> -> memref<8x512xi32, #tpu.memory_space<hbm>>
      tpu.enqueue_dma source(%dma_start3A_182 : memref<8x512xi32, #tpu.memory_space<hbm>>) target(%arg14 : memref<8x512xi32, #tpu.memory_space<vmem>>) target_semaphore(%arg19 : memref<!tpu.dma_semaphore, #tpu.memory_space<semaphore_mem>>)
    } else {
    }
    %scan3A = arith.constant 0 : i32
    %scan3A_64 = arith.constant 0 : i32
    %scan3A_65 = arith.constant 7 : i32
    %scan3A_66 = arith.addi %scan3A_64, %scan3A_65 : i32
    %scan3A_67 = arith.constant 1 : i32
    scf.for %scan3A_135 = %scan3A_64 to %scan3A_66 step %scan3A_67  : i32 {
      %lt3A_136 = arith.cmpi slt, %scan3A_135, %add3A_18 : i32
      %convert_element_type3A_137 = arith.extui %lt3A_136 : i1 to i32
      %cond3A_138 = arith.constant 0 : i32
      %cond3A_139 = arith.cmpi ne, %convert_element_type3A_137, %cond3A_138 : i32
      scf.if %cond3A_139 {
        %jit3A_140 = arith.constant 2 : i32
        %eq3A_141 = arith.constant 0 : i32
        %eq3A_142 = arith.cmpi eq, %jit3A_140, %eq3A_141 : i32
        %jit3A_143 = arith.constant 1 : i32
        %select_n3A_144 = arith.select %eq3A_142, %jit3A_143, %jit3A_140 : i32
        %rem3A_145 = arith.remsi %scan3A_135, %select_n3A_144 : i32
        %ne3A_146 = arith.constant 0 : i32
        %ne3A_147 = arith.cmpi ne, %rem3A_145, %ne3A_146 : i32
        %lt3A_148 = arith.constant 0 : i32
        %lt3A_149 = arith.cmpi slt, %rem3A_145, %lt3A_148 : i32
        %lt3A_150 = arith.constant 0 : i32
        %lt3A_151 = arith.cmpi slt, %select_n3A_144, %lt3A_150 : i32
        %ne3A_152 = arith.xori %lt3A_149, %lt3A_151 : i1
        %and3A_153 = arith.andi %ne3A_152, %ne3A_147 : i1
        %add3A_154 = arith.addi %rem3A_145, %select_n3A_144 : i32
        %select_n3A_155 = arith.select %and3A_153, %add3A_154, %rem3A_145 : i32
        %eq3A_156 = arith.constant 0 : i32
        %eq3A_157 = arith.cmpi eq, %select_n3A_155, %eq3A_156 : i32
        %convert_element_type3A_158 = arith.extui %eq3A_157 : i1 to i32
        %cond3A_159 = arith.constant 0 : i32
        %cond3A_160 = arith.cmpi ne, %convert_element_type3A_158, %cond3A_159 : i32
        scf.if %cond3A_160 {
          %dma_wait3A_182 = arith.constant 0 : i32
          %dma_wait3A_183 = arith.constant 0 : i32
          %dma_wait3A_184 = tpu.memref_slice %arg3[%dma_wait3A_182, %dma_wait3A_183] : memref<200x4096xi32, #tpu.memory_space<hbm>> -> memref<8x512xi32, #tpu.memory_space<hbm>>
          %dma_wait3A_185 = arith.constant 0 : i32
          %dma_wait3A_186 = arith.constant 0 : i32
          %dma_wait3A_187 = tpu.memref_slice %arg3[%dma_wait3A_185, %dma_wait3A_186] : memref<200x4096xi32, #tpu.memory_space<hbm>> -> memref<8x512xi32, #tpu.memory_space<hbm>>
          tpu.wait_dma2 semaphore(%arg19 : memref<!tpu.dma_semaphore, #tpu.memory_space<semaphore_mem>>) src(%dma_wait3A_187 : memref<8x512xi32, #tpu.memory_space<hbm>>) dst(%arg13 : memref<8x512xi32, #tpu.memory_space<vmem>>)
          %mul3A_188 = arith.constant 32 : i32
          %mul3A_189 = arith.muli %scan3A_135, %mul3A_188 : i32
          %add3A_190 = arith.addi %add3A, %mul3A_189 : i32
          %mul3A_191 = arith.constant 4 : i32
          %mul3A_192 = arith.muli %add3A_190, %mul3A_191 : i32
          %add3A_193 = arith.constant 0 : i32
          %add3A_194 = arith.addi %mul3A_192, %add3A_193 : i32
          %dma_start3A_195 = arith.constant 0 : i32
          %dma_start3A_196 = arith.constant 0 : i32
          %dma_start3A_197 = tpu.memref_slice %arg13[%dma_start3A_195, %dma_start3A_196] : memref<8x512xi32, #tpu.memory_space<vmem>> -> memref<8x128xi32, #tpu.memory_space<vmem>>
          %dma_start3A_198 = arith.constant 0 : i32
          %dma_start3A_199 = arith.constant 0 : i32
          %dma_start3A_200 = tpu.memref_slice %arg5[%add3A_194, %dma_start3A_198, %dma_start3A_199] : memref<800x8x128xi32, #tpu.memory_space<hbm>> -> memref<1x8x128xi32, #tpu.memory_space<hbm>>
          %dma_start3A_201 = tpu.memref_squeeze %dma_start3A_200 : memref<1x8x128xi32, #tpu.memory_space<hbm>> -> memref<8x128xi32, #tpu.memory_space<hbm>>
          %dma_start3A_202 = arith.constant 0 : i32
          %dma_start3A_203 = arith.constant 0 : i32
          %dma_start3A_204 = tpu.memref_slice %arg5[%add3A_194, %dma_start3A_202, %dma_start3A_203] : memref<800x8x128xi32, #tpu.memory_space<hbm>> -> memref<1x8x128xi32, #tpu.memory_space<hbm>>
          %dma_start3A_205 = tpu.memref_squeeze %dma_start3A_204 : memref<1x8x128xi32, #tpu.memory_space<hbm>> -> memref<8x128xi32, #tpu.memory_space<hbm>>
          %dma_start3A_206 = arith.constant 0 : i32
          %dma_start3A_207 = arith.constant 0 : i32
          %dma_start3A_208 = tpu.memref_slice %arg13[%dma_start3A_206, %dma_start3A_207] : memref<8x512xi32, #tpu.memory_space<vmem>> -> memref<8x128xi32, #tpu.memory_space<vmem>>
          tpu.enqueue_dma source(%dma_start3A_208 : memref<8x128xi32, #tpu.memory_space<vmem>>) target(%dma_start3A_205 : memref<8x128xi32, #tpu.memory_space<hbm>>) target_semaphore(%arg20 : memref<!tpu.dma_semaphore, #tpu.memory_space<semaphore_mem>>)
          %dma_wait3A_209 = arith.constant 0 : i32
          %dma_wait3A_210 = arith.constant 0 : i32
          %dma_wait3A_211 = tpu.memref_slice %arg13[%dma_wait3A_209, %dma_wait3A_210] : memref<8x512xi32, #tpu.memory_space<vmem>> -> memref<8x128xi32, #tpu.memory_space<vmem>>
          %dma_wait3A_212 = arith.constant 0 : i32
          %dma_wait3A_213 = arith.constant 0 : i32
          %dma_wait3A_214 = tpu.memref_slice %arg5[%add3A_194, %dma_wait3A_212, %dma_wait3A_213] : memref<800x8x128xi32, #tpu.memory_space<hbm>> -> memref<1x8x128xi32, #tpu.memory_space<hbm>>
          %dma_wait3A_215 = tpu.memref_squeeze %dma_wait3A_214 : memref<1x8x128xi32, #tpu.memory_space<hbm>> -> memref<8x128xi32, #tpu.memory_space<hbm>>
          %dma_wait3A_216 = arith.constant 0 : i32
          %dma_wait3A_217 = arith.constant 0 : i32
          %dma_wait3A_218 = tpu.memref_slice %arg5[%add3A_194, %dma_wait3A_216, %dma_wait3A_217] : memref<800x8x128xi32, #tpu.memory_space<hbm>> -> memref<1x8x128xi32, #tpu.memory_space<hbm>>
          %dma_wait3A_219 = tpu.memref_squeeze %dma_wait3A_218 : memref<1x8x128xi32, #tpu.memory_space<hbm>> -> memref<8x128xi32, #tpu.memory_space<hbm>>
          %dma_wait3A_220 = arith.constant 0 : i32
          %dma_wait3A_221 = arith.constant 0 : i32
          %dma_wait3A_222 = tpu.memref_slice %arg13[%dma_wait3A_220, %dma_wait3A_221] : memref<8x512xi32, #tpu.memory_space<vmem>> -> memref<8x128xi32, #tpu.memory_space<vmem>>
          tpu.wait_dma2 semaphore(%arg20 : memref<!tpu.dma_semaphore, #tpu.memory_space<semaphore_mem>>) src(%dma_wait3A_222 : memref<8x128xi32, #tpu.memory_space<vmem>>) dst(%dma_wait3A_219 : memref<8x128xi32, #tpu.memory_space<hbm>>)
          %add3A_223 = arith.constant 1 : i32
          %add3A_224 = arith.addi %mul3A_192, %add3A_223 : i32
          %dma_start3A_225 = arith.constant 0 : i32
          %dma_start3A_226 = arith.constant 128 : i32
          %dma_start3A_227 = tpu.memref_slice %arg13[%dma_start3A_225, %dma_start3A_226] : memref<8x512xi32, #tpu.memory_space<vmem>> -> memref<8x128xi32, #tpu.memory_space<vmem>>
          %dma_start3A_228 = arith.constant 0 : i32
          %dma_start3A_229 = arith.constant 0 : i32
          %dma_start3A_230 = tpu.memref_slice %arg5[%add3A_224, %dma_start3A_228, %dma_start3A_229] : memref<800x8x128xi32, #tpu.memory_space<hbm>> -> memref<1x8x128xi32, #tpu.memory_space<hbm>>
          %dma_start3A_231 = tpu.memref_squeeze %dma_start3A_230 : memref<1x8x128xi32, #tpu.memory_space<hbm>> -> memref<8x128xi32, #tpu.memory_space<hbm>>
          %dma_start3A_232 = arith.constant 0 : i32
          %dma_start3A_233 = arith.constant 0 : i32
          %dma_start3A_234 = tpu.memref_slice %arg5[%add3A_224, %dma_start3A_232, %dma_start3A_233] : memref<800x8x128xi32, #tpu.memory_space<hbm>> -> memref<1x8x128xi32, #tpu.memory_space<hbm>>
          %dma_start3A_235 = tpu.memref_squeeze %dma_start3A_234 : memref<1x8x128xi32, #tpu.memory_space<hbm>> -> memref<8x128xi32, #tpu.memory_space<hbm>>
          %dma_start3A_236 = arith.constant 0 : i32
          %dma_start3A_237 = arith.constant 128 : i32
          %dma_start3A_238 = tpu.memref_slice %arg13[%dma_start3A_236, %dma_start3A_237] : memref<8x512xi32, #tpu.memory_space<vmem>> -> memref<8x128xi32, #tpu.memory_space<vmem>>
          tpu.enqueue_dma source(%dma_start3A_238 : memref<8x128xi32, #tpu.memory_space<vmem>>) target(%dma_start3A_235 : memref<8x128xi32, #tpu.memory_space<hbm>>) target_semaphore(%arg20 : memref<!tpu.dma_semaphore, #tpu.memory_space<semaphore_mem>>)
          %dma_wait3A_239 = arith.constant 0 : i32
          %dma_wait3A_240 = arith.constant 128 : i32
          %dma_wait3A_241 = tpu.memref_slice %arg13[%dma_wait3A_239, %dma_wait3A_240] : memref<8x512xi32, #tpu.memory_space<vmem>> -> memref<8x128xi32, #tpu.memory_space<vmem>>
          %dma_wait3A_242 = arith.constant 0 : i32
          %dma_wait3A_243 = arith.constant 0 : i32
          %dma_wait3A_244 = tpu.memref_slice %arg5[%add3A_224, %dma_wait3A_242, %dma_wait3A_243] : memref<800x8x128xi32, #tpu.memory_space<hbm>> -> memref<1x8x128xi32, #tpu.memory_space<hbm>>
          %dma_wait3A_245 = tpu.memref_squeeze %dma_wait3A_244 : memref<1x8x128xi32, #tpu.memory_space<hbm>> -> memref<8x128xi32, #tpu.memory_space<hbm>>
          %dma_wait3A_246 = arith.constant 0 : i32
          %dma_wait3A_247 = arith.constant 0 : i32
          %dma_wait3A_248 = tpu.memref_slice %arg5[%add3A_224, %dma_wait3A_246, %dma_wait3A_247] : memref<800x8x128xi32, #tpu.memory_space<hbm>> -> memref<1x8x128xi32, #tpu.memory_space<hbm>>
          %dma_wait3A_249 = tpu.memref_squeeze %dma_wait3A_248 : memref<1x8x128xi32, #tpu.memory_space<hbm>> -> memref<8x128xi32, #tpu.memory_space<hbm>>
          %dma_wait3A_250 = arith.constant 0 : i32
          %dma_wait3A_251 = arith.constant 128 : i32
          %dma_wait3A_252 = tpu.memref_slice %arg13[%dma_wait3A_250, %dma_wait3A_251] : memref<8x512xi32, #tpu.memory_space<vmem>> -> memref<8x128xi32, #tpu.memory_space<vmem>>
          tpu.wait_dma2 semaphore(%arg20 : memref<!tpu.dma_semaphore, #tpu.memory_space<semaphore_mem>>) src(%dma_wait3A_252 : memref<8x128xi32, #tpu.memory_space<vmem>>) dst(%dma_wait3A_249 : memref<8x128xi32, #tpu.memory_space<hbm>>)
          %add3A_253 = arith.constant 2 : i32
          %add3A_254 = arith.addi %mul3A_192, %add3A_253 : i32
          %dma_start3A_255 = arith.constant 0 : i32
          %dma_start3A_256 = arith.constant 256 : i32
          %dma_start3A_257 = tpu.memref_slice %arg13[%dma_start3A_255, %dma_start3A_256] : memref<8x512xi32, #tpu.memory_space<vmem>> -> memref<8x128xi32, #tpu.memory_space<vmem>>
          %dma_start3A_258 = arith.constant 0 : i32
          %dma_start3A_259 = arith.constant 0 : i32
          %dma_start3A_260 = tpu.memref_slice %arg5[%add3A_254, %dma_start3A_258, %dma_start3A_259] : memref<800x8x128xi32, #tpu.memory_space<hbm>> -> memref<1x8x128xi32, #tpu.memory_space<hbm>>
          %dma_start3A_261 = tpu.memref_squeeze %dma_start3A_260 : memref<1x8x128xi32, #tpu.memory_space<hbm>> -> memref<8x128xi32, #tpu.memory_space<hbm>>
          %dma_start3A_262 = arith.constant 0 : i32
          %dma_start3A_263 = arith.constant 0 : i32
          %dma_start3A_264 = tpu.memref_slice %arg5[%add3A_254, %dma_start3A_262, %dma_start3A_263] : memref<800x8x128xi32, #tpu.memory_space<hbm>> -> memref<1x8x128xi32, #tpu.memory_space<hbm>>
          %dma_start3A_265 = tpu.memref_squeeze %dma_start3A_264 : memref<1x8x128xi32, #tpu.memory_space<hbm>> -> memref<8x128xi32, #tpu.memory_space<hbm>>
          %dma_start3A_266 = arith.constant 0 : i32
          %dma_start3A_267 = arith.constant 256 : i32
          %dma_start3A_268 = tpu.memref_slice %arg13[%dma_start3A_266, %dma_start3A_267] : memref<8x512xi32, #tpu.memory_space<vmem>> -> memref<8x128xi32, #tpu.memory_space<vmem>>
          tpu.enqueue_dma source(%dma_start3A_268 : memref<8x128xi32, #tpu.memory_space<vmem>>) target(%dma_start3A_265 : memref<8x128xi32, #tpu.memory_space<hbm>>) target_semaphore(%arg20 : memref<!tpu.dma_semaphore, #tpu.memory_space<semaphore_mem>>)
          %dma_wait3A_269 = arith.constant 0 : i32
          %dma_wait3A_270 = arith.constant 256 : i32
          %dma_wait3A_271 = tpu.memref_slice %arg13[%dma_wait3A_269, %dma_wait3A_270] : memref<8x512xi32, #tpu.memory_space<vmem>> -> memref<8x128xi32, #tpu.memory_space<vmem>>
          %dma_wait3A_272 = arith.constant 0 : i32
          %dma_wait3A_273 = arith.constant 0 : i32
          %dma_wait3A_274 = tpu.memref_slice %arg5[%add3A_254, %dma_wait3A_272, %dma_wait3A_273] : memref<800x8x128xi32, #tpu.memory_space<hbm>> -> memref<1x8x128xi32, #tpu.memory_space<hbm>>
          %dma_wait3A_275 = tpu.memref_squeeze %dma_wait3A_274 : memref<1x8x128xi32, #tpu.memory_space<hbm>> -> memref<8x128xi32, #tpu.memory_space<hbm>>
          %dma_wait3A_276 = arith.constant 0 : i32
          %dma_wait3A_277 = arith.constant 0 : i32
          %dma_wait3A_278 = tpu.memref_slice %arg5[%add3A_254, %dma_wait3A_276, %dma_wait3A_277] : memref<800x8x128xi32, #tpu.memory_space<hbm>> -> memref<1x8x128xi32, #tpu.memory_space<hbm>>
          %dma_wait3A_279 = tpu.memref_squeeze %dma_wait3A_278 : memref<1x8x128xi32, #tpu.memory_space<hbm>> -> memref<8x128xi32, #tpu.memory_space<hbm>>
          %dma_wait3A_280 = arith.constant 0 : i32
          %dma_wait3A_281 = arith.constant 256 : i32
          %dma_wait3A_282 = tpu.memref_slice %arg13[%dma_wait3A_280, %dma_wait3A_281] : memref<8x512xi32, #tpu.memory_space<vmem>> -> memref<8x128xi32, #tpu.memory_space<vmem>>
          tpu.wait_dma2 semaphore(%arg20 : memref<!tpu.dma_semaphore, #tpu.memory_space<semaphore_mem>>) src(%dma_wait3A_282 : memref<8x128xi32, #tpu.memory_space<vmem>>) dst(%dma_wait3A_279 : memref<8x128xi32, #tpu.memory_space<hbm>>)
          %add3A_283 = arith.constant 3 : i32
          %add3A_284 = arith.addi %mul3A_192, %add3A_283 : i32
          %dma_start3A_285 = arith.constant 0 : i32
          %dma_start3A_286 = arith.constant 384 : i32
          %dma_start3A_287 = tpu.memref_slice %arg13[%dma_start3A_285, %dma_start3A_286] : memref<8x512xi32, #tpu.memory_space<vmem>> -> memref<8x128xi32, #tpu.memory_space<vmem>>
          %dma_start3A_288 = arith.constant 0 : i32
          %dma_start3A_289 = arith.constant 0 : i32
          %dma_start3A_290 = tpu.memref_slice %arg5[%add3A_284, %dma_start3A_288, %dma_start3A_289] : memref<800x8x128xi32, #tpu.memory_space<hbm>> -> memref<1x8x128xi32, #tpu.memory_space<hbm>>
          %dma_start3A_291 = tpu.memref_squeeze %dma_start3A_290 : memref<1x8x128xi32, #tpu.memory_space<hbm>> -> memref<8x128xi32, #tpu.memory_space<hbm>>
          %dma_start3A_292 = arith.constant 0 : i32
          %dma_start3A_293 = arith.constant 0 : i32
          %dma_start3A_294 = tpu.memref_slice %arg5[%add3A_284, %dma_start3A_292, %dma_start3A_293] : memref<800x8x128xi32, #tpu.memory_space<hbm>> -> memref<1x8x128xi32, #tpu.memory_space<hbm>>
          %dma_start3A_295 = tpu.memref_squeeze %dma_start3A_294 : memref<1x8x128xi32, #tpu.memory_space<hbm>> -> memref<8x128xi32, #tpu.memory_space<hbm>>
          %dma_start3A_296 = arith.constant 0 : i32
          %dma_start3A_297 = arith.constant 384 : i32
          %dma_start3A_298 = tpu.memref_slice %arg13[%dma_start3A_296, %dma_start3A_297] : memref<8x512xi32, #tpu.memory_space<vmem>> -> memref<8x128xi32, #tpu.memory_space<vmem>>
          tpu.enqueue_dma source(%dma_start3A_298 : memref<8x128xi32, #tpu.memory_space<vmem>>) target(%dma_start3A_295 : memref<8x128xi32, #tpu.memory_space<hbm>>) target_semaphore(%arg20 : memref<!tpu.dma_semaphore, #tpu.memory_space<semaphore_mem>>)
          %dma_wait3A_299 = arith.constant 0 : i32
          %dma_wait3A_300 = arith.constant 384 : i32
          %dma_wait3A_301 = tpu.memref_slice %arg13[%dma_wait3A_299, %dma_wait3A_300] : memref<8x512xi32, #tpu.memory_space<vmem>> -> memref<8x128xi32, #tpu.memory_space<vmem>>
          %dma_wait3A_302 = arith.constant 0 : i32
          %dma_wait3A_303 = arith.constant 0 : i32
          %dma_wait3A_304 = tpu.memref_slice %arg5[%add3A_284, %dma_wait3A_302, %dma_wait3A_303] : memref<800x8x128xi32, #tpu.memory_space<hbm>> -> memref<1x8x128xi32, #tpu.memory_space<hbm>>
          %dma_wait3A_305 = tpu.memref_squeeze %dma_wait3A_304 : memref<1x8x128xi32, #tpu.memory_space<hbm>> -> memref<8x128xi32, #tpu.memory_space<hbm>>
          %dma_wait3A_306 = arith.constant 0 : i32
          %dma_wait3A_307 = arith.constant 0 : i32
          %dma_wait3A_308 = tpu.memref_slice %arg5[%add3A_284, %dma_wait3A_306, %dma_wait3A_307] : memref<800x8x128xi32, #tpu.memory_space<hbm>> -> memref<1x8x128xi32, #tpu.memory_space<hbm>>
          %dma_wait3A_309 = tpu.memref_squeeze %dma_wait3A_308 : memref<1x8x128xi32, #tpu.memory_space<hbm>> -> memref<8x128xi32, #tpu.memory_space<hbm>>
          %dma_wait3A_310 = arith.constant 0 : i32
          %dma_wait3A_311 = arith.constant 384 : i32
          %dma_wait3A_312 = tpu.memref_slice %arg13[%dma_wait3A_310, %dma_wait3A_311] : memref<8x512xi32, #tpu.memory_space<vmem>> -> memref<8x128xi32, #tpu.memory_space<vmem>>
          tpu.wait_dma2 semaphore(%arg20 : memref<!tpu.dma_semaphore, #tpu.memory_space<semaphore_mem>>) src(%dma_wait3A_312 : memref<8x128xi32, #tpu.memory_space<vmem>>) dst(%dma_wait3A_309 : memref<8x128xi32, #tpu.memory_space<hbm>>)
          %add3A_313 = arith.constant 2 : i32
          %add3A_314 = arith.addi %scan3A_135, %add3A_313 : i32
          %lt3A_315 = arith.cmpi slt, %add3A_314, %add3A_18 : i32
          %convert_element_type3A_316 = arith.extui %lt3A_315 : i1 to i32
          %cond3A_317 = arith.constant 0 : i32
          %cond3A_318 = arith.cmpi ne, %convert_element_type3A_316, %cond3A_317 : i32
          scf.if %cond3A_318 {
            %add3A_319 = arith.constant 2 : i32
            %add3A_320 = arith.addi %scan3A_135, %add3A_319 : i32
            %mul3A_321 = arith.constant 32 : i32
            %mul3A_322 = arith.muli %add3A_320, %mul3A_321 : i32
            %add3A_323 = arith.addi %add3A, %mul3A_322 : i32
            %jit3A_324 = arith.constant 8 : i32
            %div3A_325 = arith.divsi %add3A_323, %jit3A_324 : i32
            %sign3A_326 = arith.constant 0 : i32
            %sign3A_327 = arith.cmpi sgt, %add3A_323, %sign3A_326 : i32
            %sign3A_328 = arith.extui %sign3A_327 : i1 to i32
            %sign3A_329 = arith.constant 0 : i32
            %sign3A_330 = arith.cmpi slt, %add3A_323, %sign3A_329 : i32
            %sign3A_331 = arith.extui %sign3A_330 : i1 to i32
            %sign3A_332 = arith.subi %sign3A_328, %sign3A_331 : i32
            %sign3A_333 = arith.constant 0 : i32
            %sign3A_334 = arith.cmpi sgt, %jit3A_324, %sign3A_333 : i32
            %sign3A_335 = arith.extui %sign3A_334 : i1 to i32
            %sign3A_336 = arith.constant 0 : i32
            %sign3A_337 = arith.cmpi slt, %jit3A_324, %sign3A_336 : i32
            %sign3A_338 = arith.extui %sign3A_337 : i1 to i32
            %sign3A_339 = arith.subi %sign3A_335, %sign3A_338 : i32
            %ne3A_340 = arith.cmpi ne, %sign3A_332, %sign3A_339 : i32
            %rem3A_341 = arith.remsi %add3A_323, %jit3A_324 : i32
            %ne3A_342 = arith.constant 0 : i32
            %ne3A_343 = arith.cmpi ne, %rem3A_341, %ne3A_342 : i32
            %and3A_344 = arith.andi %ne3A_340, %ne3A_343 : i1
            %sub3A_345 = arith.constant 1 : i32
            %sub3A_346 = arith.subi %div3A_325, %sub3A_345 : i32
            %select_n3A_347 = arith.select %and3A_344, %sub3A_346, %div3A_325 : i32
            %jit3A_348 = arith.constant 8 : i32
            %eq3A_349 = arith.constant 0 : i32
            %eq3A_350 = arith.cmpi eq, %jit3A_348, %eq3A_349 : i32
            %jit3A_351 = arith.constant 1 : i32
            %select_n3A_352 = arith.select %eq3A_350, %jit3A_351, %jit3A_348 : i32
            %rem3A_353 = arith.remsi %add3A_323, %select_n3A_352 : i32
            %ne3A_354 = arith.constant 0 : i32
            %ne3A_355 = arith.cmpi ne, %rem3A_353, %ne3A_354 : i32
            %lt3A_356 = arith.constant 0 : i32
            %lt3A_357 = arith.cmpi slt, %rem3A_353, %lt3A_356 : i32
            %lt3A_358 = arith.constant 0 : i32
            %lt3A_359 = arith.cmpi slt, %select_n3A_352, %lt3A_358 : i32
            %ne3A_360 = arith.xori %lt3A_357, %lt3A_359 : i1
            %and3A_361 = arith.andi %ne3A_360, %ne3A_355 : i1
            %add3A_362 = arith.addi %rem3A_353, %select_n3A_352 : i32
            %select_n3A_363 = arith.select %and3A_361, %add3A_362, %rem3A_353 : i32
            %mul3A_364 = arith.constant 8 : i32
            %mul3A_365 = arith.muli %select_n3A_347, %mul3A_364 : i32
            %mul3A_366 = arith.constant 512 : i32
            %mul3A_367 = arith.muli %select_n3A_363, %mul3A_366 : i32
            %dma_start3A_368 = tpu.memref_slice %arg3[%mul3A_365, %mul3A_367] : memref<200x4096xi32, #tpu.memory_space<hbm>> -> memref<8x512xi32, #tpu.memory_space<hbm>>
            %dma_start3A_369 = tpu.memref_slice %arg3[%mul3A_365, %mul3A_367] : memref<200x4096xi32, #tpu.memory_space<hbm>> -> memref<8x512xi32, #tpu.memory_space<hbm>>
            tpu.enqueue_dma source(%dma_start3A_369 : memref<8x512xi32, #tpu.memory_space<hbm>>) target(%arg13 : memref<8x512xi32, #tpu.memory_space<vmem>>) target_semaphore(%arg19 : memref<!tpu.dma_semaphore, #tpu.memory_space<semaphore_mem>>)
          } else {
          }
        } else {
        }
        %jit3A_161 = arith.constant 2 : i32
        %eq3A_162 = arith.constant 0 : i32
        %eq3A_163 = arith.cmpi eq, %jit3A_161, %eq3A_162 : i32
        %jit3A_164 = arith.constant 1 : i32
        %select_n3A_165 = arith.select %eq3A_163, %jit3A_164, %jit3A_161 : i32
        %rem3A_166 = arith.remsi %scan3A_135, %select_n3A_165 : i32
        %ne3A_167 = arith.constant 0 : i32
        %ne3A_168 = arith.cmpi ne, %rem3A_166, %ne3A_167 : i32
        %lt3A_169 = arith.constant 0 : i32
        %lt3A_170 = arith.cmpi slt, %rem3A_166, %lt3A_169 : i32
        %lt3A_171 = arith.constant 0 : i32
        %lt3A_172 = arith.cmpi slt, %select_n3A_165, %lt3A_171 : i32
        %ne3A_173 = arith.xori %lt3A_170, %lt3A_172 : i1
        %and3A_174 = arith.andi %ne3A_173, %ne3A_168 : i1
        %add3A_175 = arith.addi %rem3A_166, %select_n3A_165 : i32
        %select_n3A_176 = arith.select %and3A_174, %add3A_175, %rem3A_166 : i32
        %eq3A_177 = arith.constant 1 : i32
        %eq3A_178 = arith.cmpi eq, %select_n3A_176, %eq3A_177 : i32
        %convert_element_type3A_179 = arith.extui %eq3A_178 : i1 to i32
        %cond3A_180 = arith.constant 0 : i32
        %cond3A_181 = arith.cmpi ne, %convert_element_type3A_179, %cond3A_180 : i32
        scf.if %cond3A_181 {
          %dma_wait3A_182 = arith.constant 0 : i32
          %dma_wait3A_183 = arith.constant 0 : i32
          %dma_wait3A_184 = tpu.memref_slice %arg3[%dma_wait3A_182, %dma_wait3A_183] : memref<200x4096xi32, #tpu.memory_space<hbm>> -> memref<8x512xi32, #tpu.memory_space<hbm>>
          %dma_wait3A_185 = arith.constant 0 : i32
          %dma_wait3A_186 = arith.constant 0 : i32
          %dma_wait3A_187 = tpu.memref_slice %arg3[%dma_wait3A_185, %dma_wait3A_186] : memref<200x4096xi32, #tpu.memory_space<hbm>> -> memref<8x512xi32, #tpu.memory_space<hbm>>
          tpu.wait_dma2 semaphore(%arg19 : memref<!tpu.dma_semaphore, #tpu.memory_space<semaphore_mem>>) src(%dma_wait3A_187 : memref<8x512xi32, #tpu.memory_space<hbm>>) dst(%arg14 : memref<8x512xi32, #tpu.memory_space<vmem>>)
          %mul3A_188 = arith.constant 32 : i32
          %mul3A_189 = arith.muli %scan3A_135, %mul3A_188 : i32
          %add3A_190 = arith.addi %add3A, %mul3A_189 : i32
          %mul3A_191 = arith.constant 4 : i32
          %mul3A_192 = arith.muli %add3A_190, %mul3A_191 : i32
          %add3A_193 = arith.constant 0 : i32
          %add3A_194 = arith.addi %mul3A_192, %add3A_193 : i32
          %dma_start3A_195 = arith.constant 0 : i32
          %dma_start3A_196 = arith.constant 0 : i32
          %dma_start3A_197 = tpu.memref_slice %arg14[%dma_start3A_195, %dma_start3A_196] : memref<8x512xi32, #tpu.memory_space<vmem>> -> memref<8x128xi32, #tpu.memory_space<vmem>>
          %dma_start3A_198 = arith.constant 0 : i32
          %dma_start3A_199 = arith.constant 0 : i32
          %dma_start3A_200 = tpu.memref_slice %arg5[%add3A_194, %dma_start3A_198, %dma_start3A_199] : memref<800x8x128xi32, #tpu.memory_space<hbm>> -> memref<1x8x128xi32, #tpu.memory_space<hbm>>
          %dma_start3A_201 = tpu.memref_squeeze %dma_start3A_200 : memref<1x8x128xi32, #tpu.memory_space<hbm>> -> memref<8x128xi32, #tpu.memory_space<hbm>>
          %dma_start3A_202 = arith.constant 0 : i32
          %dma_start3A_203 = arith.constant 0 : i32
          %dma_start3A_204 = tpu.memref_slice %arg5[%add3A_194, %dma_start3A_202, %dma_start3A_203] : memref<800x8x128xi32, #tpu.memory_space<hbm>> -> memref<1x8x128xi32, #tpu.memory_space<hbm>>
          %dma_start3A_205 = tpu.memref_squeeze %dma_start3A_204 : memref<1x8x128xi32, #tpu.memory_space<hbm>> -> memref<8x128xi32, #tpu.memory_space<hbm>>
          %dma_start3A_206 = arith.constant 0 : i32
          %dma_start3A_207 = arith.constant 0 : i32
          %dma_start3A_208 = tpu.memref_slice %arg14[%dma_start3A_206, %dma_start3A_207] : memref<8x512xi32, #tpu.memory_space<vmem>> -> memref<8x128xi32, #tpu.memory_space<vmem>>
          tpu.enqueue_dma source(%dma_start3A_208 : memref<8x128xi32, #tpu.memory_space<vmem>>) target(%dma_start3A_205 : memref<8x128xi32, #tpu.memory_space<hbm>>) target_semaphore(%arg20 : memref<!tpu.dma_semaphore, #tpu.memory_space<semaphore_mem>>)
          %dma_wait3A_209 = arith.constant 0 : i32
          %dma_wait3A_210 = arith.constant 0 : i32
          %dma_wait3A_211 = tpu.memref_slice %arg14[%dma_wait3A_209, %dma_wait3A_210] : memref<8x512xi32, #tpu.memory_space<vmem>> -> memref<8x128xi32, #tpu.memory_space<vmem>>
          %dma_wait3A_212 = arith.constant 0 : i32
          %dma_wait3A_213 = arith.constant 0 : i32
          %dma_wait3A_214 = tpu.memref_slice %arg5[%add3A_194, %dma_wait3A_212, %dma_wait3A_213] : memref<800x8x128xi32, #tpu.memory_space<hbm>> -> memref<1x8x128xi32, #tpu.memory_space<hbm>>
          %dma_wait3A_215 = tpu.memref_squeeze %dma_wait3A_214 : memref<1x8x128xi32, #tpu.memory_space<hbm>> -> memref<8x128xi32, #tpu.memory_space<hbm>>
          %dma_wait3A_216 = arith.constant 0 : i32
          %dma_wait3A_217 = arith.constant 0 : i32
          %dma_wait3A_218 = tpu.memref_slice %arg5[%add3A_194, %dma_wait3A_216, %dma_wait3A_217] : memref<800x8x128xi32, #tpu.memory_space<hbm>> -> memref<1x8x128xi32, #tpu.memory_space<hbm>>
          %dma_wait3A_219 = tpu.memref_squeeze %dma_wait3A_218 : memref<1x8x128xi32, #tpu.memory_space<hbm>> -> memref<8x128xi32, #tpu.memory_space<hbm>>
          %dma_wait3A_220 = arith.constant 0 : i32
          %dma_wait3A_221 = arith.constant 0 : i32
          %dma_wait3A_222 = tpu.memref_slice %arg14[%dma_wait3A_220, %dma_wait3A_221] : memref<8x512xi32, #tpu.memory_space<vmem>> -> memref<8x128xi32, #tpu.memory_space<vmem>>
          tpu.wait_dma2 semaphore(%arg20 : memref<!tpu.dma_semaphore, #tpu.memory_space<semaphore_mem>>) src(%dma_wait3A_222 : memref<8x128xi32, #tpu.memory_space<vmem>>) dst(%dma_wait3A_219 : memref<8x128xi32, #tpu.memory_space<hbm>>)
          %add3A_223 = arith.constant 1 : i32
          %add3A_224 = arith.addi %mul3A_192, %add3A_223 : i32
          %dma_start3A_225 = arith.constant 0 : i32
          %dma_start3A_226 = arith.constant 128 : i32
          %dma_start3A_227 = tpu.memref_slice %arg14[%dma_start3A_225, %dma_start3A_226] : memref<8x512xi32, #tpu.memory_space<vmem>> -> memref<8x128xi32, #tpu.memory_space<vmem>>
          %dma_start3A_228 = arith.constant 0 : i32
          %dma_start3A_229 = arith.constant 0 : i32
          %dma_start3A_230 = tpu.memref_slice %arg5[%add3A_224, %dma_start3A_228, %dma_start3A_229] : memref<800x8x128xi32, #tpu.memory_space<hbm>> -> memref<1x8x128xi32, #tpu.memory_space<hbm>>
          %dma_start3A_231 = tpu.memref_squeeze %dma_start3A_230 : memref<1x8x128xi32, #tpu.memory_space<hbm>> -> memref<8x128xi32, #tpu.memory_space<hbm>>
          %dma_start3A_232 = arith.constant 0 : i32
          %dma_start3A_233 = arith.constant 0 : i32
          %dma_start3A_234 = tpu.memref_slice %arg5[%add3A_224, %dma_start3A_232, %dma_start3A_233] : memref<800x8x128xi32, #tpu.memory_space<hbm>> -> memref<1x8x128xi32, #tpu.memory_space<hbm>>
          %dma_start3A_235 = tpu.memref_squeeze %dma_start3A_234 : memref<1x8x128xi32, #tpu.memory_space<hbm>> -> memref<8x128xi32, #tpu.memory_space<hbm>>
          %dma_start3A_236 = arith.constant 0 : i32
          %dma_start3A_237 = arith.constant 128 : i32
          %dma_start3A_238 = tpu.memref_slice %arg14[%dma_start3A_236, %dma_start3A_237] : memref<8x512xi32, #tpu.memory_space<vmem>> -> memref<8x128xi32, #tpu.memory_space<vmem>>
          tpu.enqueue_dma source(%dma_start3A_238 : memref<8x128xi32, #tpu.memory_space<vmem>>) target(%dma_start3A_235 : memref<8x128xi32, #tpu.memory_space<hbm>>) target_semaphore(%arg20 : memref<!tpu.dma_semaphore, #tpu.memory_space<semaphore_mem>>)
          %dma_wait3A_239 = arith.constant 0 : i32
          %dma_wait3A_240 = arith.constant 128 : i32
          %dma_wait3A_241 = tpu.memref_slice %arg14[%dma_wait3A_239, %dma_wait3A_240] : memref<8x512xi32, #tpu.memory_space<vmem>> -> memref<8x128xi32, #tpu.memory_space<vmem>>
          %dma_wait3A_242 = arith.constant 0 : i32
          %dma_wait3A_243 = arith.constant 0 : i32
          %dma_wait3A_244 = tpu.memref_slice %arg5[%add3A_224, %dma_wait3A_242, %dma_wait3A_243] : memref<800x8x128xi32, #tpu.memory_space<hbm>> -> memref<1x8x128xi32, #tpu.memory_space<hbm>>
          %dma_wait3A_245 = tpu.memref_squeeze %dma_wait3A_244 : memref<1x8x128xi32, #tpu.memory_space<hbm>> -> memref<8x128xi32, #tpu.memory_space<hbm>>
          %dma_wait3A_246 = arith.constant 0 : i32
          %dma_wait3A_247 = arith.constant 0 : i32
          %dma_wait3A_248 = tpu.memref_slice %arg5[%add3A_224, %dma_wait3A_246, %dma_wait3A_247] : memref<800x8x128xi32, #tpu.memory_space<hbm>> -> memref<1x8x128xi32, #tpu.memory_space<hbm>>
          %dma_wait3A_249 = tpu.memref_squeeze %dma_wait3A_248 : memref<1x8x128xi32, #tpu.memory_space<hbm>> -> memref<8x128xi32, #tpu.memory_space<hbm>>
          %dma_wait3A_250 = arith.constant 0 : i32
          %dma_wait3A_251 = arith.constant 128 : i32
          %dma_wait3A_252 = tpu.memref_slice %arg14[%dma_wait3A_250, %dma_wait3A_251] : memref<8x512xi32, #tpu.memory_space<vmem>> -> memref<8x128xi32, #tpu.memory_space<vmem>>
          tpu.wait_dma2 semaphore(%arg20 : memref<!tpu.dma_semaphore, #tpu.memory_space<semaphore_mem>>) src(%dma_wait3A_252 : memref<8x128xi32, #tpu.memory_space<vmem>>) dst(%dma_wait3A_249 : memref<8x128xi32, #tpu.memory_space<hbm>>)
          %add3A_253 = arith.constant 2 : i32
          %add3A_254 = arith.addi %mul3A_192, %add3A_253 : i32
          %dma_start3A_255 = arith.constant 0 : i32
          %dma_start3A_256 = arith.constant 256 : i32
          %dma_start3A_257 = tpu.memref_slice %arg14[%dma_start3A_255, %dma_start3A_256] : memref<8x512xi32, #tpu.memory_space<vmem>> -> memref<8x128xi32, #tpu.memory_space<vmem>>
          %dma_start3A_258 = arith.constant 0 : i32
          %dma_start3A_259 = arith.constant 0 : i32
          %dma_start3A_260 = tpu.memref_slice %arg5[%add3A_254, %dma_start3A_258, %dma_start3A_259] : memref<800x8x128xi32, #tpu.memory_space<hbm>> -> memref<1x8x128xi32, #tpu.memory_space<hbm>>
          %dma_start3A_261 = tpu.memref_squeeze %dma_start3A_260 : memref<1x8x128xi32, #tpu.memory_space<hbm>> -> memref<8x128xi32, #tpu.memory_space<hbm>>
          %dma_start3A_262 = arith.constant 0 : i32
          %dma_start3A_263 = arith.constant 0 : i32
          %dma_start3A_264 = tpu.memref_slice %arg5[%add3A_254, %dma_start3A_262, %dma_start3A_263] : memref<800x8x128xi32, #tpu.memory_space<hbm>> -> memref<1x8x128xi32, #tpu.memory_space<hbm>>
          %dma_start3A_265 = tpu.memref_squeeze %dma_start3A_264 : memref<1x8x128xi32, #tpu.memory_space<hbm>> -> memref<8x128xi32, #tpu.memory_space<hbm>>
          %dma_start3A_266 = arith.constant 0 : i32
          %dma_start3A_267 = arith.constant 256 : i32
          %dma_start3A_268 = tpu.memref_slice %arg14[%dma_start3A_266, %dma_start3A_267] : memref<8x512xi32, #tpu.memory_space<vmem>> -> memref<8x128xi32, #tpu.memory_space<vmem>>
          tpu.enqueue_dma source(%dma_start3A_268 : memref<8x128xi32, #tpu.memory_space<vmem>>) target(%dma_start3A_265 : memref<8x128xi32, #tpu.memory_space<hbm>>) target_semaphore(%arg20 : memref<!tpu.dma_semaphore, #tpu.memory_space<semaphore_mem>>)
          %dma_wait3A_269 = arith.constant 0 : i32
          %dma_wait3A_270 = arith.constant 256 : i32
          %dma_wait3A_271 = tpu.memref_slice %arg14[%dma_wait3A_269, %dma_wait3A_270] : memref<8x512xi32, #tpu.memory_space<vmem>> -> memref<8x128xi32, #tpu.memory_space<vmem>>
          %dma_wait3A_272 = arith.constant 0 : i32
          %dma_wait3A_273 = arith.constant 0 : i32
          %dma_wait3A_274 = tpu.memref_slice %arg5[%add3A_254, %dma_wait3A_272, %dma_wait3A_273] : memref<800x8x128xi32, #tpu.memory_space<hbm>> -> memref<1x8x128xi32, #tpu.memory_space<hbm>>
          %dma_wait3A_275 = tpu.memref_squeeze %dma_wait3A_274 : memref<1x8x128xi32, #tpu.memory_space<hbm>> -> memref<8x128xi32, #tpu.memory_space<hbm>>
          %dma_wait3A_276 = arith.constant 0 : i32
          %dma_wait3A_277 = arith.constant 0 : i32
          %dma_wait3A_278 = tpu.memref_slice %arg5[%add3A_254, %dma_wait3A_276, %dma_wait3A_277] : memref<800x8x128xi32, #tpu.memory_space<hbm>> -> memref<1x8x128xi32, #tpu.memory_space<hbm>>
          %dma_wait3A_279 = tpu.memref_squeeze %dma_wait3A_278 : memref<1x8x128xi32, #tpu.memory_space<hbm>> -> memref<8x128xi32, #tpu.memory_space<hbm>>
          %dma_wait3A_280 = arith.constant 0 : i32
          %dma_wait3A_281 = arith.constant 256 : i32
          %dma_wait3A_282 = tpu.memref_slice %arg14[%dma_wait3A_280, %dma_wait3A_281] : memref<8x512xi32, #tpu.memory_space<vmem>> -> memref<8x128xi32, #tpu.memory_space<vmem>>
          tpu.wait_dma2 semaphore(%arg20 : memref<!tpu.dma_semaphore, #tpu.memory_space<semaphore_mem>>) src(%dma_wait3A_282 : memref<8x128xi32, #tpu.memory_space<vmem>>) dst(%dma_wait3A_279 : memref<8x128xi32, #tpu.memory_space<hbm>>)
          %add3A_283 = arith.constant 3 : i32
          %add3A_284 = arith.addi %mul3A_192, %add3A_283 : i32
          %dma_start3A_285 = arith.constant 0 : i32
          %dma_start3A_286 = arith.constant 384 : i32
          %dma_start3A_287 = tpu.memref_slice %arg14[%dma_start3A_285, %dma_start3A_286] : memref<8x512xi32, #tpu.memory_space<vmem>> -> memref<8x128xi32, #tpu.memory_space<vmem>>
          %dma_start3A_288 = arith.constant 0 : i32
          %dma_start3A_289 = arith.constant 0 : i32
          %dma_start3A_290 = tpu.memref_slice %arg5[%add3A_284, %dma_start3A_288, %dma_start3A_289] : memref<800x8x128xi32, #tpu.memory_space<hbm>> -> memref<1x8x128xi32, #tpu.memory_space<hbm>>
          %dma_start3A_291 = tpu.memref_squeeze %dma_start3A_290 : memref<1x8x128xi32, #tpu.memory_space<hbm>> -> memref<8x128xi32, #tpu.memory_space<hbm>>
          %dma_start3A_292 = arith.constant 0 : i32
          %dma_start3A_293 = arith.constant 0 : i32
          %dma_start3A_294 = tpu.memref_slice %arg5[%add3A_284, %dma_start3A_292, %dma_start3A_293] : memref<800x8x128xi32, #tpu.memory_space<hbm>> -> memref<1x8x128xi32, #tpu.memory_space<hbm>>
          %dma_start3A_295 = tpu.memref_squeeze %dma_start3A_294 : memref<1x8x128xi32, #tpu.memory_space<hbm>> -> memref<8x128xi32, #tpu.memory_space<hbm>>
          %dma_start3A_296 = arith.constant 0 : i32
          %dma_start3A_297 = arith.constant 384 : i32
          %dma_start3A_298 = tpu.memref_slice %arg14[%dma_start3A_296, %dma_start3A_297] : memref<8x512xi32, #tpu.memory_space<vmem>> -> memref<8x128xi32, #tpu.memory_space<vmem>>
          tpu.enqueue_dma source(%dma_start3A_298 : memref<8x128xi32, #tpu.memory_space<vmem>>) target(%dma_start3A_295 : memref<8x128xi32, #tpu.memory_space<hbm>>) target_semaphore(%arg20 : memref<!tpu.dma_semaphore, #tpu.memory_space<semaphore_mem>>)
          %dma_wait3A_299 = arith.constant 0 : i32
          %dma_wait3A_300 = arith.constant 384 : i32
          %dma_wait3A_301 = tpu.memref_slice %arg14[%dma_wait3A_299, %dma_wait3A_300] : memref<8x512xi32, #tpu.memory_space<vmem>> -> memref<8x128xi32, #tpu.memory_space<vmem>>
          %dma_wait3A_302 = arith.constant 0 : i32
          %dma_wait3A_303 = arith.constant 0 : i32
          %dma_wait3A_304 = tpu.memref_slice %arg5[%add3A_284, %dma_wait3A_302, %dma_wait3A_303] : memref<800x8x128xi32, #tpu.memory_space<hbm>> -> memref<1x8x128xi32, #tpu.memory_space<hbm>>
          %dma_wait3A_305 = tpu.memref_squeeze %dma_wait3A_304 : memref<1x8x128xi32, #tpu.memory_space<hbm>> -> memref<8x128xi32, #tpu.memory_space<hbm>>
          %dma_wait3A_306 = arith.constant 0 : i32
          %dma_wait3A_307 = arith.constant 0 : i32
          %dma_wait3A_308 = tpu.memref_slice %arg5[%add3A_284, %dma_wait3A_306, %dma_wait3A_307] : memref<800x8x128xi32, #tpu.memory_space<hbm>> -> memref<1x8x128xi32, #tpu.memory_space<hbm>>
          %dma_wait3A_309 = tpu.memref_squeeze %dma_wait3A_308 : memref<1x8x128xi32, #tpu.memory_space<hbm>> -> memref<8x128xi32, #tpu.memory_space<hbm>>
          %dma_wait3A_310 = arith.constant 0 : i32
          %dma_wait3A_311 = arith.constant 384 : i32
          %dma_wait3A_312 = tpu.memref_slice %arg14[%dma_wait3A_310, %dma_wait3A_311] : memref<8x512xi32, #tpu.memory_space<vmem>> -> memref<8x128xi32, #tpu.memory_space<vmem>>
          tpu.wait_dma2 semaphore(%arg20 : memref<!tpu.dma_semaphore, #tpu.memory_space<semaphore_mem>>) src(%dma_wait3A_312 : memref<8x128xi32, #tpu.memory_space<vmem>>) dst(%dma_wait3A_309 : memref<8x128xi32, #tpu.memory_space<hbm>>)
          %add3A_313 = arith.constant 2 : i32
          %add3A_314 = arith.addi %scan3A_135, %add3A_313 : i32
          %lt3A_315 = arith.cmpi slt, %add3A_314, %add3A_18 : i32
          %convert_element_type3A_316 = arith.extui %lt3A_315 : i1 to i32
          %cond3A_317 = arith.constant 0 : i32
          %cond3A_318 = arith.cmpi ne, %convert_element_type3A_316, %cond3A_317 : i32
          scf.if %cond3A_318 {
            %add3A_319 = arith.constant 2 : i32
            %add3A_320 = arith.addi %scan3A_135, %add3A_319 : i32
            %mul3A_321 = arith.constant 32 : i32
            %mul3A_322 = arith.muli %add3A_320, %mul3A_321 : i32
            %add3A_323 = arith.addi %add3A, %mul3A_322 : i32
            %jit3A_324 = arith.constant 8 : i32
            %div3A_325 = arith.divsi %add3A_323, %jit3A_324 : i32
            %sign3A_326 = arith.constant 0 : i32
            %sign3A_327 = arith.cmpi sgt, %add3A_323, %sign3A_326 : i32
            %sign3A_328 = arith.extui %sign3A_327 : i1 to i32
            %sign3A_329 = arith.constant 0 : i32
            %sign3A_330 = arith.cmpi slt, %add3A_323, %sign3A_329 : i32
            %sign3A_331 = arith.extui %sign3A_330 : i1 to i32
            %sign3A_332 = arith.subi %sign3A_328, %sign3A_331 : i32
            %sign3A_333 = arith.constant 0 : i32
            %sign3A_334 = arith.cmpi sgt, %jit3A_324, %sign3A_333 : i32
            %sign3A_335 = arith.extui %sign3A_334 : i1 to i32
            %sign3A_336 = arith.constant 0 : i32
            %sign3A_337 = arith.cmpi slt, %jit3A_324, %sign3A_336 : i32
            %sign3A_338 = arith.extui %sign3A_337 : i1 to i32
            %sign3A_339 = arith.subi %sign3A_335, %sign3A_338 : i32
            %ne3A_340 = arith.cmpi ne, %sign3A_332, %sign3A_339 : i32
            %rem3A_341 = arith.remsi %add3A_323, %jit3A_324 : i32
            %ne3A_342 = arith.constant 0 : i32
            %ne3A_343 = arith.cmpi ne, %rem3A_341, %ne3A_342 : i32
            %and3A_344 = arith.andi %ne3A_340, %ne3A_343 : i1
            %sub3A_345 = arith.constant 1 : i32
            %sub3A_346 = arith.subi %div3A_325, %sub3A_345 : i32
            %select_n3A_347 = arith.select %and3A_344, %sub3A_346, %div3A_325 : i32
            %jit3A_348 = arith.constant 8 : i32
            %eq3A_349 = arith.constant 0 : i32
            %eq3A_350 = arith.cmpi eq, %jit3A_348, %eq3A_349 : i32
            %jit3A_351 = arith.constant 1 : i32
            %select_n3A_352 = arith.select %eq3A_350, %jit3A_351, %jit3A_348 : i32
            %rem3A_353 = arith.remsi %add3A_323, %select_n3A_352 : i32
            %ne3A_354 = arith.constant 0 : i32
            %ne3A_355 = arith.cmpi ne, %rem3A_353, %ne3A_354 : i32
            %lt3A_356 = arith.constant 0 : i32
            %lt3A_357 = arith.cmpi slt, %rem3A_353, %lt3A_356 : i32
            %lt3A_358 = arith.constant 0 : i32
            %lt3A_359 = arith.cmpi slt, %select_n3A_352, %lt3A_358 : i32
            %ne3A_360 = arith.xori %lt3A_357, %lt3A_359 : i1
            %and3A_361 = arith.andi %ne3A_360, %ne3A_355 : i1
            %add3A_362 = arith.addi %rem3A_353, %select_n3A_352 : i32
            %select_n3A_363 = arith.select %and3A_361, %add3A_362, %rem3A_353 : i32
            %mul3A_364 = arith.constant 8 : i32
            %mul3A_365 = arith.muli %select_n3A_347, %mul3A_364 : i32
            %mul3A_366 = arith.constant 512 : i32
            %mul3A_367 = arith.muli %select_n3A_363, %mul3A_366 : i32
            %dma_start3A_368 = tpu.memref_slice %arg3[%mul3A_365, %mul3A_367] : memref<200x4096xi32, #tpu.memory_space<hbm>> -> memref<8x512xi32, #tpu.memory_space<hbm>>
            %dma_start3A_369 = tpu.memref_slice %arg3[%mul3A_365, %mul3A_367] : memref<200x4096xi32, #tpu.memory_space<hbm>> -> memref<8x512xi32, #tpu.memory_space<hbm>>
            tpu.enqueue_dma source(%dma_start3A_369 : memref<8x512xi32, #tpu.memory_space<hbm>>) target(%arg14 : memref<8x512xi32, #tpu.memory_space<vmem>>) target_semaphore(%arg19 : memref<!tpu.dma_semaphore, #tpu.memory_space<semaphore_mem>>)
          } else {
          }
        } else {
        }
      } else {
      }
    }
    %scan3A_68 = arith.constant 7 : i32
    %iota3A = tpu.iota {dimensions = array<i32: 0>} : vector<16xi32>
    %add3A_69 = arith.constant 0 : i32
    %add3A_70 = vector.broadcast %add3A_69 : i32 to vector<16xi32>
    %add3A_71 = arith.addi %add3A_70, %iota3A : vector<16xi32>
    %mul3A_72 = arith.constant 65 : i32
    %mul3A_73 = vector.broadcast %mul3A_72 : i32 to vector<16xi32>
    %mul3A_74 = arith.muli %add3A_71, %mul3A_73 : vector<16xi32>
    %add3A_75 = arith.constant 16 : i32
    %add3A_76 = vector.broadcast %add3A_75 : i32 to vector<16xi32>
    %add3A_77 = arith.addi %add3A_76, %iota3A : vector<16xi32>
    %mul3A_78 = arith.constant 65 : i32
    %mul3A_79 = vector.broadcast %mul3A_78 : i32 to vector<16xi32>
    %mul3A_80 = arith.muli %add3A_77, %mul3A_79 : vector<16xi32>
    %add3A_81 = arith.constant 32 : i32
    %add3A_82 = vector.broadcast %add3A_81 : i32 to vector<16xi32>
    %add3A_83 = arith.addi %add3A_82, %iota3A : vector<16xi32>
    %mul3A_84 = arith.constant 65 : i32
    %mul3A_85 = vector.broadcast %mul3A_84 : i32 to vector<16xi32>
    %mul3A_86 = arith.muli %add3A_83, %mul3A_85 : vector<16xi32>
    %add3A_87 = arith.constant 48 : i32
    %add3A_88 = vector.broadcast %add3A_87 : i32 to vector<16xi32>
    %add3A_89 = arith.addi %add3A_88, %iota3A : vector<16xi32>
    %mul3A_90 = arith.constant 65 : i32
    %mul3A_91 = vector.broadcast %mul3A_90 : i32 to vector<16xi32>
    %mul3A_92 = arith.muli %add3A_89, %mul3A_91 : vector<16xi32>
    %add3A_93 = arith.constant 64 : i32
    %add3A_94 = vector.broadcast %add3A_93 : i32 to vector<16xi32>
    %add3A_95 = arith.addi %add3A_94, %iota3A : vector<16xi32>
    %mul3A_96 = arith.constant 65 : i32
    %mul3A_97 = vector.broadcast %mul3A_96 : i32 to vector<16xi32>
    %mul3A_98 = arith.muli %add3A_95, %mul3A_97 : vector<16xi32>
    %add3A_99 = arith.constant 80 : i32
    %add3A_100 = vector.broadcast %add3A_99 : i32 to vector<16xi32>
    %add3A_101 = arith.addi %add3A_100, %iota3A : vector<16xi32>
    %mul3A_102 = arith.constant 65 : i32
    %mul3A_103 = vector.broadcast %mul3A_102 : i32 to vector<16xi32>
    %mul3A_104 = arith.muli %add3A_101, %mul3A_103 : vector<16xi32>
    %add3A_105 = arith.constant 96 : i32
    %add3A_106 = vector.broadcast %add3A_105 : i32 to vector<16xi32>
    %add3A_107 = arith.addi %add3A_106, %iota3A : vector<16xi32>
    %mul3A_108 = arith.constant 65 : i32
    %mul3A_109 = vector.broadcast %mul3A_108 : i32 to vector<16xi32>
    %mul3A_110 = arith.muli %add3A_107, %mul3A_109 : vector<16xi32>
    %add3A_111 = arith.constant 112 : i32
    %add3A_112 = vector.broadcast %add3A_111 : i32 to vector<16xi32>
    %add3A_113 = arith.addi %add3A_112, %iota3A : vector<16xi32>
    %mul3A_114 = arith.constant 65 : i32
    %mul3A_115 = vector.broadcast %mul3A_114 : i32 to vector<16xi32>
    %mul3A_116 = arith.muli %add3A_113, %mul3A_115 : vector<16xi32>
    %scan3A_117 = arith.constant 0 : i32
    %scan3A_118 = arith.constant 0 : i32
    %scan3A_119 = arith.constant 123 : i32
    %scan3A_120 = arith.addi %scan3A_118, %scan3A_119 : i32
    %scan3A_121 = arith.constant 1 : i32
    scf.for %scan3A_135 = %scan3A_118 to %scan3A_120 step %scan3A_121  : i32 {
      %lt3A_136 = arith.cmpi slt, %scan3A_135, %add3A_4 : i32
      %convert_element_type3A_137 = arith.extui %lt3A_136 : i1 to i32
      %cond3A_138 = arith.constant 0 : i32
      %cond3A_139 = arith.cmpi ne, %convert_element_type3A_137, %cond3A_138 : i32
      scf.if %cond3A_139 {
        %jit3A_140 = arith.constant 2 : i32
        %eq3A_141 = arith.constant 0 : i32
        %eq3A_142 = arith.cmpi eq, %jit3A_140, %eq3A_141 : i32
        %jit3A_143 = arith.constant 1 : i32
        %select_n3A_144 = arith.select %eq3A_142, %jit3A_143, %jit3A_140 : i32
        %rem3A_145 = arith.remsi %scan3A_135, %select_n3A_144 : i32
        %ne3A_146 = arith.constant 0 : i32
        %ne3A_147 = arith.cmpi ne, %rem3A_145, %ne3A_146 : i32
        %lt3A_148 = arith.constant 0 : i32
        %lt3A_149 = arith.cmpi slt, %rem3A_145, %lt3A_148 : i32
        %lt3A_150 = arith.constant 0 : i32
        %lt3A_151 = arith.cmpi slt, %select_n3A_144, %lt3A_150 : i32
        %ne3A_152 = arith.xori %lt3A_149, %lt3A_151 : i1
        %and3A_153 = arith.andi %ne3A_152, %ne3A_147 : i1
        %add3A_154 = arith.addi %rem3A_145, %select_n3A_144 : i32
        %select_n3A_155 = arith.select %and3A_153, %add3A_154, %rem3A_145 : i32
        %eq3A_156 = arith.constant 0 : i32
        %eq3A_157 = arith.cmpi eq, %select_n3A_155, %eq3A_156 : i32
        %convert_element_type3A_158 = arith.extui %eq3A_157 : i1 to i32
        %cond3A_159 = arith.constant 0 : i32
        %cond3A_160 = arith.cmpi ne, %convert_element_type3A_158, %cond3A_159 : i32
        scf.if %cond3A_160 {
          %dma_wait3A_182 = arith.constant 0 : i32
          %dma_wait3A_183 = arith.constant 0 : i32
          %dma_wait3A_184 = tpu.memref_slice %arg6[%dma_wait3A_182, %dma_wait3A_183] : memref<128x128xf32, #tpu.memory_space<vmem>> -> memref<64x128xf32, #tpu.memory_space<vmem>>
          %dma_wait3A_185 = arith.constant 0 : i32
          %dma_wait3A_186 = arith.constant 0 : i32
          %dma_wait3A_187 = tpu.memref_slice %arg2[%dma_wait3A_185, %dma_wait3A_186] : memref<64x1000000xf32, #tpu.memory_space<hbm>> -> memref<64x128xf32, #tpu.memory_space<hbm>>
          %dma_wait3A_188 = arith.constant 0 : i32
          %dma_wait3A_189 = arith.constant 0 : i32
          %dma_wait3A_190 = tpu.memref_slice %arg6[%dma_wait3A_188, %dma_wait3A_189] : memref<128x128xf32, #tpu.memory_space<vmem>> -> memref<64x128xf32, #tpu.memory_space<vmem>>
          %dma_wait3A_191 = arith.constant 0 : i32
          %dma_wait3A_192 = arith.constant 0 : i32
          %dma_wait3A_193 = tpu.memref_slice %arg2[%dma_wait3A_191, %dma_wait3A_192] : memref<64x1000000xf32, #tpu.memory_space<hbm>> -> memref<64x128xf32, #tpu.memory_space<hbm>>
          tpu.wait_dma2 semaphore(%arg15 : memref<!tpu.dma_semaphore, #tpu.memory_space<semaphore_mem>>) src(%dma_wait3A_193 : memref<64x128xf32, #tpu.memory_space<hbm>>) dst(%dma_wait3A_190 : memref<64x128xf32, #tpu.memory_space<vmem>>)
          %dma_wait3A_194 = arith.constant 64 : i32
          %dma_wait3A_195 = arith.constant 0 : i32
          %dma_wait3A_196 = tpu.memref_slice %arg6[%dma_wait3A_194, %dma_wait3A_195] : memref<128x128xf32, #tpu.memory_space<vmem>> -> memref<64x128xf32, #tpu.memory_space<vmem>>
          %dma_wait3A_197 = arith.constant 0 : i32
          %dma_wait3A_198 = arith.constant 0 : i32
          %dma_wait3A_199 = tpu.memref_slice %arg2[%dma_wait3A_197, %dma_wait3A_198] : memref<64x1000000xf32, #tpu.memory_space<hbm>> -> memref<64x128xf32, #tpu.memory_space<hbm>>
          %dma_wait3A_200 = arith.constant 64 : i32
          %dma_wait3A_201 = arith.constant 0 : i32
          %dma_wait3A_202 = tpu.memref_slice %arg6[%dma_wait3A_200, %dma_wait3A_201] : memref<128x128xf32, #tpu.memory_space<vmem>> -> memref<64x128xf32, #tpu.memory_space<vmem>>
          %dma_wait3A_203 = arith.constant 0 : i32
          %dma_wait3A_204 = arith.constant 0 : i32
          %dma_wait3A_205 = tpu.memref_slice %arg2[%dma_wait3A_203, %dma_wait3A_204] : memref<64x1000000xf32, #tpu.memory_space<hbm>> -> memref<64x128xf32, #tpu.memory_space<hbm>>
          tpu.wait_dma2 semaphore(%arg15 : memref<!tpu.dma_semaphore, #tpu.memory_space<semaphore_mem>>) src(%dma_wait3A_205 : memref<64x128xf32, #tpu.memory_space<hbm>>) dst(%dma_wait3A_202 : memref<64x128xf32, #tpu.memory_space<vmem>>)
          %ge3A = arith.constant 2 : i32
          %ge3A_206 = arith.cmpi sge, %scan3A_135, %ge3A : i32
          %convert_element_type3A_207 = arith.extui %ge3A_206 : i1 to i32
          %cond3A_208 = arith.constant 0 : i32
          %cond3A_209 = arith.cmpi ne, %convert_element_type3A_207, %cond3A_208 : i32
          scf.if %cond3A_209 {
            %dma_wait3A_252 = arith.constant 0 : i32
            %dma_wait3A_253 = tpu.memref_slice %arg4[%dma_wait3A_252] : memref<64000000xf32, #tpu.memory_space<hbm>> -> memref<16384xf32, #tpu.memory_space<hbm>>
            %dma_wait3A_254 = arith.constant 0 : i32
            %dma_wait3A_255 = tpu.memref_slice %arg4[%dma_wait3A_254] : memref<64000000xf32, #tpu.memory_space<hbm>> -> memref<16384xf32, #tpu.memory_space<hbm>>
            tpu.wait_dma2 semaphore(%arg17 : memref<!tpu.dma_semaphore, #tpu.memory_space<semaphore_mem>>) src(%arg8 : memref<16384xf32, #tpu.memory_space<vmem>>) dst(%dma_wait3A_255 : memref<16384xf32, #tpu.memory_space<hbm>>)
          } else {
          }
          %broadcast_in_dim3A = arith.constant 0 : i32
          %broadcast_in_dim3A_210 = vector.broadcast %broadcast_in_dim3A : i32 to vector<16xi32>
          %scan3A_211 = arith.constant 0 : i32
          %scan3A_212 = arith.constant 64 : i32
          %scan3A_213 = arith.addi %scan3A_211, %scan3A_212 : i32
          %scan3A_214 = arith.constant 2 : i32
          %scan3A_215 = scf.for %scan3A_252 = %scan3A_211 to %scan3A_213 step %scan3A_214 iter_args(%scan3A_253 = %broadcast_in_dim3A_210) -> (vector<16xi32>)  : i32 {
            %add3A_254 = arith.constant 0 : i32
            %add3A_255 = arith.addi %add3A_254, %scan3A_252 : i32
            %get3A = arith.index_cast %add3A_255 : i32 to index
            %get3A_256 = arith.constant 0 : index
            %get3A_257 = tpu.vector_load %arg6[%get3A, %get3A_256] {strides = array<i32>} : memref<128x128xf32, #tpu.memory_space<vmem>>, vector<16xf32>,
            %mul3A_258 = arith.constant 8.000000e+00 : f32
            %mul3A_259 = vector.broadcast %mul3A_258 : f32 to vector<16xf32>
            %mul3A_260 = arith.mulf %get3A_257, %mul3A_259 : vector<16xf32>
            %add3A_261 = arith.constant 0 : i32
            %add3A_262 = arith.addi %add3A_261, %scan3A_252 : i32
            %get3A_263 = arith.index_cast %add3A_262 : i32 to index
            %get3A_264 = arith.constant 16 : index
            %get3A_265 = tpu.vector_load %arg6[%get3A_263, %get3A_264] {strides = array<i32>} : memref<128x128xf32, #tpu.memory_space<vmem>>, vector<16xf32>,
            %mul3A_266 = arith.constant 8.000000e+00 : f32
            %mul3A_267 = vector.broadcast %mul3A_266 : f32 to vector<16xf32>
            %mul3A_268 = arith.mulf %get3A_265, %mul3A_267 : vector<16xf32>
            %add3A_269 = arith.constant 0 : i32
            %add3A_270 = arith.addi %add3A_269, %scan3A_252 : i32
            %get3A_271 = arith.index_cast %add3A_270 : i32 to index
            %get3A_272 = arith.constant 32 : index
            %get3A_273 = tpu.vector_load %arg6[%get3A_271, %get3A_272] {strides = array<i32>} : memref<128x128xf32, #tpu.memory_space<vmem>>, vector<16xf32>,
            %mul3A_274 = arith.constant 8.000000e+00 : f32
            %mul3A_275 = vector.broadcast %mul3A_274 : f32 to vector<16xf32>
            %mul3A_276 = arith.mulf %get3A_273, %mul3A_275 : vector<16xf32>
            %add3A_277 = arith.constant 0 : i32
            %add3A_278 = arith.addi %add3A_277, %scan3A_252 : i32
            %get3A_279 = arith.index_cast %add3A_278 : i32 to index
            %get3A_280 = arith.constant 48 : index
            %get3A_281 = tpu.vector_load %arg6[%get3A_279, %get3A_280] {strides = array<i32>} : memref<128x128xf32, #tpu.memory_space<vmem>>, vector<16xf32>,
            %mul3A_282 = arith.constant 8.000000e+00 : f32
            %mul3A_283 = vector.broadcast %mul3A_282 : f32 to vector<16xf32>
            %mul3A_284 = arith.mulf %get3A_281, %mul3A_283 : vector<16xf32>
            %add3A_285 = arith.constant 0 : i32
            %add3A_286 = arith.addi %add3A_285, %scan3A_252 : i32
            %get3A_287 = arith.index_cast %add3A_286 : i32 to index
            %get3A_288 = arith.constant 64 : index
            %get3A_289 = tpu.vector_load %arg6[%get3A_287, %get3A_288] {strides = array<i32>} : memref<128x128xf32, #tpu.memory_space<vmem>>, vector<16xf32>,
            %mul3A_290 = arith.constant 8.000000e+00 : f32
            %mul3A_291 = vector.broadcast %mul3A_290 : f32 to vector<16xf32>
            %mul3A_292 = arith.mulf %get3A_289, %mul3A_291 : vector<16xf32>
            %add3A_293 = arith.constant 0 : i32
            %add3A_294 = arith.addi %add3A_293, %scan3A_252 : i32
            %get3A_295 = arith.index_cast %add3A_294 : i32 to index
            %get3A_296 = arith.constant 80 : index
            %get3A_297 = tpu.vector_load %arg6[%get3A_295, %get3A_296] {strides = array<i32>} : memref<128x128xf32, #tpu.memory_space<vmem>>, vector<16xf32>,
            %mul3A_298 = arith.constant 8.000000e+00 : f32
            %mul3A_299 = vector.broadcast %mul3A_298 : f32 to vector<16xf32>
            %mul3A_300 = arith.mulf %get3A_297, %mul3A_299 : vector<16xf32>
            %add3A_301 = arith.constant 0 : i32
            %add3A_302 = arith.addi %add3A_301, %scan3A_252 : i32
            %get3A_303 = arith.index_cast %add3A_302 : i32 to index
            %get3A_304 = arith.constant 96 : index
            %get3A_305 = tpu.vector_load %arg6[%get3A_303, %get3A_304] {strides = array<i32>} : memref<128x128xf32, #tpu.memory_space<vmem>>, vector<16xf32>,
            %mul3A_306 = arith.constant 8.000000e+00 : f32
            %mul3A_307 = vector.broadcast %mul3A_306 : f32 to vector<16xf32>
            %mul3A_308 = arith.mulf %get3A_305, %mul3A_307 : vector<16xf32>
            %add3A_309 = arith.constant 0 : i32
            %add3A_310 = arith.addi %add3A_309, %scan3A_252 : i32
            %get3A_311 = arith.index_cast %add3A_310 : i32 to index
            %get3A_312 = arith.constant 112 : index
            %get3A_313 = tpu.vector_load %arg6[%get3A_311, %get3A_312] {strides = array<i32>} : memref<128x128xf32, #tpu.memory_space<vmem>>, vector<16xf32>,
            %mul3A_314 = arith.constant 8.000000e+00 : f32
            %mul3A_315 = vector.broadcast %mul3A_314 : f32 to vector<16xf32>
            %mul3A_316 = arith.mulf %get3A_313, %mul3A_315 : vector<16xf32>
            %add3A_317 = arith.addi %mul3A_74, %scan3A_253 : vector<16xi32>
            tpu.vector_store_idx %arg10[%add3A_317], %mul3A_260 : memref<8320xf32, #tpu.memory_space<vmem>>[vector<16xi32>], vector<16xf32>,
            %add3A_318 = arith.addi %mul3A_80, %scan3A_253 : vector<16xi32>
            tpu.vector_store_idx %arg10[%add3A_318], %mul3A_268 : memref<8320xf32, #tpu.memory_space<vmem>>[vector<16xi32>], vector<16xf32>,
            %add3A_319 = arith.addi %mul3A_86, %scan3A_253 : vector<16xi32>
            tpu.vector_store_idx %arg10[%add3A_319], %mul3A_276 : memref<8320xf32, #tpu.memory_space<vmem>>[vector<16xi32>], vector<16xf32>,
            %add3A_320 = arith.addi %mul3A_92, %scan3A_253 : vector<16xi32>
            tpu.vector_store_idx %arg10[%add3A_320], %mul3A_284 : memref<8320xf32, #tpu.memory_space<vmem>>[vector<16xi32>], vector<16xf32>,
            %add3A_321 = arith.addi %mul3A_98, %scan3A_253 : vector<16xi32>
            tpu.vector_store_idx %arg10[%add3A_321], %mul3A_292 : memref<8320xf32, #tpu.memory_space<vmem>>[vector<16xi32>], vector<16xf32>,
            %add3A_322 = arith.addi %mul3A_104, %scan3A_253 : vector<16xi32>
            tpu.vector_store_idx %arg10[%add3A_322], %mul3A_300 : memref<8320xf32, #tpu.memory_space<vmem>>[vector<16xi32>], vector<16xf32>,
            %add3A_323 = arith.addi %mul3A_110, %scan3A_253 : vector<16xi32>
            tpu.vector_store_idx %arg10[%add3A_323], %mul3A_308 : memref<8320xf32, #tpu.memory_space<vmem>>[vector<16xi32>], vector<16xf32>,
            %add3A_324 = arith.addi %mul3A_116, %scan3A_253 : vector<16xi32>
            tpu.vector_store_idx %arg10[%add3A_324], %mul3A_316 : memref<8320xf32, #tpu.memory_space<vmem>>[vector<16xi32>], vector<16xf32>,
            %add3A_325 = arith.constant 1 : i32
            %add3A_326 = vector.broadcast %add3A_325 : i32 to vector<16xi32>
            %add3A_327 = arith.addi %scan3A_253, %add3A_326 : vector<16xi32>
            %scan3A_328 = arith.constant 1 : i32
            %scan3A_329 = arith.addi %scan3A_252, %scan3A_328 : i32
            %add3A_330 = arith.constant 0 : i32
            %add3A_331 = arith.addi %add3A_330, %scan3A_329 : i32
            %get3A_332 = arith.index_cast %add3A_331 : i32 to index
            %get3A_333 = arith.constant 0 : index
            %get3A_334 = tpu.vector_load %arg6[%get3A_332, %get3A_333] {strides = array<i32>} : memref<128x128xf32, #tpu.memory_space<vmem>>, vector<16xf32>,
            %mul3A_335 = arith.constant 8.000000e+00 : f32
            %mul3A_336 = vector.broadcast %mul3A_335 : f32 to vector<16xf32>
            %mul3A_337 = arith.mulf %get3A_334, %mul3A_336 : vector<16xf32>
            %add3A_338 = arith.constant 0 : i32
            %add3A_339 = arith.addi %add3A_338, %scan3A_329 : i32
            %get3A_340 = arith.index_cast %add3A_339 : i32 to index
            %get3A_341 = arith.constant 16 : index
            %get3A_342 = tpu.vector_load %arg6[%get3A_340, %get3A_341] {strides = array<i32>} : memref<128x128xf32, #tpu.memory_space<vmem>>, vector<16xf32>,
            %mul3A_343 = arith.constant 8.000000e+00 : f32
            %mul3A_344 = vector.broadcast %mul3A_343 : f32 to vector<16xf32>
            %mul3A_345 = arith.mulf %get3A_342, %mul3A_344 : vector<16xf32>
            %add3A_346 = arith.constant 0 : i32
            %add3A_347 = arith.addi %add3A_346, %scan3A_329 : i32
            %get3A_348 = arith.index_cast %add3A_347 : i32 to index
            %get3A_349 = arith.constant 32 : index
            %get3A_350 = tpu.vector_load %arg6[%get3A_348, %get3A_349] {strides = array<i32>} : memref<128x128xf32, #tpu.memory_space<vmem>>, vector<16xf32>,
            %mul3A_351 = arith.constant 8.000000e+00 : f32
            %mul3A_352 = vector.broadcast %mul3A_351 : f32 to vector<16xf32>
            %mul3A_353 = arith.mulf %get3A_350, %mul3A_352 : vector<16xf32>
            %add3A_354 = arith.constant 0 : i32
            %add3A_355 = arith.addi %add3A_354, %scan3A_329 : i32
            %get3A_356 = arith.index_cast %add3A_355 : i32 to index
            %get3A_357 = arith.constant 48 : index
            %get3A_358 = tpu.vector_load %arg6[%get3A_356, %get3A_357] {strides = array<i32>} : memref<128x128xf32, #tpu.memory_space<vmem>>, vector<16xf32>,
            %mul3A_359 = arith.constant 8.000000e+00 : f32
            %mul3A_360 = vector.broadcast %mul3A_359 : f32 to vector<16xf32>
            %mul3A_361 = arith.mulf %get3A_358, %mul3A_360 : vector<16xf32>
            %add3A_362 = arith.constant 0 : i32
            %add3A_363 = arith.addi %add3A_362, %scan3A_329 : i32
            %get3A_364 = arith.index_cast %add3A_363 : i32 to index
            %get3A_365 = arith.constant 64 : index
            %get3A_366 = tpu.vector_load %arg6[%get3A_364, %get3A_365] {strides = array<i32>} : memref<128x128xf32, #tpu.memory_space<vmem>>, vector<16xf32>,
            %mul3A_367 = arith.constant 8.000000e+00 : f32
            %mul3A_368 = vector.broadcast %mul3A_367 : f32 to vector<16xf32>
            %mul3A_369 = arith.mulf %get3A_366, %mul3A_368 : vector<16xf32>
            %add3A_370 = arith.constant 0 : i32
            %add3A_371 = arith.addi %add3A_370, %scan3A_329 : i32
            %get3A_372 = arith.index_cast %add3A_371 : i32 to index
            %get3A_373 = arith.constant 80 : index
            %get3A_374 = tpu.vector_load %arg6[%get3A_372, %get3A_373] {strides = array<i32>} : memref<128x128xf32, #tpu.memory_space<vmem>>, vector<16xf32>,
            %mul3A_375 = arith.constant 8.000000e+00 : f32
            %mul3A_376 = vector.broadcast %mul3A_375 : f32 to vector<16xf32>
            %mul3A_377 = arith.mulf %get3A_374, %mul3A_376 : vector<16xf32>
            %add3A_378 = arith.constant 0 : i32
            %add3A_379 = arith.addi %add3A_378, %scan3A_329 : i32
            %get3A_380 = arith.index_cast %add3A_379 : i32 to index
            %get3A_381 = arith.constant 96 : index
            %get3A_382 = tpu.vector_load %arg6[%get3A_380, %get3A_381] {strides = array<i32>} : memref<128x128xf32, #tpu.memory_space<vmem>>, vector<16xf32>,
            %mul3A_383 = arith.constant 8.000000e+00 : f32
            %mul3A_384 = vector.broadcast %mul3A_383 : f32 to vector<16xf32>
            %mul3A_385 = arith.mulf %get3A_382, %mul3A_384 : vector<16xf32>
            %add3A_386 = arith.constant 0 : i32
            %add3A_387 = arith.addi %add3A_386, %scan3A_329 : i32
            %get3A_388 = arith.index_cast %add3A_387 : i32 to index
            %get3A_389 = arith.constant 112 : index
            %get3A_390 = tpu.vector_load %arg6[%get3A_388, %get3A_389] {strides = array<i32>} : memref<128x128xf32, #tpu.memory_space<vmem>>, vector<16xf32>,
            %mul3A_391 = arith.constant 8.000000e+00 : f32
            %mul3A_392 = vector.broadcast %mul3A_391 : f32 to vector<16xf32>
            %mul3A_393 = arith.mulf %get3A_390, %mul3A_392 : vector<16xf32>
            %add3A_394 = arith.addi %mul3A_74, %add3A_327 : vector<16xi32>
            tpu.vector_store_idx %arg10[%add3A_394], %mul3A_337 : memref<8320xf32, #tpu.memory_space<vmem>>[vector<16xi32>], vector<16xf32>,
            %add3A_395 = arith.addi %mul3A_80, %add3A_327 : vector<16xi32>
            tpu.vector_store_idx %arg10[%add3A_395], %mul3A_345 : memref<8320xf32, #tpu.memory_space<vmem>>[vector<16xi32>], vector<16xf32>,
            %add3A_396 = arith.addi %mul3A_86, %add3A_327 : vector<16xi32>
            tpu.vector_store_idx %arg10[%add3A_396], %mul3A_353 : memref<8320xf32, #tpu.memory_space<vmem>>[vector<16xi32>], vector<16xf32>,
            %add3A_397 = arith.addi %mul3A_92, %add3A_327 : vector<16xi32>
            tpu.vector_store_idx %arg10[%add3A_397], %mul3A_361 : memref<8320xf32, #tpu.memory_space<vmem>>[vector<16xi32>], vector<16xf32>,
            %add3A_398 = arith.addi %mul3A_98, %add3A_327 : vector<16xi32>
            tpu.vector_store_idx %arg10[%add3A_398], %mul3A_369 : memref<8320xf32, #tpu.memory_space<vmem>>[vector<16xi32>], vector<16xf32>,
            %add3A_399 = arith.addi %mul3A_104, %add3A_327 : vector<16xi32>
            tpu.vector_store_idx %arg10[%add3A_399], %mul3A_377 : memref<8320xf32, #tpu.memory_space<vmem>>[vector<16xi32>], vector<16xf32>,
            %add3A_400 = arith.addi %mul3A_110, %add3A_327 : vector<16xi32>
            tpu.vector_store_idx %arg10[%add3A_400], %mul3A_385 : memref<8320xf32, #tpu.memory_space<vmem>>[vector<16xi32>], vector<16xf32>,
            %add3A_401 = arith.addi %mul3A_116, %add3A_327 : vector<16xi32>
            tpu.vector_store_idx %arg10[%add3A_401], %mul3A_393 : memref<8320xf32, #tpu.memory_space<vmem>>[vector<16xi32>], vector<16xf32>,
            %add3A_402 = arith.constant 1 : i32
            %add3A_403 = vector.broadcast %add3A_402 : i32 to vector<16xi32>
            %add3A_404 = arith.addi %add3A_327, %add3A_403 : vector<16xi32>
            scf.yield %add3A_404 : vector<16xi32>
          }
          %scan3A_216 = arith.constant 64 : i32
          %scan3A_217 = arith.constant 0 : i32
          %scan3A_218 = arith.constant 0 : i32
          %scan3A_219 = arith.constant 128 : i32
          %scan3A_220 = arith.addi %scan3A_218, %scan3A_219 : i32
          %scan3A_221 = arith.constant 4 : i32
          scf.for %scan3A_252 = %scan3A_218 to %scan3A_220 step %scan3A_221  : i32 {
            %mul3A_253 = arith.constant 65 : i32
            %mul3A_254 = arith.muli %scan3A_252, %mul3A_253 : i32
            %mul3A_255 = arith.constant 64 : i32
            %mul3A_256 = arith.muli %scan3A_252, %mul3A_255 : i32
            %add3A_257 = arith.constant 0 : i32
            %add3A_258 = arith.addi %add3A_257, %mul3A_256 : i32
            %add3A_259 = arith.constant 0 : i32
            %add3A_260 = arith.addi %mul3A_254, %add3A_259 : i32
            %get3A = arith.index_cast %add3A_260 : i32 to index
            %get3A_261 = tpu.vector_load %arg10[%get3A] {strides = array<i32>} : memref<8320xf32, #tpu.memory_space<vmem>>, vector<16xf32>,
            %add3A_262 = arith.constant 0 : i32
            %add3A_263 = arith.addi %add3A_258, %add3A_262 : i32
            %swap3A = arith.index_cast %add3A_263 : i32 to index
            %swap3A_264 = tpu.vector_load %arg8[%swap3A] {strides = array<i32>} : memref<16384xf32, #tpu.memory_space<vmem>>, vector<16xf32>,
            tpu.vector_store %arg8[%swap3A], %get3A_261 {strides = array<i32>} : memref<16384xf32, #tpu.memory_space<vmem>>, vector<16xf32>,
            %add3A_265 = arith.constant 16 : i32
            %add3A_266 = arith.addi %mul3A_254, %add3A_265 : i32
            %get3A_267 = arith.index_cast %add3A_266 : i32 to index
            %get3A_268 = tpu.vector_load %arg10[%get3A_267] {strides = array<i32>} : memref<8320xf32, #tpu.memory_space<vmem>>, vector<16xf32>,
            %add3A_269 = arith.constant 16 : i32
            %add3A_270 = arith.addi %add3A_258, %add3A_269 : i32
            %swap3A_271 = arith.index_cast %add3A_270 : i32 to index
            %swap3A_272 = tpu.vector_load %arg8[%swap3A_271] {strides = array<i32>} : memref<16384xf32, #tpu.memory_space<vmem>>, vector<16xf32>,
            tpu.vector_store %arg8[%swap3A_271], %get3A_268 {strides = array<i32>} : memref<16384xf32, #tpu.memory_space<vmem>>, vector<16xf32>,
            %add3A_273 = arith.constant 32 : i32
            %add3A_274 = arith.addi %mul3A_254, %add3A_273 : i32
            %get3A_275 = arith.index_cast %add3A_274 : i32 to index
            %get3A_276 = tpu.vector_load %arg10[%get3A_275] {strides = array<i32>} : memref<8320xf32, #tpu.memory_space<vmem>>, vector<16xf32>,
            %add3A_277 = arith.constant 32 : i32
            %add3A_278 = arith.addi %add3A_258, %add3A_277 : i32
            %swap3A_279 = arith.index_cast %add3A_278 : i32 to index
            %swap3A_280 = tpu.vector_load %arg8[%swap3A_279] {strides = array<i32>} : memref<16384xf32, #tpu.memory_space<vmem>>, vector<16xf32>,
            tpu.vector_store %arg8[%swap3A_279], %get3A_276 {strides = array<i32>} : memref<16384xf32, #tpu.memory_space<vmem>>, vector<16xf32>,
            %add3A_281 = arith.constant 48 : i32
            %add3A_282 = arith.addi %mul3A_254, %add3A_281 : i32
            %get3A_283 = arith.index_cast %add3A_282 : i32 to index
            %get3A_284 = tpu.vector_load %arg10[%get3A_283] {strides = array<i32>} : memref<8320xf32, #tpu.memory_space<vmem>>, vector<16xf32>,
            %add3A_285 = arith.constant 48 : i32
            %add3A_286 = arith.addi %add3A_258, %add3A_285 : i32
            %swap3A_287 = arith.index_cast %add3A_286 : i32 to index
            %swap3A_288 = tpu.vector_load %arg8[%swap3A_287] {strides = array<i32>} : memref<16384xf32, #tpu.memory_space<vmem>>, vector<16xf32>,
            tpu.vector_store %arg8[%swap3A_287], %get3A_284 {strides = array<i32>} : memref<16384xf32, #tpu.memory_space<vmem>>, vector<16xf32>,
            %scan3A_289 = arith.constant 1 : i32
            %scan3A_290 = arith.addi %scan3A_252, %scan3A_289 : i32
            %mul3A_291 = arith.constant 65 : i32
            %mul3A_292 = arith.muli %scan3A_290, %mul3A_291 : i32
            %mul3A_293 = arith.constant 64 : i32
            %mul3A_294 = arith.muli %scan3A_290, %mul3A_293 : i32
            %add3A_295 = arith.constant 0 : i32
            %add3A_296 = arith.addi %add3A_295, %mul3A_294 : i32
            %add3A_297 = arith.constant 0 : i32
            %add3A_298 = arith.addi %mul3A_292, %add3A_297 : i32
            %get3A_299 = arith.index_cast %add3A_298 : i32 to index
            %get3A_300 = tpu.vector_load %arg10[%get3A_299] {strides = array<i32>} : memref<8320xf32, #tpu.memory_space<vmem>>, vector<16xf32>,
            %add3A_301 = arith.constant 0 : i32
            %add3A_302 = arith.addi %add3A_296, %add3A_301 : i32
            %swap3A_303 = arith.index_cast %add3A_302 : i32 to index
            %swap3A_304 = tpu.vector_load %arg8[%swap3A_303] {strides = array<i32>} : memref<16384xf32, #tpu.memory_space<vmem>>, vector<16xf32>,
            tpu.vector_store %arg8[%swap3A_303], %get3A_300 {strides = array<i32>} : memref<16384xf32, #tpu.memory_space<vmem>>, vector<16xf32>,
            %add3A_305 = arith.constant 16 : i32
            %add3A_306 = arith.addi %mul3A_292, %add3A_305 : i32
            %get3A_307 = arith.index_cast %add3A_306 : i32 to index
            %get3A_308 = tpu.vector_load %arg10[%get3A_307] {strides = array<i32>} : memref<8320xf32, #tpu.memory_space<vmem>>, vector<16xf32>,
            %add3A_309 = arith.constant 16 : i32
            %add3A_310 = arith.addi %add3A_296, %add3A_309 : i32
            %swap3A_311 = arith.index_cast %add3A_310 : i32 to index
            %swap3A_312 = tpu.vector_load %arg8[%swap3A_311] {strides = array<i32>} : memref<16384xf32, #tpu.memory_space<vmem>>, vector<16xf32>,
            tpu.vector_store %arg8[%swap3A_311], %get3A_308 {strides = array<i32>} : memref<16384xf32, #tpu.memory_space<vmem>>, vector<16xf32>,
            %add3A_313 = arith.constant 32 : i32
            %add3A_314 = arith.addi %mul3A_292, %add3A_313 : i32
            %get3A_315 = arith.index_cast %add3A_314 : i32 to index
            %get3A_316 = tpu.vector_load %arg10[%get3A_315] {strides = array<i32>} : memref<8320xf32, #tpu.memory_space<vmem>>, vector<16xf32>,
            %add3A_317 = arith.constant 32 : i32
            %add3A_318 = arith.addi %add3A_296, %add3A_317 : i32
            %swap3A_319 = arith.index_cast %add3A_318 : i32 to index
            %swap3A_320 = tpu.vector_load %arg8[%swap3A_319] {strides = array<i32>} : memref<16384xf32, #tpu.memory_space<vmem>>, vector<16xf32>,
            tpu.vector_store %arg8[%swap3A_319], %get3A_316 {strides = array<i32>} : memref<16384xf32, #tpu.memory_space<vmem>>, vector<16xf32>,
            %add3A_321 = arith.constant 48 : i32
            %add3A_322 = arith.addi %mul3A_292, %add3A_321 : i32
            %get3A_323 = arith.index_cast %add3A_322 : i32 to index
            %get3A_324 = tpu.vector_load %arg10[%get3A_323] {strides = array<i32>} : memref<8320xf32, #tpu.memory_space<vmem>>, vector<16xf32>,
            %add3A_325 = arith.constant 48 : i32
            %add3A_326 = arith.addi %add3A_296, %add3A_325 : i32
            %swap3A_327 = arith.index_cast %add3A_326 : i32 to index
            %swap3A_328 = tpu.vector_load %arg8[%swap3A_327] {strides = array<i32>} : memref<16384xf32, #tpu.memory_space<vmem>>, vector<16xf32>,
            tpu.vector_store %arg8[%swap3A_327], %get3A_324 {strides = array<i32>} : memref<16384xf32, #tpu.memory_space<vmem>>, vector<16xf32>,
            %scan3A_329 = arith.constant 2 : i32
            %scan3A_330 = arith.addi %scan3A_252, %scan3A_329 : i32
            %mul3A_331 = arith.constant 65 : i32
            %mul3A_332 = arith.muli %scan3A_330, %mul3A_331 : i32
            %mul3A_333 = arith.constant 64 : i32
            %mul3A_334 = arith.muli %scan3A_330, %mul3A_333 : i32
            %add3A_335 = arith.constant 0 : i32
            %add3A_336 = arith.addi %add3A_335, %mul3A_334 : i32
            %add3A_337 = arith.constant 0 : i32
            %add3A_338 = arith.addi %mul3A_332, %add3A_337 : i32
            %get3A_339 = arith.index_cast %add3A_338 : i32 to index
            %get3A_340 = tpu.vector_load %arg10[%get3A_339] {strides = array<i32>} : memref<8320xf32, #tpu.memory_space<vmem>>, vector<16xf32>,
            %add3A_341 = arith.constant 0 : i32
            %add3A_342 = arith.addi %add3A_336, %add3A_341 : i32
            %swap3A_343 = arith.index_cast %add3A_342 : i32 to index
            %swap3A_344 = tpu.vector_load %arg8[%swap3A_343] {strides = array<i32>} : memref<16384xf32, #tpu.memory_space<vmem>>, vector<16xf32>,
            tpu.vector_store %arg8[%swap3A_343], %get3A_340 {strides = array<i32>} : memref<16384xf32, #tpu.memory_space<vmem>>, vector<16xf32>,
            %add3A_345 = arith.constant 16 : i32
            %add3A_346 = arith.addi %mul3A_332, %add3A_345 : i32
            %get3A_347 = arith.index_cast %add3A_346 : i32 to index
            %get3A_348 = tpu.vector_load %arg10[%get3A_347] {strides = array<i32>} : memref<8320xf32, #tpu.memory_space<vmem>>, vector<16xf32>,
            %add3A_349 = arith.constant 16 : i32
            %add3A_350 = arith.addi %add3A_336, %add3A_349 : i32
            %swap3A_351 = arith.index_cast %add3A_350 : i32 to index
            %swap3A_352 = tpu.vector_load %arg8[%swap3A_351] {strides = array<i32>} : memref<16384xf32, #tpu.memory_space<vmem>>, vector<16xf32>,
            tpu.vector_store %arg8[%swap3A_351], %get3A_348 {strides = array<i32>} : memref<16384xf32, #tpu.memory_space<vmem>>, vector<16xf32>,
            %add3A_353 = arith.constant 32 : i32
            %add3A_354 = arith.addi %mul3A_332, %add3A_353 : i32
            %get3A_355 = arith.index_cast %add3A_354 : i32 to index
            %get3A_356 = tpu.vector_load %arg10[%get3A_355] {strides = array<i32>} : memref<8320xf32, #tpu.memory_space<vmem>>, vector<16xf32>,
            %add3A_357 = arith.constant 32 : i32
            %add3A_358 = arith.addi %add3A_336, %add3A_357 : i32
            %swap3A_359 = arith.index_cast %add3A_358 : i32 to index
            %swap3A_360 = tpu.vector_load %arg8[%swap3A_359] {strides = array<i32>} : memref<16384xf32, #tpu.memory_space<vmem>>, vector<16xf32>,
            tpu.vector_store %arg8[%swap3A_359], %get3A_356 {strides = array<i32>} : memref<16384xf32, #tpu.memory_space<vmem>>, vector<16xf32>,
            %add3A_361 = arith.constant 48 : i32
            %add3A_362 = arith.addi %mul3A_332, %add3A_361 : i32
            %get3A_363 = arith.index_cast %add3A_362 : i32 to index
            %get3A_364 = tpu.vector_load %arg10[%get3A_363] {strides = array<i32>} : memref<8320xf32, #tpu.memory_space<vmem>>, vector<16xf32>,
            %add3A_365 = arith.constant 48 : i32
            %add3A_366 = arith.addi %add3A_336, %add3A_365 : i32
            %swap3A_367 = arith.index_cast %add3A_366 : i32 to index
            %swap3A_368 = tpu.vector_load %arg8[%swap3A_367] {strides = array<i32>} : memref<16384xf32, #tpu.memory_space<vmem>>, vector<16xf32>,
            tpu.vector_store %arg8[%swap3A_367], %get3A_364 {strides = array<i32>} : memref<16384xf32, #tpu.memory_space<vmem>>, vector<16xf32>,
            %scan3A_369 = arith.constant 3 : i32
            %scan3A_370 = arith.addi %scan3A_252, %scan3A_369 : i32
            %mul3A_371 = arith.constant 65 : i32
            %mul3A_372 = arith.muli %scan3A_370, %mul3A_371 : i32
            %mul3A_373 = arith.constant 64 : i32
            %mul3A_374 = arith.muli %scan3A_370, %mul3A_373 : i32
            %add3A_375 = arith.constant 0 : i32
            %add3A_376 = arith.addi %add3A_375, %mul3A_374 : i32
            %add3A_377 = arith.constant 0 : i32
            %add3A_378 = arith.addi %mul3A_372, %add3A_377 : i32
            %get3A_379 = arith.index_cast %add3A_378 : i32 to index
            %get3A_380 = tpu.vector_load %arg10[%get3A_379] {strides = array<i32>} : memref<8320xf32, #tpu.memory_space<vmem>>, vector<16xf32>,
            %add3A_381 = arith.constant 0 : i32
            %add3A_382 = arith.addi %add3A_376, %add3A_381 : i32
            %swap3A_383 = arith.index_cast %add3A_382 : i32 to index
            %swap3A_384 = tpu.vector_load %arg8[%swap3A_383] {strides = array<i32>} : memref<16384xf32, #tpu.memory_space<vmem>>, vector<16xf32>,
            tpu.vector_store %arg8[%swap3A_383], %get3A_380 {strides = array<i32>} : memref<16384xf32, #tpu.memory_space<vmem>>, vector<16xf32>,
            %add3A_385 = arith.constant 16 : i32
            %add3A_386 = arith.addi %mul3A_372, %add3A_385 : i32
            %get3A_387 = arith.index_cast %add3A_386 : i32 to index
            %get3A_388 = tpu.vector_load %arg10[%get3A_387] {strides = array<i32>} : memref<8320xf32, #tpu.memory_space<vmem>>, vector<16xf32>,
            %add3A_389 = arith.constant 16 : i32
            %add3A_390 = arith.addi %add3A_376, %add3A_389 : i32
            %swap3A_391 = arith.index_cast %add3A_390 : i32 to index
            %swap3A_392 = tpu.vector_load %arg8[%swap3A_391] {strides = array<i32>} : memref<16384xf32, #tpu.memory_space<vmem>>, vector<16xf32>,
            tpu.vector_store %arg8[%swap3A_391], %get3A_388 {strides = array<i32>} : memref<16384xf32, #tpu.memory_space<vmem>>, vector<16xf32>,
            %add3A_393 = arith.constant 32 : i32
            %add3A_394 = arith.addi %mul3A_372, %add3A_393 : i32
            %get3A_395 = arith.index_cast %add3A_394 : i32 to index
            %get3A_396 = tpu.vector_load %arg10[%get3A_395] {strides = array<i32>} : memref<8320xf32, #tpu.memory_space<vmem>>, vector<16xf32>,
            %add3A_397 = arith.constant 32 : i32
            %add3A_398 = arith.addi %add3A_376, %add3A_397 : i32
            %swap3A_399 = arith.index_cast %add3A_398 : i32 to index
            %swap3A_400 = tpu.vector_load %arg8[%swap3A_399] {strides = array<i32>} : memref<16384xf32, #tpu.memory_space<vmem>>, vector<16xf32>,
            tpu.vector_store %arg8[%swap3A_399], %get3A_396 {strides = array<i32>} : memref<16384xf32, #tpu.memory_space<vmem>>, vector<16xf32>,
            %add3A_401 = arith.constant 48 : i32
            %add3A_402 = arith.addi %mul3A_372, %add3A_401 : i32
            %get3A_403 = arith.index_cast %add3A_402 : i32 to index
            %get3A_404 = tpu.vector_load %arg10[%get3A_403] {strides = array<i32>} : memref<8320xf32, #tpu.memory_space<vmem>>, vector<16xf32>,
            %add3A_405 = arith.constant 48 : i32
            %add3A_406 = arith.addi %add3A_376, %add3A_405 : i32
            %swap3A_407 = arith.index_cast %add3A_406 : i32 to index
            %swap3A_408 = tpu.vector_load %arg8[%swap3A_407] {strides = array<i32>} : memref<16384xf32, #tpu.memory_space<vmem>>, vector<16xf32>,
            tpu.vector_store %arg8[%swap3A_407], %get3A_404 {strides = array<i32>} : memref<16384xf32, #tpu.memory_space<vmem>>, vector<16xf32>,
          }
          %scan3A_222 = arith.constant 128 : i32
          %broadcast_in_dim3A_223 = arith.constant 0 : i32
          %broadcast_in_dim3A_224 = vector.broadcast %broadcast_in_dim3A_223 : i32 to vector<16xi32>
          %scan3A_225 = arith.constant 0 : i32
          %scan3A_226 = arith.constant 64 : i32
          %scan3A_227 = arith.addi %scan3A_225, %scan3A_226 : i32
          %scan3A_228 = arith.constant 2 : i32
          %scan3A_229 = scf.for %scan3A_252 = %scan3A_225 to %scan3A_227 step %scan3A_228 iter_args(%scan3A_253 = %broadcast_in_dim3A_224) -> (vector<16xi32>)  : i32 {
            %add3A_254 = arith.constant 64 : i32
            %add3A_255 = arith.addi %add3A_254, %scan3A_252 : i32
            %get3A = arith.index_cast %add3A_255 : i32 to index
            %get3A_256 = arith.constant 0 : index
            %get3A_257 = tpu.vector_load %arg6[%get3A, %get3A_256] {strides = array<i32>} : memref<128x128xf32, #tpu.memory_space<vmem>>, vector<16xf32>,
            %mul3A_258 = arith.constant 8.000000e+00 : f32
            %mul3A_259 = vector.broadcast %mul3A_258 : f32 to vector<16xf32>
            %mul3A_260 = arith.mulf %get3A_257, %mul3A_259 : vector<16xf32>
            %add3A_261 = arith.constant 64 : i32
            %add3A_262 = arith.addi %add3A_261, %scan3A_252 : i32
            %get3A_263 = arith.index_cast %add3A_262 : i32 to index
            %get3A_264 = arith.constant 16 : index
            %get3A_265 = tpu.vector_load %arg6[%get3A_263, %get3A_264] {strides = array<i32>} : memref<128x128xf32, #tpu.memory_space<vmem>>, vector<16xf32>,
            %mul3A_266 = arith.constant 8.000000e+00 : f32
            %mul3A_267 = vector.broadcast %mul3A_266 : f32 to vector<16xf32>
            %mul3A_268 = arith.mulf %get3A_265, %mul3A_267 : vector<16xf32>
            %add3A_269 = arith.constant 64 : i32
            %add3A_270 = arith.addi %add3A_269, %scan3A_252 : i32
            %get3A_271 = arith.index_cast %add3A_270 : i32 to index
            %get3A_272 = arith.constant 32 : index
            %get3A_273 = tpu.vector_load %arg6[%get3A_271, %get3A_272] {strides = array<i32>} : memref<128x128xf32, #tpu.memory_space<vmem>>, vector<16xf32>,
            %mul3A_274 = arith.constant 8.000000e+00 : f32
            %mul3A_275 = vector.broadcast %mul3A_274 : f32 to vector<16xf32>
            %mul3A_276 = arith.mulf %get3A_273, %mul3A_275 : vector<16xf32>
            %add3A_277 = arith.constant 64 : i32
            %add3A_278 = arith.addi %add3A_277, %scan3A_252 : i32
            %get3A_279 = arith.index_cast %add3A_278 : i32 to index
            %get3A_280 = arith.constant 48 : index
            %get3A_281 = tpu.vector_load %arg6[%get3A_279, %get3A_280] {strides = array<i32>} : memref<128x128xf32, #tpu.memory_space<vmem>>, vector<16xf32>,
            %mul3A_282 = arith.constant 8.000000e+00 : f32
            %mul3A_283 = vector.broadcast %mul3A_282 : f32 to vector<16xf32>
            %mul3A_284 = arith.mulf %get3A_281, %mul3A_283 : vector<16xf32>
            %add3A_285 = arith.constant 64 : i32
            %add3A_286 = arith.addi %add3A_285, %scan3A_252 : i32
            %get3A_287 = arith.index_cast %add3A_286 : i32 to index
            %get3A_288 = arith.constant 64 : index
            %get3A_289 = tpu.vector_load %arg6[%get3A_287, %get3A_288] {strides = array<i32>} : memref<128x128xf32, #tpu.memory_space<vmem>>, vector<16xf32>,
            %mul3A_290 = arith.constant 8.000000e+00 : f32
            %mul3A_291 = vector.broadcast %mul3A_290 : f32 to vector<16xf32>
            %mul3A_292 = arith.mulf %get3A_289, %mul3A_291 : vector<16xf32>
            %add3A_293 = arith.constant 64 : i32
            %add3A_294 = arith.addi %add3A_293, %scan3A_252 : i32
            %get3A_295 = arith.index_cast %add3A_294 : i32 to index
            %get3A_296 = arith.constant 80 : index
            %get3A_297 = tpu.vector_load %arg6[%get3A_295, %get3A_296] {strides = array<i32>} : memref<128x128xf32, #tpu.memory_space<vmem>>, vector<16xf32>,
            %mul3A_298 = arith.constant 8.000000e+00 : f32
            %mul3A_299 = vector.broadcast %mul3A_298 : f32 to vector<16xf32>
            %mul3A_300 = arith.mulf %get3A_297, %mul3A_299 : vector<16xf32>
            %add3A_301 = arith.constant 64 : i32
            %add3A_302 = arith.addi %add3A_301, %scan3A_252 : i32
            %get3A_303 = arith.index_cast %add3A_302 : i32 to index
            %get3A_304 = arith.constant 96 : index
            %get3A_305 = tpu.vector_load %arg6[%get3A_303, %get3A_304] {strides = array<i32>} : memref<128x128xf32, #tpu.memory_space<vmem>>, vector<16xf32>,
            %mul3A_306 = arith.constant 8.000000e+00 : f32
            %mul3A_307 = vector.broadcast %mul3A_306 : f32 to vector<16xf32>
            %mul3A_308 = arith.mulf %get3A_305, %mul3A_307 : vector<16xf32>
            %add3A_309 = arith.constant 64 : i32
            %add3A_310 = arith.addi %add3A_309, %scan3A_252 : i32
            %get3A_311 = arith.index_cast %add3A_310 : i32 to index
            %get3A_312 = arith.constant 112 : index
            %get3A_313 = tpu.vector_load %arg6[%get3A_311, %get3A_312] {strides = array<i32>} : memref<128x128xf32, #tpu.memory_space<vmem>>, vector<16xf32>,
            %mul3A_314 = arith.constant 8.000000e+00 : f32
            %mul3A_315 = vector.broadcast %mul3A_314 : f32 to vector<16xf32>
            %mul3A_316 = arith.mulf %get3A_313, %mul3A_315 : vector<16xf32>
            %add3A_317 = arith.addi %mul3A_74, %scan3A_253 : vector<16xi32>
            tpu.vector_store_idx %arg10[%add3A_317], %mul3A_260 : memref<8320xf32, #tpu.memory_space<vmem>>[vector<16xi32>], vector<16xf32>,
            %add3A_318 = arith.addi %mul3A_80, %scan3A_253 : vector<16xi32>
            tpu.vector_store_idx %arg10[%add3A_318], %mul3A_268 : memref<8320xf32, #tpu.memory_space<vmem>>[vector<16xi32>], vector<16xf32>,
            %add3A_319 = arith.addi %mul3A_86, %scan3A_253 : vector<16xi32>
            tpu.vector_store_idx %arg10[%add3A_319], %mul3A_276 : memref<8320xf32, #tpu.memory_space<vmem>>[vector<16xi32>], vector<16xf32>,
            %add3A_320 = arith.addi %mul3A_92, %scan3A_253 : vector<16xi32>
            tpu.vector_store_idx %arg10[%add3A_320], %mul3A_284 : memref<8320xf32, #tpu.memory_space<vmem>>[vector<16xi32>], vector<16xf32>,
            %add3A_321 = arith.addi %mul3A_98, %scan3A_253 : vector<16xi32>
            tpu.vector_store_idx %arg10[%add3A_321], %mul3A_292 : memref<8320xf32, #tpu.memory_space<vmem>>[vector<16xi32>], vector<16xf32>,
            %add3A_322 = arith.addi %mul3A_104, %scan3A_253 : vector<16xi32>
            tpu.vector_store_idx %arg10[%add3A_322], %mul3A_300 : memref<8320xf32, #tpu.memory_space<vmem>>[vector<16xi32>], vector<16xf32>,
            %add3A_323 = arith.addi %mul3A_110, %scan3A_253 : vector<16xi32>
            tpu.vector_store_idx %arg10[%add3A_323], %mul3A_308 : memref<8320xf32, #tpu.memory_space<vmem>>[vector<16xi32>], vector<16xf32>,
            %add3A_324 = arith.addi %mul3A_116, %scan3A_253 : vector<16xi32>
            tpu.vector_store_idx %arg10[%add3A_324], %mul3A_316 : memref<8320xf32, #tpu.memory_space<vmem>>[vector<16xi32>], vector<16xf32>,
            %add3A_325 = arith.constant 1 : i32
            %add3A_326 = vector.broadcast %add3A_325 : i32 to vector<16xi32>
            %add3A_327 = arith.addi %scan3A_253, %add3A_326 : vector<16xi32>
            %scan3A_328 = arith.constant 1 : i32
            %scan3A_329 = arith.addi %scan3A_252, %scan3A_328 : i32
            %add3A_330 = arith.constant 64 : i32
            %add3A_331 = arith.addi %add3A_330, %scan3A_329 : i32
            %get3A_332 = arith.index_cast %add3A_331 : i32 to index
            %get3A_333 = arith.constant 0 : index
            %get3A_334 = tpu.vector_load %arg6[%get3A_332, %get3A_333] {strides = array<i32>} : memref<128x128xf32, #tpu.memory_space<vmem>>, vector<16xf32>,
            %mul3A_335 = arith.constant 8.000000e+00 : f32
            %mul3A_336 = vector.broadcast %mul3A_335 : f32 to vector<16xf32>
            %mul3A_337 = arith.mulf %get3A_334, %mul3A_336 : vector<16xf32>
            %add3A_338 = arith.constant 64 : i32
            %add3A_339 = arith.addi %add3A_338, %scan3A_329 : i32
            %get3A_340 = arith.index_cast %add3A_339 : i32 to index
            %get3A_341 = arith.constant 16 : index
            %get3A_342 = tpu.vector_load %arg6[%get3A_340, %get3A_341] {strides = array<i32>} : memref<128x128xf32, #tpu.memory_space<vmem>>, vector<16xf32>,
            %mul3A_343 = arith.constant 8.000000e+00 : f32
            %mul3A_344 = vector.broadcast %mul3A_343 : f32 to vector<16xf32>
            %mul3A_345 = arith.mulf %get3A_342, %mul3A_344 : vector<16xf32>
            %add3A_346 = arith.constant 64 : i32
            %add3A_347 = arith.addi %add3A_346, %scan3A_329 : i32
            %get3A_348 = arith.index_cast %add3A_347 : i32 to index
            %get3A_349 = arith.constant 32 : index
            %get3A_350 = tpu.vector_load %arg6[%get3A_348, %get3A_349] {strides = array<i32>} : memref<128x128xf32, #tpu.memory_space<vmem>>, vector<16xf32>,
            %mul3A_351 = arith.constant 8.000000e+00 : f32
            %mul3A_352 = vector.broadcast %mul3A_351 : f32 to vector<16xf32>
            %mul3A_353 = arith.mulf %get3A_350, %mul3A_352 : vector<16xf32>
            %add3A_354 = arith.constant 64 : i32
            %add3A_355 = arith.addi %add3A_354, %scan3A_329 : i32
            %get3A_356 = arith.index_cast %add3A_355 : i32 to index
            %get3A_357 = arith.constant 48 : index
            %get3A_358 = tpu.vector_load %arg6[%get3A_356, %get3A_357] {strides = array<i32>} : memref<128x128xf32, #tpu.memory_space<vmem>>, vector<16xf32>,
            %mul3A_359 = arith.constant 8.000000e+00 : f32
            %mul3A_360 = vector.broadcast %mul3A_359 : f32 to vector<16xf32>
            %mul3A_361 = arith.mulf %get3A_358, %mul3A_360 : vector<16xf32>
            %add3A_362 = arith.constant 64 : i32
            %add3A_363 = arith.addi %add3A_362, %scan3A_329 : i32
            %get3A_364 = arith.index_cast %add3A_363 : i32 to index
            %get3A_365 = arith.constant 64 : index
            %get3A_366 = tpu.vector_load %arg6[%get3A_364, %get3A_365] {strides = array<i32>} : memref<128x128xf32, #tpu.memory_space<vmem>>, vector<16xf32>,
            %mul3A_367 = arith.constant 8.000000e+00 : f32
            %mul3A_368 = vector.broadcast %mul3A_367 : f32 to vector<16xf32>
            %mul3A_369 = arith.mulf %get3A_366, %mul3A_368 : vector<16xf32>
            %add3A_370 = arith.constant 64 : i32
            %add3A_371 = arith.addi %add3A_370, %scan3A_329 : i32
            %get3A_372 = arith.index_cast %add3A_371 : i32 to index
            %get3A_373 = arith.constant 80 : index
            %get3A_374 = tpu.vector_load %arg6[%get3A_372, %get3A_373] {strides = array<i32>} : memref<128x128xf32, #tpu.memory_space<vmem>>, vector<16xf32>,
            %mul3A_375 = arith.constant 8.000000e+00 : f32
            %mul3A_376 = vector.broadcast %mul3A_375 : f32 to vector<16xf32>
            %mul3A_377 = arith.mulf %get3A_374, %mul3A_376 : vector<16xf32>
            %add3A_378 = arith.constant 64 : i32
            %add3A_379 = arith.addi %add3A_378, %scan3A_329 : i32
            %get3A_380 = arith.index_cast %add3A_379 : i32 to index
            %get3A_381 = arith.constant 96 : index
            %get3A_382 = tpu.vector_load %arg6[%get3A_380, %get3A_381] {strides = array<i32>} : memref<128x128xf32, #tpu.memory_space<vmem>>, vector<16xf32>,
            %mul3A_383 = arith.constant 8.000000e+00 : f32
            %mul3A_384 = vector.broadcast %mul3A_383 : f32 to vector<16xf32>
            %mul3A_385 = arith.mulf %get3A_382, %mul3A_384 : vector<16xf32>
            %add3A_386 = arith.constant 64 : i32
            %add3A_387 = arith.addi %add3A_386, %scan3A_329 : i32
            %get3A_388 = arith.index_cast %add3A_387 : i32 to index
            %get3A_389 = arith.constant 112 : index
            %get3A_390 = tpu.vector_load %arg6[%get3A_388, %get3A_389] {strides = array<i32>} : memref<128x128xf32, #tpu.memory_space<vmem>>, vector<16xf32>,
            %mul3A_391 = arith.constant 8.000000e+00 : f32
            %mul3A_392 = vector.broadcast %mul3A_391 : f32 to vector<16xf32>
            %mul3A_393 = arith.mulf %get3A_390, %mul3A_392 : vector<16xf32>
            %add3A_394 = arith.addi %mul3A_74, %add3A_327 : vector<16xi32>
            tpu.vector_store_idx %arg10[%add3A_394], %mul3A_337 : memref<8320xf32, #tpu.memory_space<vmem>>[vector<16xi32>], vector<16xf32>,
            %add3A_395 = arith.addi %mul3A_80, %add3A_327 : vector<16xi32>
            tpu.vector_store_idx %arg10[%add3A_395], %mul3A_345 : memref<8320xf32, #tpu.memory_space<vmem>>[vector<16xi32>], vector<16xf32>,
            %add3A_396 = arith.addi %mul3A_86, %add3A_327 : vector<16xi32>
            tpu.vector_store_idx %arg10[%add3A_396], %mul3A_353 : memref<8320xf32, #tpu.memory_space<vmem>>[vector<16xi32>], vector<16xf32>,
            %add3A_397 = arith.addi %mul3A_92, %add3A_327 : vector<16xi32>
            tpu.vector_store_idx %arg10[%add3A_397], %mul3A_361 : memref<8320xf32, #tpu.memory_space<vmem>>[vector<16xi32>], vector<16xf32>,
            %add3A_398 = arith.addi %mul3A_98, %add3A_327 : vector<16xi32>
            tpu.vector_store_idx %arg10[%add3A_398], %mul3A_369 : memref<8320xf32, #tpu.memory_space<vmem>>[vector<16xi32>], vector<16xf32>,
            %add3A_399 = arith.addi %mul3A_104, %add3A_327 : vector<16xi32>
            tpu.vector_store_idx %arg10[%add3A_399], %mul3A_377 : memref<8320xf32, #tpu.memory_space<vmem>>[vector<16xi32>], vector<16xf32>,
            %add3A_400 = arith.addi %mul3A_110, %add3A_327 : vector<16xi32>
            tpu.vector_store_idx %arg10[%add3A_400], %mul3A_385 : memref<8320xf32, #tpu.memory_space<vmem>>[vector<16xi32>], vector<16xf32>,
            %add3A_401 = arith.addi %mul3A_116, %add3A_327 : vector<16xi32>
            tpu.vector_store_idx %arg10[%add3A_401], %mul3A_393 : memref<8320xf32, #tpu.memory_space<vmem>>[vector<16xi32>], vector<16xf32>,
            %add3A_402 = arith.constant 1 : i32
            %add3A_403 = vector.broadcast %add3A_402 : i32 to vector<16xi32>
            %add3A_404 = arith.addi %add3A_327, %add3A_403 : vector<16xi32>
            scf.yield %add3A_404 : vector<16xi32>
          }
          %scan3A_230 = arith.constant 64 : i32
          %scan3A_231 = arith.constant 0 : i32
          %scan3A_232 = arith.constant 0 : i32
          %scan3A_233 = arith.constant 128 : i32
          %scan3A_234 = arith.addi %scan3A_232, %scan3A_233 : i32
          %scan3A_235 = arith.constant 4 : i32
          scf.for %scan3A_252 = %scan3A_232 to %scan3A_234 step %scan3A_235  : i32 {
            %mul3A_253 = arith.constant 65 : i32
            %mul3A_254 = arith.muli %scan3A_252, %mul3A_253 : i32
            %mul3A_255 = arith.constant 64 : i32
            %mul3A_256 = arith.muli %scan3A_252, %mul3A_255 : i32
            %add3A_257 = arith.constant 8192 : i32
            %add3A_258 = arith.addi %add3A_257, %mul3A_256 : i32
            %add3A_259 = arith.constant 0 : i32
            %add3A_260 = arith.addi %mul3A_254, %add3A_259 : i32
            %get3A = arith.index_cast %add3A_260 : i32 to index
            %get3A_261 = tpu.vector_load %arg10[%get3A] {strides = array<i32>} : memref<8320xf32, #tpu.memory_space<vmem>>, vector<16xf32>,
            %add3A_262 = arith.constant 0 : i32
            %add3A_263 = arith.addi %add3A_258, %add3A_262 : i32
            %swap3A = arith.index_cast %add3A_263 : i32 to index
            %swap3A_264 = tpu.vector_load %arg8[%swap3A] {strides = array<i32>} : memref<16384xf32, #tpu.memory_space<vmem>>, vector<16xf32>,
            tpu.vector_store %arg8[%swap3A], %get3A_261 {strides = array<i32>} : memref<16384xf32, #tpu.memory_space<vmem>>, vector<16xf32>,
            %add3A_265 = arith.constant 16 : i32
            %add3A_266 = arith.addi %mul3A_254, %add3A_265 : i32
            %get3A_267 = arith.index_cast %add3A_266 : i32 to index
            %get3A_268 = tpu.vector_load %arg10[%get3A_267] {strides = array<i32>} : memref<8320xf32, #tpu.memory_space<vmem>>, vector<16xf32>,
            %add3A_269 = arith.constant 16 : i32
            %add3A_270 = arith.addi %add3A_258, %add3A_269 : i32
            %swap3A_271 = arith.index_cast %add3A_270 : i32 to index
            %swap3A_272 = tpu.vector_load %arg8[%swap3A_271] {strides = array<i32>} : memref<16384xf32, #tpu.memory_space<vmem>>, vector<16xf32>,
            tpu.vector_store %arg8[%swap3A_271], %get3A_268 {strides = array<i32>} : memref<16384xf32, #tpu.memory_space<vmem>>, vector<16xf32>,
            %add3A_273 = arith.constant 32 : i32
            %add3A_274 = arith.addi %mul3A_254, %add3A_273 : i32
            %get3A_275 = arith.index_cast %add3A_274 : i32 to index
            %get3A_276 = tpu.vector_load %arg10[%get3A_275] {strides = array<i32>} : memref<8320xf32, #tpu.memory_space<vmem>>, vector<16xf32>,
            %add3A_277 = arith.constant 32 : i32
            %add3A_278 = arith.addi %add3A_258, %add3A_277 : i32
            %swap3A_279 = arith.index_cast %add3A_278 : i32 to index
            %swap3A_280 = tpu.vector_load %arg8[%swap3A_279] {strides = array<i32>} : memref<16384xf32, #tpu.memory_space<vmem>>, vector<16xf32>,
            tpu.vector_store %arg8[%swap3A_279], %get3A_276 {strides = array<i32>} : memref<16384xf32, #tpu.memory_space<vmem>>, vector<16xf32>,
            %add3A_281 = arith.constant 48 : i32
            %add3A_282 = arith.addi %mul3A_254, %add3A_281 : i32
            %get3A_283 = arith.index_cast %add3A_282 : i32 to index
            %get3A_284 = tpu.vector_load %arg10[%get3A_283] {strides = array<i32>} : memref<8320xf32, #tpu.memory_space<vmem>>, vector<16xf32>,
            %add3A_285 = arith.constant 48 : i32
            %add3A_286 = arith.addi %add3A_258, %add3A_285 : i32
            %swap3A_287 = arith.index_cast %add3A_286 : i32 to index
            %swap3A_288 = tpu.vector_load %arg8[%swap3A_287] {strides = array<i32>} : memref<16384xf32, #tpu.memory_space<vmem>>, vector<16xf32>,
            tpu.vector_store %arg8[%swap3A_287], %get3A_284 {strides = array<i32>} : memref<16384xf32, #tpu.memory_space<vmem>>, vector<16xf32>,
            %scan3A_289 = arith.constant 1 : i32
            %scan3A_290 = arith.addi %scan3A_252, %scan3A_289 : i32
            %mul3A_291 = arith.constant 65 : i32
            %mul3A_292 = arith.muli %scan3A_290, %mul3A_291 : i32
            %mul3A_293 = arith.constant 64 : i32
            %mul3A_294 = arith.muli %scan3A_290, %mul3A_293 : i32
            %add3A_295 = arith.constant 8192 : i32
            %add3A_296 = arith.addi %add3A_295, %mul3A_294 : i32
            %add3A_297 = arith.constant 0 : i32
            %add3A_298 = arith.addi %mul3A_292, %add3A_297 : i32
            %get3A_299 = arith.index_cast %add3A_298 : i32 to index
            %get3A_300 = tpu.vector_load %arg10[%get3A_299] {strides = array<i32>} : memref<8320xf32, #tpu.memory_space<vmem>>, vector<16xf32>,
            %add3A_301 = arith.constant 0 : i32
            %add3A_302 = arith.addi %add3A_296, %add3A_301 : i32
            %swap3A_303 = arith.index_cast %add3A_302 : i32 to index
            %swap3A_304 = tpu.vector_load %arg8[%swap3A_303] {strides = array<i32>} : memref<16384xf32, #tpu.memory_space<vmem>>, vector<16xf32>,
            tpu.vector_store %arg8[%swap3A_303], %get3A_300 {strides = array<i32>} : memref<16384xf32, #tpu.memory_space<vmem>>, vector<16xf32>,
            %add3A_305 = arith.constant 16 : i32
            %add3A_306 = arith.addi %mul3A_292, %add3A_305 : i32
            %get3A_307 = arith.index_cast %add3A_306 : i32 to index
            %get3A_308 = tpu.vector_load %arg10[%get3A_307] {strides = array<i32>} : memref<8320xf32, #tpu.memory_space<vmem>>, vector<16xf32>,
            %add3A_309 = arith.constant 16 : i32
            %add3A_310 = arith.addi %add3A_296, %add3A_309 : i32
            %swap3A_311 = arith.index_cast %add3A_310 : i32 to index
            %swap3A_312 = tpu.vector_load %arg8[%swap3A_311] {strides = array<i32>} : memref<16384xf32, #tpu.memory_space<vmem>>, vector<16xf32>,
            tpu.vector_store %arg8[%swap3A_311], %get3A_308 {strides = array<i32>} : memref<16384xf32, #tpu.memory_space<vmem>>, vector<16xf32>,
            %add3A_313 = arith.constant 32 : i32
            %add3A_314 = arith.addi %mul3A_292, %add3A_313 : i32
            %get3A_315 = arith.index_cast %add3A_314 : i32 to index
            %get3A_316 = tpu.vector_load %arg10[%get3A_315] {strides = array<i32>} : memref<8320xf32, #tpu.memory_space<vmem>>, vector<16xf32>,
            %add3A_317 = arith.constant 32 : i32
            %add3A_318 = arith.addi %add3A_296, %add3A_317 : i32
            %swap3A_319 = arith.index_cast %add3A_318 : i32 to index
            %swap3A_320 = tpu.vector_load %arg8[%swap3A_319] {strides = array<i32>} : memref<16384xf32, #tpu.memory_space<vmem>>, vector<16xf32>,
            tpu.vector_store %arg8[%swap3A_319], %get3A_316 {strides = array<i32>} : memref<16384xf32, #tpu.memory_space<vmem>>, vector<16xf32>,
            %add3A_321 = arith.constant 48 : i32
            %add3A_322 = arith.addi %mul3A_292, %add3A_321 : i32
            %get3A_323 = arith.index_cast %add3A_322 : i32 to index
            %get3A_324 = tpu.vector_load %arg10[%get3A_323] {strides = array<i32>} : memref<8320xf32, #tpu.memory_space<vmem>>, vector<16xf32>,
            %add3A_325 = arith.constant 48 : i32
            %add3A_326 = arith.addi %add3A_296, %add3A_325 : i32
            %swap3A_327 = arith.index_cast %add3A_326 : i32 to index
            %swap3A_328 = tpu.vector_load %arg8[%swap3A_327] {strides = array<i32>} : memref<16384xf32, #tpu.memory_space<vmem>>, vector<16xf32>,
            tpu.vector_store %arg8[%swap3A_327], %get3A_324 {strides = array<i32>} : memref<16384xf32, #tpu.memory_space<vmem>>, vector<16xf32>,
            %scan3A_329 = arith.constant 2 : i32
            %scan3A_330 = arith.addi %scan3A_252, %scan3A_329 : i32
            %mul3A_331 = arith.constant 65 : i32
            %mul3A_332 = arith.muli %scan3A_330, %mul3A_331 : i32
            %mul3A_333 = arith.constant 64 : i32
            %mul3A_334 = arith.muli %scan3A_330, %mul3A_333 : i32
            %add3A_335 = arith.constant 8192 : i32
            %add3A_336 = arith.addi %add3A_335, %mul3A_334 : i32
            %add3A_337 = arith.constant 0 : i32
            %add3A_338 = arith.addi %mul3A_332, %add3A_337 : i32
            %get3A_339 = arith.index_cast %add3A_338 : i32 to index
            %get3A_340 = tpu.vector_load %arg10[%get3A_339] {strides = array<i32>} : memref<8320xf32, #tpu.memory_space<vmem>>, vector<16xf32>,
            %add3A_341 = arith.constant 0 : i32
            %add3A_342 = arith.addi %add3A_336, %add3A_341 : i32
            %swap3A_343 = arith.index_cast %add3A_342 : i32 to index
            %swap3A_344 = tpu.vector_load %arg8[%swap3A_343] {strides = array<i32>} : memref<16384xf32, #tpu.memory_space<vmem>>, vector<16xf32>,
            tpu.vector_store %arg8[%swap3A_343], %get3A_340 {strides = array<i32>} : memref<16384xf32, #tpu.memory_space<vmem>>, vector<16xf32>,
            %add3A_345 = arith.constant 16 : i32
            %add3A_346 = arith.addi %mul3A_332, %add3A_345 : i32
            %get3A_347 = arith.index_cast %add3A_346 : i32 to index
            %get3A_348 = tpu.vector_load %arg10[%get3A_347] {strides = array<i32>} : memref<8320xf32, #tpu.memory_space<vmem>>, vector<16xf32>,
            %add3A_349 = arith.constant 16 : i32
            %add3A_350 = arith.addi %add3A_336, %add3A_349 : i32
            %swap3A_351 = arith.index_cast %add3A_350 : i32 to index
            %swap3A_352 = tpu.vector_load %arg8[%swap3A_351] {strides = array<i32>} : memref<16384xf32, #tpu.memory_space<vmem>>, vector<16xf32>,
            tpu.vector_store %arg8[%swap3A_351], %get3A_348 {strides = array<i32>} : memref<16384xf32, #tpu.memory_space<vmem>>, vector<16xf32>,
            %add3A_353 = arith.constant 32 : i32
            %add3A_354 = arith.addi %mul3A_332, %add3A_353 : i32
            %get3A_355 = arith.index_cast %add3A_354 : i32 to index
            %get3A_356 = tpu.vector_load %arg10[%get3A_355] {strides = array<i32>} : memref<8320xf32, #tpu.memory_space<vmem>>, vector<16xf32>,
            %add3A_357 = arith.constant 32 : i32
            %add3A_358 = arith.addi %add3A_336, %add3A_357 : i32
            %swap3A_359 = arith.index_cast %add3A_358 : i32 to index
            %swap3A_360 = tpu.vector_load %arg8[%swap3A_359] {strides = array<i32>} : memref<16384xf32, #tpu.memory_space<vmem>>, vector<16xf32>,
            tpu.vector_store %arg8[%swap3A_359], %get3A_356 {strides = array<i32>} : memref<16384xf32, #tpu.memory_space<vmem>>, vector<16xf32>,
            %add3A_361 = arith.constant 48 : i32
            %add3A_362 = arith.addi %mul3A_332, %add3A_361 : i32
            %get3A_363 = arith.index_cast %add3A_362 : i32 to index
            %get3A_364 = tpu.vector_load %arg10[%get3A_363] {strides = array<i32>} : memref<8320xf32, #tpu.memory_space<vmem>>, vector<16xf32>,
            %add3A_365 = arith.constant 48 : i32
            %add3A_366 = arith.addi %add3A_336, %add3A_365 : i32
            %swap3A_367 = arith.index_cast %add3A_366 : i32 to index
            %swap3A_368 = tpu.vector_load %arg8[%swap3A_367] {strides = array<i32>} : memref<16384xf32, #tpu.memory_space<vmem>>, vector<16xf32>,
            tpu.vector_store %arg8[%swap3A_367], %get3A_364 {strides = array<i32>} : memref<16384xf32, #tpu.memory_space<vmem>>, vector<16xf32>,
            %scan3A_369 = arith.constant 3 : i32
            %scan3A_370 = arith.addi %scan3A_252, %scan3A_369 : i32
            %mul3A_371 = arith.constant 65 : i32
            %mul3A_372 = arith.muli %scan3A_370, %mul3A_371 : i32
            %mul3A_373 = arith.constant 64 : i32
            %mul3A_374 = arith.muli %scan3A_370, %mul3A_373 : i32
            %add3A_375 = arith.constant 8192 : i32
            %add3A_376 = arith.addi %add3A_375, %mul3A_374 : i32
            %add3A_377 = arith.constant 0 : i32
            %add3A_378 = arith.addi %mul3A_372, %add3A_377 : i32
            %get3A_379 = arith.index_cast %add3A_378 : i32 to index
            %get3A_380 = tpu.vector_load %arg10[%get3A_379] {strides = array<i32>} : memref<8320xf32, #tpu.memory_space<vmem>>, vector<16xf32>,
            %add3A_381 = arith.constant 0 : i32
            %add3A_382 = arith.addi %add3A_376, %add3A_381 : i32
            %swap3A_383 = arith.index_cast %add3A_382 : i32 to index
            %swap3A_384 = tpu.vector_load %arg8[%swap3A_383] {strides = array<i32>} : memref<16384xf32, #tpu.memory_space<vmem>>, vector<16xf32>,
            tpu.vector_store %arg8[%swap3A_383], %get3A_380 {strides = array<i32>} : memref<16384xf32, #tpu.memory_space<vmem>>, vector<16xf32>,
            %add3A_385 = arith.constant 16 : i32
            %add3A_386 = arith.addi %mul3A_372, %add3A_385 : i32
            %get3A_387 = arith.index_cast %add3A_386 : i32 to index
            %get3A_388 = tpu.vector_load %arg10[%get3A_387] {strides = array<i32>} : memref<8320xf32, #tpu.memory_space<vmem>>, vector<16xf32>,
            %add3A_389 = arith.constant 16 : i32
            %add3A_390 = arith.addi %add3A_376, %add3A_389 : i32
            %swap3A_391 = arith.index_cast %add3A_390 : i32 to index
            %swap3A_392 = tpu.vector_load %arg8[%swap3A_391] {strides = array<i32>} : memref<16384xf32, #tpu.memory_space<vmem>>, vector<16xf32>,
            tpu.vector_store %arg8[%swap3A_391], %get3A_388 {strides = array<i32>} : memref<16384xf32, #tpu.memory_space<vmem>>, vector<16xf32>,
            %add3A_393 = arith.constant 32 : i32
            %add3A_394 = arith.addi %mul3A_372, %add3A_393 : i32
            %get3A_395 = arith.index_cast %add3A_394 : i32 to index
            %get3A_396 = tpu.vector_load %arg10[%get3A_395] {strides = array<i32>} : memref<8320xf32, #tpu.memory_space<vmem>>, vector<16xf32>,
            %add3A_397 = arith.constant 32 : i32
            %add3A_398 = arith.addi %add3A_376, %add3A_397 : i32
            %swap3A_399 = arith.index_cast %add3A_398 : i32 to index
            %swap3A_400 = tpu.vector_load %arg8[%swap3A_399] {strides = array<i32>} : memref<16384xf32, #tpu.memory_space<vmem>>, vector<16xf32>,
            tpu.vector_store %arg8[%swap3A_399], %get3A_396 {strides = array<i32>} : memref<16384xf32, #tpu.memory_space<vmem>>, vector<16xf32>,
            %add3A_401 = arith.constant 48 : i32
            %add3A_402 = arith.addi %mul3A_372, %add3A_401 : i32
            %get3A_403 = arith.index_cast %add3A_402 : i32 to index
            %get3A_404 = tpu.vector_load %arg10[%get3A_403] {strides = array<i32>} : memref<8320xf32, #tpu.memory_space<vmem>>, vector<16xf32>,
            %add3A_405 = arith.constant 48 : i32
            %add3A_406 = arith.addi %add3A_376, %add3A_405 : i32
            %swap3A_407 = arith.index_cast %add3A_406 : i32 to index
            %swap3A_408 = tpu.vector_load %arg8[%swap3A_407] {strides = array<i32>} : memref<16384xf32, #tpu.memory_space<vmem>>, vector<16xf32>,
            tpu.vector_store %arg8[%swap3A_407], %get3A_404 {strides = array<i32>} : memref<16384xf32, #tpu.memory_space<vmem>>, vector<16xf32>,
          }
          %scan3A_236 = arith.constant 128 : i32
          %mul3A_237 = arith.constant 32 : i32
          %mul3A_238 = arith.muli %scan3A_135, %mul3A_237 : i32
          %add3A_239 = arith.addi %add3A, %mul3A_238 : i32
          %mul3A_240 = arith.constant 256 : i32
          %mul3A_241 = arith.muli %add3A_239, %mul3A_240 : i32
          %mul3A_242 = arith.constant 64 : i32
          %mul3A_243 = arith.muli %mul3A_241, %mul3A_242 : i32
          %dma_start3A_244 = tpu.memref_slice %arg4[%mul3A_243] : memref<64000000xf32, #tpu.memory_space<hbm>> -> memref<16384xf32, #tpu.memory_space<hbm>>
          %dma_start3A_245 = tpu.memref_slice %arg4[%mul3A_243] : memref<64000000xf32, #tpu.memory_space<hbm>> -> memref<16384xf32, #tpu.memory_space<hbm>>
          tpu.enqueue_dma source(%arg8 : memref<16384xf32, #tpu.memory_space<vmem>>) target(%dma_start3A_245 : memref<16384xf32, #tpu.memory_space<hbm>>) target_semaphore(%arg17 : memref<!tpu.dma_semaphore, #tpu.memory_space<semaphore_mem>>)
          %add3A_246 = arith.constant 2 : i32
          %add3A_247 = arith.addi %scan3A_135, %add3A_246 : i32
          %lt3A_248 = arith.cmpi slt, %add3A_247, %add3A_4 : i32
          %convert_element_type3A_249 = arith.extui %lt3A_248 : i1 to i32
          %cond3A_250 = arith.constant 0 : i32
          %cond3A_251 = arith.cmpi ne, %convert_element_type3A_249, %cond3A_250 : i32
          scf.if %cond3A_251 {
            %add3A_252 = arith.constant 2 : i32
            %add3A_253 = arith.addi %scan3A_135, %add3A_252 : i32
            %mul3A_254 = arith.constant 32 : i32
            %mul3A_255 = arith.muli %add3A_253, %mul3A_254 : i32
            %add3A_256 = arith.addi %add3A, %mul3A_255 : i32
            %mul3A_257 = arith.constant 256 : i32
            %mul3A_258 = arith.muli %add3A_256, %mul3A_257 : i32
            %add3A_259 = arith.constant 0 : i32
            %add3A_260 = arith.addi %mul3A_258, %add3A_259 : i32
            %dma_start3A_261 = arith.constant 0 : i32
            %dma_start3A_262 = arith.constant 0 : i32
            %dma_start3A_263 = tpu.memref_slice %arg6[%dma_start3A_261, %dma_start3A_262] : memref<128x128xf32, #tpu.memory_space<vmem>> -> memref<64x128xf32, #tpu.memory_space<vmem>>
            %dma_start3A_264 = arith.constant 0 : i32
            %dma_start3A_265 = tpu.memref_slice %arg2[%dma_start3A_264, %add3A_260] : memref<64x1000000xf32, #tpu.memory_space<hbm>> -> memref<64x128xf32, #tpu.memory_space<hbm>>
            %dma_start3A_266 = arith.constant 0 : i32
            %dma_start3A_267 = arith.constant 0 : i32
            %dma_start3A_268 = tpu.memref_slice %arg6[%dma_start3A_266, %dma_start3A_267] : memref<128x128xf32, #tpu.memory_space<vmem>> -> memref<64x128xf32, #tpu.memory_space<vmem>>
            %dma_start3A_269 = arith.constant 0 : i32
            %dma_start3A_270 = tpu.memref_slice %arg2[%dma_start3A_269, %add3A_260] : memref<64x1000000xf32, #tpu.memory_space<hbm>> -> memref<64x128xf32, #tpu.memory_space<hbm>>
            tpu.enqueue_dma source(%dma_start3A_270 : memref<64x128xf32, #tpu.memory_space<hbm>>) target(%dma_start3A_268 : memref<64x128xf32, #tpu.memory_space<vmem>>) target_semaphore(%arg15 : memref<!tpu.dma_semaphore, #tpu.memory_space<semaphore_mem>>)
            %add3A_271 = arith.constant 128 : i32
            %add3A_272 = arith.addi %mul3A_258, %add3A_271 : i32
            %dma_start3A_273 = arith.constant 64 : i32
            %dma_start3A_274 = arith.constant 0 : i32
            %dma_start3A_275 = tpu.memref_slice %arg6[%dma_start3A_273, %dma_start3A_274] : memref<128x128xf32, #tpu.memory_space<vmem>> -> memref<64x128xf32, #tpu.memory_space<vmem>>
            %dma_start3A_276 = arith.constant 0 : i32
            %dma_start3A_277 = tpu.memref_slice %arg2[%dma_start3A_276, %add3A_272] : memref<64x1000000xf32, #tpu.memory_space<hbm>> -> memref<64x128xf32, #tpu.memory_space<hbm>>
            %dma_start3A_278 = arith.constant 64 : i32
            %dma_start3A_279 = arith.constant 0 : i32
            %dma_start3A_280 = tpu.memref_slice %arg6[%dma_start3A_278, %dma_start3A_279] : memref<128x128xf32, #tpu.memory_space<vmem>> -> memref<64x128xf32, #tpu.memory_space<vmem>>
            %dma_start3A_281 = arith.constant 0 : i32
            %dma_start3A_282 = tpu.memref_slice %arg2[%dma_start3A_281, %add3A_272] : memref<64x1000000xf32, #tpu.memory_space<hbm>> -> memref<64x128xf32, #tpu.memory_space<hbm>>
            tpu.enqueue_dma source(%dma_start3A_282 : memref<64x128xf32, #tpu.memory_space<hbm>>) target(%dma_start3A_280 : memref<64x128xf32, #tpu.memory_space<vmem>>) target_semaphore(%arg15 : memref<!tpu.dma_semaphore, #tpu.memory_space<semaphore_mem>>)
          } else {
          }
        } else {
        }
        %jit3A_161 = arith.constant 2 : i32
        %eq3A_162 = arith.constant 0 : i32
        %eq3A_163 = arith.cmpi eq, %jit3A_161, %eq3A_162 : i32
        %jit3A_164 = arith.constant 1 : i32
        %select_n3A_165 = arith.select %eq3A_163, %jit3A_164, %jit3A_161 : i32
        %rem3A_166 = arith.remsi %scan3A_135, %select_n3A_165 : i32
        %ne3A_167 = arith.constant 0 : i32
        %ne3A_168 = arith.cmpi ne, %rem3A_166, %ne3A_167 : i32
        %lt3A_169 = arith.constant 0 : i32
        %lt3A_170 = arith.cmpi slt, %rem3A_166, %lt3A_169 : i32
        %lt3A_171 = arith.constant 0 : i32
        %lt3A_172 = arith.cmpi slt, %select_n3A_165, %lt3A_171 : i32
        %ne3A_173 = arith.xori %lt3A_170, %lt3A_172 : i1
        %and3A_174 = arith.andi %ne3A_173, %ne3A_168 : i1
        %add3A_175 = arith.addi %rem3A_166, %select_n3A_165 : i32
        %select_n3A_176 = arith.select %and3A_174, %add3A_175, %rem3A_166 : i32
        %eq3A_177 = arith.constant 1 : i32
        %eq3A_178 = arith.cmpi eq, %select_n3A_176, %eq3A_177 : i32
        %convert_element_type3A_179 = arith.extui %eq3A_178 : i1 to i32
        %cond3A_180 = arith.constant 0 : i32
        %cond3A_181 = arith.cmpi ne, %convert_element_type3A_179, %cond3A_180 : i32
        scf.if %cond3A_181 {
          %dma_wait3A_182 = arith.constant 0 : i32
          %dma_wait3A_183 = arith.constant 0 : i32
          %dma_wait3A_184 = tpu.memref_slice %arg7[%dma_wait3A_182, %dma_wait3A_183] : memref<128x128xf32, #tpu.memory_space<vmem>> -> memref<64x128xf32, #tpu.memory_space<vmem>>
          %dma_wait3A_185 = arith.constant 0 : i32
          %dma_wait3A_186 = arith.constant 0 : i32
          %dma_wait3A_187 = tpu.memref_slice %arg2[%dma_wait3A_185, %dma_wait3A_186] : memref<64x1000000xf32, #tpu.memory_space<hbm>> -> memref<64x128xf32, #tpu.memory_space<hbm>>
          %dma_wait3A_188 = arith.constant 0 : i32
          %dma_wait3A_189 = arith.constant 0 : i32
          %dma_wait3A_190 = tpu.memref_slice %arg7[%dma_wait3A_188, %dma_wait3A_189] : memref<128x128xf32, #tpu.memory_space<vmem>> -> memref<64x128xf32, #tpu.memory_space<vmem>>
          %dma_wait3A_191 = arith.constant 0 : i32
          %dma_wait3A_192 = arith.constant 0 : i32
          %dma_wait3A_193 = tpu.memref_slice %arg2[%dma_wait3A_191, %dma_wait3A_192] : memref<64x1000000xf32, #tpu.memory_space<hbm>> -> memref<64x128xf32, #tpu.memory_space<hbm>>
          tpu.wait_dma2 semaphore(%arg16 : memref<!tpu.dma_semaphore, #tpu.memory_space<semaphore_mem>>) src(%dma_wait3A_193 : memref<64x128xf32, #tpu.memory_space<hbm>>) dst(%dma_wait3A_190 : memref<64x128xf32, #tpu.memory_space<vmem>>)
          %dma_wait3A_194 = arith.constant 64 : i32
          %dma_wait3A_195 = arith.constant 0 : i32
          %dma_wait3A_196 = tpu.memref_slice %arg7[%dma_wait3A_194, %dma_wait3A_195] : memref<128x128xf32, #tpu.memory_space<vmem>> -> memref<64x128xf32, #tpu.memory_space<vmem>>
          %dma_wait3A_197 = arith.constant 0 : i32
          %dma_wait3A_198 = arith.constant 0 : i32
          %dma_wait3A_199 = tpu.memref_slice %arg2[%dma_wait3A_197, %dma_wait3A_198] : memref<64x1000000xf32, #tpu.memory_space<hbm>> -> memref<64x128xf32, #tpu.memory_space<hbm>>
          %dma_wait3A_200 = arith.constant 64 : i32
          %dma_wait3A_201 = arith.constant 0 : i32
          %dma_wait3A_202 = tpu.memref_slice %arg7[%dma_wait3A_200, %dma_wait3A_201] : memref<128x128xf32, #tpu.memory_space<vmem>> -> memref<64x128xf32, #tpu.memory_space<vmem>>
          %dma_wait3A_203 = arith.constant 0 : i32
          %dma_wait3A_204 = arith.constant 0 : i32
          %dma_wait3A_205 = tpu.memref_slice %arg2[%dma_wait3A_203, %dma_wait3A_204] : memref<64x1000000xf32, #tpu.memory_space<hbm>> -> memref<64x128xf32, #tpu.memory_space<hbm>>
          tpu.wait_dma2 semaphore(%arg16 : memref<!tpu.dma_semaphore, #tpu.memory_space<semaphore_mem>>) src(%dma_wait3A_205 : memref<64x128xf32, #tpu.memory_space<hbm>>) dst(%dma_wait3A_202 : memref<64x128xf32, #tpu.memory_space<vmem>>)
          %ge3A = arith.constant 2 : i32
          %ge3A_206 = arith.cmpi sge, %scan3A_135, %ge3A : i32
          %convert_element_type3A_207 = arith.extui %ge3A_206 : i1 to i32
          %cond3A_208 = arith.constant 0 : i32
          %cond3A_209 = arith.cmpi ne, %convert_element_type3A_207, %cond3A_208 : i32
          scf.if %cond3A_209 {
            %dma_wait3A_252 = arith.constant 0 : i32
            %dma_wait3A_253 = tpu.memref_slice %arg4[%dma_wait3A_252] : memref<64000000xf32, #tpu.memory_space<hbm>> -> memref<16384xf32, #tpu.memory_space<hbm>>
            %dma_wait3A_254 = arith.constant 0 : i32
            %dma_wait3A_255 = tpu.memref_slice %arg4[%dma_wait3A_254] : memref<64000000xf32, #tpu.memory_space<hbm>> -> memref<16384xf32, #tpu.memory_space<hbm>>
            tpu.wait_dma2 semaphore(%arg18 : memref<!tpu.dma_semaphore, #tpu.memory_space<semaphore_mem>>) src(%arg9 : memref<16384xf32, #tpu.memory_space<vmem>>) dst(%dma_wait3A_255 : memref<16384xf32, #tpu.memory_space<hbm>>)
          } else {
          }
          %broadcast_in_dim3A = arith.constant 0 : i32
          %broadcast_in_dim3A_210 = vector.broadcast %broadcast_in_dim3A : i32 to vector<16xi32>
          %scan3A_211 = arith.constant 0 : i32
          %scan3A_212 = arith.constant 64 : i32
          %scan3A_213 = arith.addi %scan3A_211, %scan3A_212 : i32
          %scan3A_214 = arith.constant 2 : i32
          %scan3A_215 = scf.for %scan3A_252 = %scan3A_211 to %scan3A_213 step %scan3A_214 iter_args(%scan3A_253 = %broadcast_in_dim3A_210) -> (vector<16xi32>)  : i32 {
            %add3A_254 = arith.constant 0 : i32
            %add3A_255 = arith.addi %add3A_254, %scan3A_252 : i32
            %get3A = arith.index_cast %add3A_255 : i32 to index
            %get3A_256 = arith.constant 0 : index
            %get3A_257 = tpu.vector_load %arg7[%get3A, %get3A_256] {strides = array<i32>} : memref<128x128xf32, #tpu.memory_space<vmem>>, vector<16xf32>,
            %mul3A_258 = arith.constant 8.000000e+00 : f32
            %mul3A_259 = vector.broadcast %mul3A_258 : f32 to vector<16xf32>
            %mul3A_260 = arith.mulf %get3A_257, %mul3A_259 : vector<16xf32>
            %add3A_261 = arith.constant 0 : i32
            %add3A_262 = arith.addi %add3A_261, %scan3A_252 : i32
            %get3A_263 = arith.index_cast %add3A_262 : i32 to index
            %get3A_264 = arith.constant 16 : index
            %get3A_265 = tpu.vector_load %arg7[%get3A_263, %get3A_264] {strides = array<i32>} : memref<128x128xf32, #tpu.memory_space<vmem>>, vector<16xf32>,
            %mul3A_266 = arith.constant 8.000000e+00 : f32
            %mul3A_267 = vector.broadcast %mul3A_266 : f32 to vector<16xf32>
            %mul3A_268 = arith.mulf %get3A_265, %mul3A_267 : vector<16xf32>
            %add3A_269 = arith.constant 0 : i32
            %add3A_270 = arith.addi %add3A_269, %scan3A_252 : i32
            %get3A_271 = arith.index_cast %add3A_270 : i32 to index
            %get3A_272 = arith.constant 32 : index
            %get3A_273 = tpu.vector_load %arg7[%get3A_271, %get3A_272] {strides = array<i32>} : memref<128x128xf32, #tpu.memory_space<vmem>>, vector<16xf32>,
            %mul3A_274 = arith.constant 8.000000e+00 : f32
            %mul3A_275 = vector.broadcast %mul3A_274 : f32 to vector<16xf32>
            %mul3A_276 = arith.mulf %get3A_273, %mul3A_275 : vector<16xf32>
            %add3A_277 = arith.constant 0 : i32
            %add3A_278 = arith.addi %add3A_277, %scan3A_252 : i32
            %get3A_279 = arith.index_cast %add3A_278 : i32 to index
            %get3A_280 = arith.constant 48 : index
            %get3A_281 = tpu.vector_load %arg7[%get3A_279, %get3A_280] {strides = array<i32>} : memref<128x128xf32, #tpu.memory_space<vmem>>, vector<16xf32>,
            %mul3A_282 = arith.constant 8.000000e+00 : f32
            %mul3A_283 = vector.broadcast %mul3A_282 : f32 to vector<16xf32>
            %mul3A_284 = arith.mulf %get3A_281, %mul3A_283 : vector<16xf32>
            %add3A_285 = arith.constant 0 : i32
            %add3A_286 = arith.addi %add3A_285, %scan3A_252 : i32
            %get3A_287 = arith.index_cast %add3A_286 : i32 to index
            %get3A_288 = arith.constant 64 : index
            %get3A_289 = tpu.vector_load %arg7[%get3A_287, %get3A_288] {strides = array<i32>} : memref<128x128xf32, #tpu.memory_space<vmem>>, vector<16xf32>,
            %mul3A_290 = arith.constant 8.000000e+00 : f32
            %mul3A_291 = vector.broadcast %mul3A_290 : f32 to vector<16xf32>
            %mul3A_292 = arith.mulf %get3A_289, %mul3A_291 : vector<16xf32>
            %add3A_293 = arith.constant 0 : i32
            %add3A_294 = arith.addi %add3A_293, %scan3A_252 : i32
            %get3A_295 = arith.index_cast %add3A_294 : i32 to index
            %get3A_296 = arith.constant 80 : index
            %get3A_297 = tpu.vector_load %arg7[%get3A_295, %get3A_296] {strides = array<i32>} : memref<128x128xf32, #tpu.memory_space<vmem>>, vector<16xf32>,
            %mul3A_298 = arith.constant 8.000000e+00 : f32
            %mul3A_299 = vector.broadcast %mul3A_298 : f32 to vector<16xf32>
            %mul3A_300 = arith.mulf %get3A_297, %mul3A_299 : vector<16xf32>
            %add3A_301 = arith.constant 0 : i32
            %add3A_302 = arith.addi %add3A_301, %scan3A_252 : i32
            %get3A_303 = arith.index_cast %add3A_302 : i32 to index
            %get3A_304 = arith.constant 96 : index
            %get3A_305 = tpu.vector_load %arg7[%get3A_303, %get3A_304] {strides = array<i32>} : memref<128x128xf32, #tpu.memory_space<vmem>>, vector<16xf32>,
            %mul3A_306 = arith.constant 8.000000e+00 : f32
            %mul3A_307 = vector.broadcast %mul3A_306 : f32 to vector<16xf32>
            %mul3A_308 = arith.mulf %get3A_305, %mul3A_307 : vector<16xf32>
            %add3A_309 = arith.constant 0 : i32
            %add3A_310 = arith.addi %add3A_309, %scan3A_252 : i32
            %get3A_311 = arith.index_cast %add3A_310 : i32 to index
            %get3A_312 = arith.constant 112 : index
            %get3A_313 = tpu.vector_load %arg7[%get3A_311, %get3A_312] {strides = array<i32>} : memref<128x128xf32, #tpu.memory_space<vmem>>, vector<16xf32>,
            %mul3A_314 = arith.constant 8.000000e+00 : f32
            %mul3A_315 = vector.broadcast %mul3A_314 : f32 to vector<16xf32>
            %mul3A_316 = arith.mulf %get3A_313, %mul3A_315 : vector<16xf32>
            %add3A_317 = arith.addi %mul3A_74, %scan3A_253 : vector<16xi32>
            tpu.vector_store_idx %arg10[%add3A_317], %mul3A_260 : memref<8320xf32, #tpu.memory_space<vmem>>[vector<16xi32>], vector<16xf32>,
            %add3A_318 = arith.addi %mul3A_80, %scan3A_253 : vector<16xi32>
            tpu.vector_store_idx %arg10[%add3A_318], %mul3A_268 : memref<8320xf32, #tpu.memory_space<vmem>>[vector<16xi32>], vector<16xf32>,
            %add3A_319 = arith.addi %mul3A_86, %scan3A_253 : vector<16xi32>
            tpu.vector_store_idx %arg10[%add3A_319], %mul3A_276 : memref<8320xf32, #tpu.memory_space<vmem>>[vector<16xi32>], vector<16xf32>,
            %add3A_320 = arith.addi %mul3A_92, %scan3A_253 : vector<16xi32>
            tpu.vector_store_idx %arg10[%add3A_320], %mul3A_284 : memref<8320xf32, #tpu.memory_space<vmem>>[vector<16xi32>], vector<16xf32>,
            %add3A_321 = arith.addi %mul3A_98, %scan3A_253 : vector<16xi32>
            tpu.vector_store_idx %arg10[%add3A_321], %mul3A_292 : memref<8320xf32, #tpu.memory_space<vmem>>[vector<16xi32>], vector<16xf32>,
            %add3A_322 = arith.addi %mul3A_104, %scan3A_253 : vector<16xi32>
            tpu.vector_store_idx %arg10[%add3A_322], %mul3A_300 : memref<8320xf32, #tpu.memory_space<vmem>>[vector<16xi32>], vector<16xf32>,
            %add3A_323 = arith.addi %mul3A_110, %scan3A_253 : vector<16xi32>
            tpu.vector_store_idx %arg10[%add3A_323], %mul3A_308 : memref<8320xf32, #tpu.memory_space<vmem>>[vector<16xi32>], vector<16xf32>,
            %add3A_324 = arith.addi %mul3A_116, %scan3A_253 : vector<16xi32>
            tpu.vector_store_idx %arg10[%add3A_324], %mul3A_316 : memref<8320xf32, #tpu.memory_space<vmem>>[vector<16xi32>], vector<16xf32>,
            %add3A_325 = arith.constant 1 : i32
            %add3A_326 = vector.broadcast %add3A_325 : i32 to vector<16xi32>
            %add3A_327 = arith.addi %scan3A_253, %add3A_326 : vector<16xi32>
            %scan3A_328 = arith.constant 1 : i32
            %scan3A_329 = arith.addi %scan3A_252, %scan3A_328 : i32
            %add3A_330 = arith.constant 0 : i32
            %add3A_331 = arith.addi %add3A_330, %scan3A_329 : i32
            %get3A_332 = arith.index_cast %add3A_331 : i32 to index
            %get3A_333 = arith.constant 0 : index
            %get3A_334 = tpu.vector_load %arg7[%get3A_332, %get3A_333] {strides = array<i32>} : memref<128x128xf32, #tpu.memory_space<vmem>>, vector<16xf32>,
            %mul3A_335 = arith.constant 8.000000e+00 : f32
            %mul3A_336 = vector.broadcast %mul3A_335 : f32 to vector<16xf32>
            %mul3A_337 = arith.mulf %get3A_334, %mul3A_336 : vector<16xf32>
            %add3A_338 = arith.constant 0 : i32
            %add3A_339 = arith.addi %add3A_338, %scan3A_329 : i32
            %get3A_340 = arith.index_cast %add3A_339 : i32 to index
            %get3A_341 = arith.constant 16 : index
            %get3A_342 = tpu.vector_load %arg7[%get3A_340, %get3A_341] {strides = array<i32>} : memref<128x128xf32, #tpu.memory_space<vmem>>, vector<16xf32>,
            %mul3A_343 = arith.constant 8.000000e+00 : f32
            %mul3A_344 = vector.broadcast %mul3A_343 : f32 to vector<16xf32>
            %mul3A_345 = arith.mulf %get3A_342, %mul3A_344 : vector<16xf32>
            %add3A_346 = arith.constant 0 : i32
            %add3A_347 = arith.addi %add3A_346, %scan3A_329 : i32
            %get3A_348 = arith.index_cast %add3A_347 : i32 to index
            %get3A_349 = arith.constant 32 : index
            %get3A_350 = tpu.vector_load %arg7[%get3A_348, %get3A_349] {strides = array<i32>} : memref<128x128xf32, #tpu.memory_space<vmem>>, vector<16xf32>,
            %mul3A_351 = arith.constant 8.000000e+00 : f32
            %mul3A_352 = vector.broadcast %mul3A_351 : f32 to vector<16xf32>
            %mul3A_353 = arith.mulf %get3A_350, %mul3A_352 : vector<16xf32>
            %add3A_354 = arith.constant 0 : i32
            %add3A_355 = arith.addi %add3A_354, %scan3A_329 : i32
            %get3A_356 = arith.index_cast %add3A_355 : i32 to index
            %get3A_357 = arith.constant 48 : index
            %get3A_358 = tpu.vector_load %arg7[%get3A_356, %get3A_357] {strides = array<i32>} : memref<128x128xf32, #tpu.memory_space<vmem>>, vector<16xf32>,
            %mul3A_359 = arith.constant 8.000000e+00 : f32
            %mul3A_360 = vector.broadcast %mul3A_359 : f32 to vector<16xf32>
            %mul3A_361 = arith.mulf %get3A_358, %mul3A_360 : vector<16xf32>
            %add3A_362 = arith.constant 0 : i32
            %add3A_363 = arith.addi %add3A_362, %scan3A_329 : i32
            %get3A_364 = arith.index_cast %add3A_363 : i32 to index
            %get3A_365 = arith.constant 64 : index
            %get3A_366 = tpu.vector_load %arg7[%get3A_364, %get3A_365] {strides = array<i32>} : memref<128x128xf32, #tpu.memory_space<vmem>>, vector<16xf32>,
            %mul3A_367 = arith.constant 8.000000e+00 : f32
            %mul3A_368 = vector.broadcast %mul3A_367 : f32 to vector<16xf32>
            %mul3A_369 = arith.mulf %get3A_366, %mul3A_368 : vector<16xf32>
            %add3A_370 = arith.constant 0 : i32
            %add3A_371 = arith.addi %add3A_370, %scan3A_329 : i32
            %get3A_372 = arith.index_cast %add3A_371 : i32 to index
            %get3A_373 = arith.constant 80 : index
            %get3A_374 = tpu.vector_load %arg7[%get3A_372, %get3A_373] {strides = array<i32>} : memref<128x128xf32, #tpu.memory_space<vmem>>, vector<16xf32>,
            %mul3A_375 = arith.constant 8.000000e+00 : f32
            %mul3A_376 = vector.broadcast %mul3A_375 : f32 to vector<16xf32>
            %mul3A_377 = arith.mulf %get3A_374, %mul3A_376 : vector<16xf32>
            %add3A_378 = arith.constant 0 : i32
            %add3A_379 = arith.addi %add3A_378, %scan3A_329 : i32
            %get3A_380 = arith.index_cast %add3A_379 : i32 to index
            %get3A_381 = arith.constant 96 : index
            %get3A_382 = tpu.vector_load %arg7[%get3A_380, %get3A_381] {strides = array<i32>} : memref<128x128xf32, #tpu.memory_space<vmem>>, vector<16xf32>,
            %mul3A_383 = arith.constant 8.000000e+00 : f32
            %mul3A_384 = vector.broadcast %mul3A_383 : f32 to vector<16xf32>
            %mul3A_385 = arith.mulf %get3A_382, %mul3A_384 : vector<16xf32>
            %add3A_386 = arith.constant 0 : i32
            %add3A_387 = arith.addi %add3A_386, %scan3A_329 : i32
            %get3A_388 = arith.index_cast %add3A_387 : i32 to index
            %get3A_389 = arith.constant 112 : index
            %get3A_390 = tpu.vector_load %arg7[%get3A_388, %get3A_389] {strides = array<i32>} : memref<128x128xf32, #tpu.memory_space<vmem>>, vector<16xf32>,
            %mul3A_391 = arith.constant 8.000000e+00 : f32
            %mul3A_392 = vector.broadcast %mul3A_391 : f32 to vector<16xf32>
            %mul3A_393 = arith.mulf %get3A_390, %mul3A_392 : vector<16xf32>
            %add3A_394 = arith.addi %mul3A_74, %add3A_327 : vector<16xi32>
            tpu.vector_store_idx %arg10[%add3A_394], %mul3A_337 : memref<8320xf32, #tpu.memory_space<vmem>>[vector<16xi32>], vector<16xf32>,
            %add3A_395 = arith.addi %mul3A_80, %add3A_327 : vector<16xi32>
            tpu.vector_store_idx %arg10[%add3A_395], %mul3A_345 : memref<8320xf32, #tpu.memory_space<vmem>>[vector<16xi32>], vector<16xf32>,
            %add3A_396 = arith.addi %mul3A_86, %add3A_327 : vector<16xi32>
            tpu.vector_store_idx %arg10[%add3A_396], %mul3A_353 : memref<8320xf32, #tpu.memory_space<vmem>>[vector<16xi32>], vector<16xf32>,
            %add3A_397 = arith.addi %mul3A_92, %add3A_327 : vector<16xi32>
            tpu.vector_store_idx %arg10[%add3A_397], %mul3A_361 : memref<8320xf32, #tpu.memory_space<vmem>>[vector<16xi32>], vector<16xf32>,
            %add3A_398 = arith.addi %mul3A_98, %add3A_327 : vector<16xi32>
            tpu.vector_store_idx %arg10[%add3A_398], %mul3A_369 : memref<8320xf32, #tpu.memory_space<vmem>>[vector<16xi32>], vector<16xf32>,
            %add3A_399 = arith.addi %mul3A_104, %add3A_327 : vector<16xi32>
            tpu.vector_store_idx %arg10[%add3A_399], %mul3A_377 : memref<8320xf32, #tpu.memory_space<vmem>>[vector<16xi32>], vector<16xf32>,
            %add3A_400 = arith.addi %mul3A_110, %add3A_327 : vector<16xi32>
            tpu.vector_store_idx %arg10[%add3A_400], %mul3A_385 : memref<8320xf32, #tpu.memory_space<vmem>>[vector<16xi32>], vector<16xf32>,
            %add3A_401 = arith.addi %mul3A_116, %add3A_327 : vector<16xi32>
            tpu.vector_store_idx %arg10[%add3A_401], %mul3A_393 : memref<8320xf32, #tpu.memory_space<vmem>>[vector<16xi32>], vector<16xf32>,
            %add3A_402 = arith.constant 1 : i32
            %add3A_403 = vector.broadcast %add3A_402 : i32 to vector<16xi32>
            %add3A_404 = arith.addi %add3A_327, %add3A_403 : vector<16xi32>
            scf.yield %add3A_404 : vector<16xi32>
          }
          %scan3A_216 = arith.constant 64 : i32
          %scan3A_217 = arith.constant 0 : i32
          %scan3A_218 = arith.constant 0 : i32
          %scan3A_219 = arith.constant 128 : i32
          %scan3A_220 = arith.addi %scan3A_218, %scan3A_219 : i32
          %scan3A_221 = arith.constant 4 : i32
          scf.for %scan3A_252 = %scan3A_218 to %scan3A_220 step %scan3A_221  : i32 {
            %mul3A_253 = arith.constant 65 : i32
            %mul3A_254 = arith.muli %scan3A_252, %mul3A_253 : i32
            %mul3A_255 = arith.constant 64 : i32
            %mul3A_256 = arith.muli %scan3A_252, %mul3A_255 : i32
            %add3A_257 = arith.constant 0 : i32
            %add3A_258 = arith.addi %add3A_257, %mul3A_256 : i32
            %add3A_259 = arith.constant 0 : i32
            %add3A_260 = arith.addi %mul3A_254, %add3A_259 : i32
            %get3A = arith.index_cast %add3A_260 : i32 to index
            %get3A_261 = tpu.vector_load %arg10[%get3A] {strides = array<i32>} : memref<8320xf32, #tpu.memory_space<vmem>>, vector<16xf32>,
            %add3A_262 = arith.constant 0 : i32
            %add3A_263 = arith.addi %add3A_258, %add3A_262 : i32
            %swap3A = arith.index_cast %add3A_263 : i32 to index
            %swap3A_264 = tpu.vector_load %arg9[%swap3A] {strides = array<i32>} : memref<16384xf32, #tpu.memory_space<vmem>>, vector<16xf32>,
            tpu.vector_store %arg9[%swap3A], %get3A_261 {strides = array<i32>} : memref<16384xf32, #tpu.memory_space<vmem>>, vector<16xf32>,
            %add3A_265 = arith.constant 16 : i32
            %add3A_266 = arith.addi %mul3A_254, %add3A_265 : i32
            %get3A_267 = arith.index_cast %add3A_266 : i32 to index
            %get3A_268 = tpu.vector_load %arg10[%get3A_267] {strides = array<i32>} : memref<8320xf32, #tpu.memory_space<vmem>>, vector<16xf32>,
            %add3A_269 = arith.constant 16 : i32
            %add3A_270 = arith.addi %add3A_258, %add3A_269 : i32
            %swap3A_271 = arith.index_cast %add3A_270 : i32 to index
            %swap3A_272 = tpu.vector_load %arg9[%swap3A_271] {strides = array<i32>} : memref<16384xf32, #tpu.memory_space<vmem>>, vector<16xf32>,
            tpu.vector_store %arg9[%swap3A_271], %get3A_268 {strides = array<i32>} : memref<16384xf32, #tpu.memory_space<vmem>>, vector<16xf32>,
            %add3A_273 = arith.constant 32 : i32
            %add3A_274 = arith.addi %mul3A_254, %add3A_273 : i32
            %get3A_275 = arith.index_cast %add3A_274 : i32 to index
            %get3A_276 = tpu.vector_load %arg10[%get3A_275] {strides = array<i32>} : memref<8320xf32, #tpu.memory_space<vmem>>, vector<16xf32>,
            %add3A_277 = arith.constant 32 : i32
            %add3A_278 = arith.addi %add3A_258, %add3A_277 : i32
            %swap3A_279 = arith.index_cast %add3A_278 : i32 to index
            %swap3A_280 = tpu.vector_load %arg9[%swap3A_279] {strides = array<i32>} : memref<16384xf32, #tpu.memory_space<vmem>>, vector<16xf32>,
            tpu.vector_store %arg9[%swap3A_279], %get3A_276 {strides = array<i32>} : memref<16384xf32, #tpu.memory_space<vmem>>, vector<16xf32>,
            %add3A_281 = arith.constant 48 : i32
            %add3A_282 = arith.addi %mul3A_254, %add3A_281 : i32
            %get3A_283 = arith.index_cast %add3A_282 : i32 to index
            %get3A_284 = tpu.vector_load %arg10[%get3A_283] {strides = array<i32>} : memref<8320xf32, #tpu.memory_space<vmem>>, vector<16xf32>,
            %add3A_285 = arith.constant 48 : i32
            %add3A_286 = arith.addi %add3A_258, %add3A_285 : i32
            %swap3A_287 = arith.index_cast %add3A_286 : i32 to index
            %swap3A_288 = tpu.vector_load %arg9[%swap3A_287] {strides = array<i32>} : memref<16384xf32, #tpu.memory_space<vmem>>, vector<16xf32>,
            tpu.vector_store %arg9[%swap3A_287], %get3A_284 {strides = array<i32>} : memref<16384xf32, #tpu.memory_space<vmem>>, vector<16xf32>,
            %scan3A_289 = arith.constant 1 : i32
            %scan3A_290 = arith.addi %scan3A_252, %scan3A_289 : i32
            %mul3A_291 = arith.constant 65 : i32
            %mul3A_292 = arith.muli %scan3A_290, %mul3A_291 : i32
            %mul3A_293 = arith.constant 64 : i32
            %mul3A_294 = arith.muli %scan3A_290, %mul3A_293 : i32
            %add3A_295 = arith.constant 0 : i32
            %add3A_296 = arith.addi %add3A_295, %mul3A_294 : i32
            %add3A_297 = arith.constant 0 : i32
            %add3A_298 = arith.addi %mul3A_292, %add3A_297 : i32
            %get3A_299 = arith.index_cast %add3A_298 : i32 to index
            %get3A_300 = tpu.vector_load %arg10[%get3A_299] {strides = array<i32>} : memref<8320xf32, #tpu.memory_space<vmem>>, vector<16xf32>,
            %add3A_301 = arith.constant 0 : i32
            %add3A_302 = arith.addi %add3A_296, %add3A_301 : i32
            %swap3A_303 = arith.index_cast %add3A_302 : i32 to index
            %swap3A_304 = tpu.vector_load %arg9[%swap3A_303] {strides = array<i32>} : memref<16384xf32, #tpu.memory_space<vmem>>, vector<16xf32>,
            tpu.vector_store %arg9[%swap3A_303], %get3A_300 {strides = array<i32>} : memref<16384xf32, #tpu.memory_space<vmem>>, vector<16xf32>,
            %add3A_305 = arith.constant 16 : i32
            %add3A_306 = arith.addi %mul3A_292, %add3A_305 : i32
            %get3A_307 = arith.index_cast %add3A_306 : i32 to index
            %get3A_308 = tpu.vector_load %arg10[%get3A_307] {strides = array<i32>} : memref<8320xf32, #tpu.memory_space<vmem>>, vector<16xf32>,
            %add3A_309 = arith.constant 16 : i32
            %add3A_310 = arith.addi %add3A_296, %add3A_309 : i32
            %swap3A_311 = arith.index_cast %add3A_310 : i32 to index
            %swap3A_312 = tpu.vector_load %arg9[%swap3A_311] {strides = array<i32>} : memref<16384xf32, #tpu.memory_space<vmem>>, vector<16xf32>,
            tpu.vector_store %arg9[%swap3A_311], %get3A_308 {strides = array<i32>} : memref<16384xf32, #tpu.memory_space<vmem>>, vector<16xf32>,
            %add3A_313 = arith.constant 32 : i32
            %add3A_314 = arith.addi %mul3A_292, %add3A_313 : i32
            %get3A_315 = arith.index_cast %add3A_314 : i32 to index
            %get3A_316 = tpu.vector_load %arg10[%get3A_315] {strides = array<i32>} : memref<8320xf32, #tpu.memory_space<vmem>>, vector<16xf32>,
            %add3A_317 = arith.constant 32 : i32
            %add3A_318 = arith.addi %add3A_296, %add3A_317 : i32
            %swap3A_319 = arith.index_cast %add3A_318 : i32 to index
            %swap3A_320 = tpu.vector_load %arg9[%swap3A_319] {strides = array<i32>} : memref<16384xf32, #tpu.memory_space<vmem>>, vector<16xf32>,
            tpu.vector_store %arg9[%swap3A_319], %get3A_316 {strides = array<i32>} : memref<16384xf32, #tpu.memory_space<vmem>>, vector<16xf32>,
            %add3A_321 = arith.constant 48 : i32
            %add3A_322 = arith.addi %mul3A_292, %add3A_321 : i32
            %get3A_323 = arith.index_cast %add3A_322 : i32 to index
            %get3A_324 = tpu.vector_load %arg10[%get3A_323] {strides = array<i32>} : memref<8320xf32, #tpu.memory_space<vmem>>, vector<16xf32>,
            %add3A_325 = arith.constant 48 : i32
            %add3A_326 = arith.addi %add3A_296, %add3A_325 : i32
            %swap3A_327 = arith.index_cast %add3A_326 : i32 to index
            %swap3A_328 = tpu.vector_load %arg9[%swap3A_327] {strides = array<i32>} : memref<16384xf32, #tpu.memory_space<vmem>>, vector<16xf32>,
            tpu.vector_store %arg9[%swap3A_327], %get3A_324 {strides = array<i32>} : memref<16384xf32, #tpu.memory_space<vmem>>, vector<16xf32>,
            %scan3A_329 = arith.constant 2 : i32
            %scan3A_330 = arith.addi %scan3A_252, %scan3A_329 : i32
            %mul3A_331 = arith.constant 65 : i32
            %mul3A_332 = arith.muli %scan3A_330, %mul3A_331 : i32
            %mul3A_333 = arith.constant 64 : i32
            %mul3A_334 = arith.muli %scan3A_330, %mul3A_333 : i32
            %add3A_335 = arith.constant 0 : i32
            %add3A_336 = arith.addi %add3A_335, %mul3A_334 : i32
            %add3A_337 = arith.constant 0 : i32
            %add3A_338 = arith.addi %mul3A_332, %add3A_337 : i32
            %get3A_339 = arith.index_cast %add3A_338 : i32 to index
            %get3A_340 = tpu.vector_load %arg10[%get3A_339] {strides = array<i32>} : memref<8320xf32, #tpu.memory_space<vmem>>, vector<16xf32>,
            %add3A_341 = arith.constant 0 : i32
            %add3A_342 = arith.addi %add3A_336, %add3A_341 : i32
            %swap3A_343 = arith.index_cast %add3A_342 : i32 to index
            %swap3A_344 = tpu.vector_load %arg9[%swap3A_343] {strides = array<i32>} : memref<16384xf32, #tpu.memory_space<vmem>>, vector<16xf32>,
            tpu.vector_store %arg9[%swap3A_343], %get3A_340 {strides = array<i32>} : memref<16384xf32, #tpu.memory_space<vmem>>, vector<16xf32>,
            %add3A_345 = arith.constant 16 : i32
            %add3A_346 = arith.addi %mul3A_332, %add3A_345 : i32
            %get3A_347 = arith.index_cast %add3A_346 : i32 to index
            %get3A_348 = tpu.vector_load %arg10[%get3A_347] {strides = array<i32>} : memref<8320xf32, #tpu.memory_space<vmem>>, vector<16xf32>,
            %add3A_349 = arith.constant 16 : i32
            %add3A_350 = arith.addi %add3A_336, %add3A_349 : i32
            %swap3A_351 = arith.index_cast %add3A_350 : i32 to index
            %swap3A_352 = tpu.vector_load %arg9[%swap3A_351] {strides = array<i32>} : memref<16384xf32, #tpu.memory_space<vmem>>, vector<16xf32>,
            tpu.vector_store %arg9[%swap3A_351], %get3A_348 {strides = array<i32>} : memref<16384xf32, #tpu.memory_space<vmem>>, vector<16xf32>,
            %add3A_353 = arith.constant 32 : i32
            %add3A_354 = arith.addi %mul3A_332, %add3A_353 : i32
            %get3A_355 = arith.index_cast %add3A_354 : i32 to index
            %get3A_356 = tpu.vector_load %arg10[%get3A_355] {strides = array<i32>} : memref<8320xf32, #tpu.memory_space<vmem>>, vector<16xf32>,
            %add3A_357 = arith.constant 32 : i32
            %add3A_358 = arith.addi %add3A_336, %add3A_357 : i32
            %swap3A_359 = arith.index_cast %add3A_358 : i32 to index
            %swap3A_360 = tpu.vector_load %arg9[%swap3A_359] {strides = array<i32>} : memref<16384xf32, #tpu.memory_space<vmem>>, vector<16xf32>,
            tpu.vector_store %arg9[%swap3A_359], %get3A_356 {strides = array<i32>} : memref<16384xf32, #tpu.memory_space<vmem>>, vector<16xf32>,
            %add3A_361 = arith.constant 48 : i32
            %add3A_362 = arith.addi %mul3A_332, %add3A_361 : i32
            %get3A_363 = arith.index_cast %add3A_362 : i32 to index
            %get3A_364 = tpu.vector_load %arg10[%get3A_363] {strides = array<i32>} : memref<8320xf32, #tpu.memory_space<vmem>>, vector<16xf32>,
            %add3A_365 = arith.constant 48 : i32
            %add3A_366 = arith.addi %add3A_336, %add3A_365 : i32
            %swap3A_367 = arith.index_cast %add3A_366 : i32 to index
            %swap3A_368 = tpu.vector_load %arg9[%swap3A_367] {strides = array<i32>} : memref<16384xf32, #tpu.memory_space<vmem>>, vector<16xf32>,
            tpu.vector_store %arg9[%swap3A_367], %get3A_364 {strides = array<i32>} : memref<16384xf32, #tpu.memory_space<vmem>>, vector<16xf32>,
            %scan3A_369 = arith.constant 3 : i32
            %scan3A_370 = arith.addi %scan3A_252, %scan3A_369 : i32
            %mul3A_371 = arith.constant 65 : i32
            %mul3A_372 = arith.muli %scan3A_370, %mul3A_371 : i32
            %mul3A_373 = arith.constant 64 : i32
            %mul3A_374 = arith.muli %scan3A_370, %mul3A_373 : i32
            %add3A_375 = arith.constant 0 : i32
            %add3A_376 = arith.addi %add3A_375, %mul3A_374 : i32
            %add3A_377 = arith.constant 0 : i32
            %add3A_378 = arith.addi %mul3A_372, %add3A_377 : i32
            %get3A_379 = arith.index_cast %add3A_378 : i32 to index
            %get3A_380 = tpu.vector_load %arg10[%get3A_379] {strides = array<i32>} : memref<8320xf32, #tpu.memory_space<vmem>>, vector<16xf32>,
            %add3A_381 = arith.constant 0 : i32
            %add3A_382 = arith.addi %add3A_376, %add3A_381 : i32
            %swap3A_383 = arith.index_cast %add3A_382 : i32 to index
            %swap3A_384 = tpu.vector_load %arg9[%swap3A_383] {strides = array<i32>} : memref<16384xf32, #tpu.memory_space<vmem>>, vector<16xf32>,
            tpu.vector_store %arg9[%swap3A_383], %get3A_380 {strides = array<i32>} : memref<16384xf32, #tpu.memory_space<vmem>>, vector<16xf32>,
            %add3A_385 = arith.constant 16 : i32
            %add3A_386 = arith.addi %mul3A_372, %add3A_385 : i32
            %get3A_387 = arith.index_cast %add3A_386 : i32 to index
            %get3A_388 = tpu.vector_load %arg10[%get3A_387] {strides = array<i32>} : memref<8320xf32, #tpu.memory_space<vmem>>, vector<16xf32>,
            %add3A_389 = arith.constant 16 : i32
            %add3A_390 = arith.addi %add3A_376, %add3A_389 : i32
            %swap3A_391 = arith.index_cast %add3A_390 : i32 to index
            %swap3A_392 = tpu.vector_load %arg9[%swap3A_391] {strides = array<i32>} : memref<16384xf32, #tpu.memory_space<vmem>>, vector<16xf32>,
            tpu.vector_store %arg9[%swap3A_391], %get3A_388 {strides = array<i32>} : memref<16384xf32, #tpu.memory_space<vmem>>, vector<16xf32>,
            %add3A_393 = arith.constant 32 : i32
            %add3A_394 = arith.addi %mul3A_372, %add3A_393 : i32
            %get3A_395 = arith.index_cast %add3A_394 : i32 to index
            %get3A_396 = tpu.vector_load %arg10[%get3A_395] {strides = array<i32>} : memref<8320xf32, #tpu.memory_space<vmem>>, vector<16xf32>,
            %add3A_397 = arith.constant 32 : i32
            %add3A_398 = arith.addi %add3A_376, %add3A_397 : i32
            %swap3A_399 = arith.index_cast %add3A_398 : i32 to index
            %swap3A_400 = tpu.vector_load %arg9[%swap3A_399] {strides = array<i32>} : memref<16384xf32, #tpu.memory_space<vmem>>, vector<16xf32>,
            tpu.vector_store %arg9[%swap3A_399], %get3A_396 {strides = array<i32>} : memref<16384xf32, #tpu.memory_space<vmem>>, vector<16xf32>,
            %add3A_401 = arith.constant 48 : i32
            %add3A_402 = arith.addi %mul3A_372, %add3A_401 : i32
            %get3A_403 = arith.index_cast %add3A_402 : i32 to index
            %get3A_404 = tpu.vector_load %arg10[%get3A_403] {strides = array<i32>} : memref<8320xf32, #tpu.memory_space<vmem>>, vector<16xf32>,
            %add3A_405 = arith.constant 48 : i32
            %add3A_406 = arith.addi %add3A_376, %add3A_405 : i32
            %swap3A_407 = arith.index_cast %add3A_406 : i32 to index
            %swap3A_408 = tpu.vector_load %arg9[%swap3A_407] {strides = array<i32>} : memref<16384xf32, #tpu.memory_space<vmem>>, vector<16xf32>,
            tpu.vector_store %arg9[%swap3A_407], %get3A_404 {strides = array<i32>} : memref<16384xf32, #tpu.memory_space<vmem>>, vector<16xf32>,
          }
          %scan3A_222 = arith.constant 128 : i32
          %broadcast_in_dim3A_223 = arith.constant 0 : i32
          %broadcast_in_dim3A_224 = vector.broadcast %broadcast_in_dim3A_223 : i32 to vector<16xi32>
          %scan3A_225 = arith.constant 0 : i32
          %scan3A_226 = arith.constant 64 : i32
          %scan3A_227 = arith.addi %scan3A_225, %scan3A_226 : i32
          %scan3A_228 = arith.constant 2 : i32
          %scan3A_229 = scf.for %scan3A_252 = %scan3A_225 to %scan3A_227 step %scan3A_228 iter_args(%scan3A_253 = %broadcast_in_dim3A_224) -> (vector<16xi32>)  : i32 {
            %add3A_254 = arith.constant 64 : i32
            %add3A_255 = arith.addi %add3A_254, %scan3A_252 : i32
            %get3A = arith.index_cast %add3A_255 : i32 to index
            %get3A_256 = arith.constant 0 : index
            %get3A_257 = tpu.vector_load %arg7[%get3A, %get3A_256] {strides = array<i32>} : memref<128x128xf32, #tpu.memory_space<vmem>>, vector<16xf32>,
            %mul3A_258 = arith.constant 8.000000e+00 : f32
            %mul3A_259 = vector.broadcast %mul3A_258 : f32 to vector<16xf32>
            %mul3A_260 = arith.mulf %get3A_257, %mul3A_259 : vector<16xf32>
            %add3A_261 = arith.constant 64 : i32
            %add3A_262 = arith.addi %add3A_261, %scan3A_252 : i32
            %get3A_263 = arith.index_cast %add3A_262 : i32 to index
            %get3A_264 = arith.constant 16 : index
            %get3A_265 = tpu.vector_load %arg7[%get3A_263, %get3A_264] {strides = array<i32>} : memref<128x128xf32, #tpu.memory_space<vmem>>, vector<16xf32>,
            %mul3A_266 = arith.constant 8.000000e+00 : f32
            %mul3A_267 = vector.broadcast %mul3A_266 : f32 to vector<16xf32>
            %mul3A_268 = arith.mulf %get3A_265, %mul3A_267 : vector<16xf32>
            %add3A_269 = arith.constant 64 : i32
            %add3A_270 = arith.addi %add3A_269, %scan3A_252 : i32
            %get3A_271 = arith.index_cast %add3A_270 : i32 to index
            %get3A_272 = arith.constant 32 : index
            %get3A_273 = tpu.vector_load %arg7[%get3A_271, %get3A_272] {strides = array<i32>} : memref<128x128xf32, #tpu.memory_space<vmem>>, vector<16xf32>,
            %mul3A_274 = arith.constant 8.000000e+00 : f32
            %mul3A_275 = vector.broadcast %mul3A_274 : f32 to vector<16xf32>
            %mul3A_276 = arith.mulf %get3A_273, %mul3A_275 : vector<16xf32>
            %add3A_277 = arith.constant 64 : i32
            %add3A_278 = arith.addi %add3A_277, %scan3A_252 : i32
            %get3A_279 = arith.index_cast %add3A_278 : i32 to index
            %get3A_280 = arith.constant 48 : index
            %get3A_281 = tpu.vector_load %arg7[%get3A_279, %get3A_280] {strides = array<i32>} : memref<128x128xf32, #tpu.memory_space<vmem>>, vector<16xf32>,
            %mul3A_282 = arith.constant 8.000000e+00 : f32
            %mul3A_283 = vector.broadcast %mul3A_282 : f32 to vector<16xf32>
            %mul3A_284 = arith.mulf %get3A_281, %mul3A_283 : vector<16xf32>
            %add3A_285 = arith.constant 64 : i32
            %add3A_286 = arith.addi %add3A_285, %scan3A_252 : i32
            %get3A_287 = arith.index_cast %add3A_286 : i32 to index
            %get3A_288 = arith.constant 64 : index
            %get3A_289 = tpu.vector_load %arg7[%get3A_287, %get3A_288] {strides = array<i32>} : memref<128x128xf32, #tpu.memory_space<vmem>>, vector<16xf32>,
            %mul3A_290 = arith.constant 8.000000e+00 : f32
            %mul3A_291 = vector.broadcast %mul3A_290 : f32 to vector<16xf32>
            %mul3A_292 = arith.mulf %get3A_289, %mul3A_291 : vector<16xf32>
            %add3A_293 = arith.constant 64 : i32
            %add3A_294 = arith.addi %add3A_293, %scan3A_252 : i32
            %get3A_295 = arith.index_cast %add3A_294 : i32 to index
            %get3A_296 = arith.constant 80 : index
            %get3A_297 = tpu.vector_load %arg7[%get3A_295, %get3A_296] {strides = array<i32>} : memref<128x128xf32, #tpu.memory_space<vmem>>, vector<16xf32>,
            %mul3A_298 = arith.constant 8.000000e+00 : f32
            %mul3A_299 = vector.broadcast %mul3A_298 : f32 to vector<16xf32>
            %mul3A_300 = arith.mulf %get3A_297, %mul3A_299 : vector<16xf32>
            %add3A_301 = arith.constant 64 : i32
            %add3A_302 = arith.addi %add3A_301, %scan3A_252 : i32
            %get3A_303 = arith.index_cast %add3A_302 : i32 to index
            %get3A_304 = arith.constant 96 : index
            %get3A_305 = tpu.vector_load %arg7[%get3A_303, %get3A_304] {strides = array<i32>} : memref<128x128xf32, #tpu.memory_space<vmem>>, vector<16xf32>,
            %mul3A_306 = arith.constant 8.000000e+00 : f32
            %mul3A_307 = vector.broadcast %mul3A_306 : f32 to vector<16xf32>
            %mul3A_308 = arith.mulf %get3A_305, %mul3A_307 : vector<16xf32>
            %add3A_309 = arith.constant 64 : i32
            %add3A_310 = arith.addi %add3A_309, %scan3A_252 : i32
            %get3A_311 = arith.index_cast %add3A_310 : i32 to index
            %get3A_312 = arith.constant 112 : index
            %get3A_313 = tpu.vector_load %arg7[%get3A_311, %get3A_312] {strides = array<i32>} : memref<128x128xf32, #tpu.memory_space<vmem>>, vector<16xf32>,
            %mul3A_314 = arith.constant 8.000000e+00 : f32
            %mul3A_315 = vector.broadcast %mul3A_314 : f32 to vector<16xf32>
            %mul3A_316 = arith.mulf %get3A_313, %mul3A_315 : vector<16xf32>
            %add3A_317 = arith.addi %mul3A_74, %scan3A_253 : vector<16xi32>
            tpu.vector_store_idx %arg10[%add3A_317], %mul3A_260 : memref<8320xf32, #tpu.memory_space<vmem>>[vector<16xi32>], vector<16xf32>,
            %add3A_318 = arith.addi %mul3A_80, %scan3A_253 : vector<16xi32>
            tpu.vector_store_idx %arg10[%add3A_318], %mul3A_268 : memref<8320xf32, #tpu.memory_space<vmem>>[vector<16xi32>], vector<16xf32>,
            %add3A_319 = arith.addi %mul3A_86, %scan3A_253 : vector<16xi32>
            tpu.vector_store_idx %arg10[%add3A_319], %mul3A_276 : memref<8320xf32, #tpu.memory_space<vmem>>[vector<16xi32>], vector<16xf32>,
            %add3A_320 = arith.addi %mul3A_92, %scan3A_253 : vector<16xi32>
            tpu.vector_store_idx %arg10[%add3A_320], %mul3A_284 : memref<8320xf32, #tpu.memory_space<vmem>>[vector<16xi32>], vector<16xf32>,
            %add3A_321 = arith.addi %mul3A_98, %scan3A_253 : vector<16xi32>
            tpu.vector_store_idx %arg10[%add3A_321], %mul3A_292 : memref<8320xf32, #tpu.memory_space<vmem>>[vector<16xi32>], vector<16xf32>,
            %add3A_322 = arith.addi %mul3A_104, %scan3A_253 : vector<16xi32>
            tpu.vector_store_idx %arg10[%add3A_322], %mul3A_300 : memref<8320xf32, #tpu.memory_space<vmem>>[vector<16xi32>], vector<16xf32>,
            %add3A_323 = arith.addi %mul3A_110, %scan3A_253 : vector<16xi32>
            tpu.vector_store_idx %arg10[%add3A_323], %mul3A_308 : memref<8320xf32, #tpu.memory_space<vmem>>[vector<16xi32>], vector<16xf32>,
            %add3A_324 = arith.addi %mul3A_116, %scan3A_253 : vector<16xi32>
            tpu.vector_store_idx %arg10[%add3A_324], %mul3A_316 : memref<8320xf32, #tpu.memory_space<vmem>>[vector<16xi32>], vector<16xf32>,
            %add3A_325 = arith.constant 1 : i32
            %add3A_326 = vector.broadcast %add3A_325 : i32 to vector<16xi32>
            %add3A_327 = arith.addi %scan3A_253, %add3A_326 : vector<16xi32>
            %scan3A_328 = arith.constant 1 : i32
            %scan3A_329 = arith.addi %scan3A_252, %scan3A_328 : i32
            %add3A_330 = arith.constant 64 : i32
            %add3A_331 = arith.addi %add3A_330, %scan3A_329 : i32
            %get3A_332 = arith.index_cast %add3A_331 : i32 to index
            %get3A_333 = arith.constant 0 : index
            %get3A_334 = tpu.vector_load %arg7[%get3A_332, %get3A_333] {strides = array<i32>} : memref<128x128xf32, #tpu.memory_space<vmem>>, vector<16xf32>,
            %mul3A_335 = arith.constant 8.000000e+00 : f32
            %mul3A_336 = vector.broadcast %mul3A_335 : f32 to vector<16xf32>
            %mul3A_337 = arith.mulf %get3A_334, %mul3A_336 : vector<16xf32>
            %add3A_338 = arith.constant 64 : i32
            %add3A_339 = arith.addi %add3A_338, %scan3A_329 : i32
            %get3A_340 = arith.index_cast %add3A_339 : i32 to index
            %get3A_341 = arith.constant 16 : index
            %get3A_342 = tpu.vector_load %arg7[%get3A_340, %get3A_341] {strides = array<i32>} : memref<128x128xf32, #tpu.memory_space<vmem>>, vector<16xf32>,
            %mul3A_343 = arith.constant 8.000000e+00 : f32
            %mul3A_344 = vector.broadcast %mul3A_343 : f32 to vector<16xf32>
            %mul3A_345 = arith.mulf %get3A_342, %mul3A_344 : vector<16xf32>
            %add3A_346 = arith.constant 64 : i32
            %add3A_347 = arith.addi %add3A_346, %scan3A_329 : i32
            %get3A_348 = arith.index_cast %add3A_347 : i32 to index
            %get3A_349 = arith.constant 32 : index
            %get3A_350 = tpu.vector_load %arg7[%get3A_348, %get3A_349] {strides = array<i32>} : memref<128x128xf32, #tpu.memory_space<vmem>>, vector<16xf32>,
            %mul3A_351 = arith.constant 8.000000e+00 : f32
            %mul3A_352 = vector.broadcast %mul3A_351 : f32 to vector<16xf32>
            %mul3A_353 = arith.mulf %get3A_350, %mul3A_352 : vector<16xf32>
            %add3A_354 = arith.constant 64 : i32
            %add3A_355 = arith.addi %add3A_354, %scan3A_329 : i32
            %get3A_356 = arith.index_cast %add3A_355 : i32 to index
            %get3A_357 = arith.constant 48 : index
            %get3A_358 = tpu.vector_load %arg7[%get3A_356, %get3A_357] {strides = array<i32>} : memref<128x128xf32, #tpu.memory_space<vmem>>, vector<16xf32>,
            %mul3A_359 = arith.constant 8.000000e+00 : f32
            %mul3A_360 = vector.broadcast %mul3A_359 : f32 to vector<16xf32>
            %mul3A_361 = arith.mulf %get3A_358, %mul3A_360 : vector<16xf32>
            %add3A_362 = arith.constant 64 : i32
            %add3A_363 = arith.addi %add3A_362, %scan3A_329 : i32
            %get3A_364 = arith.index_cast %add3A_363 : i32 to index
            %get3A_365 = arith.constant 64 : index
            %get3A_366 = tpu.vector_load %arg7[%get3A_364, %get3A_365] {strides = array<i32>} : memref<128x128xf32, #tpu.memory_space<vmem>>, vector<16xf32>,
            %mul3A_367 = arith.constant 8.000000e+00 : f32
            %mul3A_368 = vector.broadcast %mul3A_367 : f32 to vector<16xf32>
            %mul3A_369 = arith.mulf %get3A_366, %mul3A_368 : vector<16xf32>
            %add3A_370 = arith.constant 64 : i32
            %add3A_371 = arith.addi %add3A_370, %scan3A_329 : i32
            %get3A_372 = arith.index_cast %add3A_371 : i32 to index
            %get3A_373 = arith.constant 80 : index
            %get3A_374 = tpu.vector_load %arg7[%get3A_372, %get3A_373] {strides = array<i32>} : memref<128x128xf32, #tpu.memory_space<vmem>>, vector<16xf32>,
            %mul3A_375 = arith.constant 8.000000e+00 : f32
            %mul3A_376 = vector.broadcast %mul3A_375 : f32 to vector<16xf32>
            %mul3A_377 = arith.mulf %get3A_374, %mul3A_376 : vector<16xf32>
            %add3A_378 = arith.constant 64 : i32
            %add3A_379 = arith.addi %add3A_378, %scan3A_329 : i32
            %get3A_380 = arith.index_cast %add3A_379 : i32 to index
            %get3A_381 = arith.constant 96 : index
            %get3A_382 = tpu.vector_load %arg7[%get3A_380, %get3A_381] {strides = array<i32>} : memref<128x128xf32, #tpu.memory_space<vmem>>, vector<16xf32>,
            %mul3A_383 = arith.constant 8.000000e+00 : f32
            %mul3A_384 = vector.broadcast %mul3A_383 : f32 to vector<16xf32>
            %mul3A_385 = arith.mulf %get3A_382, %mul3A_384 : vector<16xf32>
            %add3A_386 = arith.constant 64 : i32
            %add3A_387 = arith.addi %add3A_386, %scan3A_329 : i32
            %get3A_388 = arith.index_cast %add3A_387 : i32 to index
            %get3A_389 = arith.constant 112 : index
            %get3A_390 = tpu.vector_load %arg7[%get3A_388, %get3A_389] {strides = array<i32>} : memref<128x128xf32, #tpu.memory_space<vmem>>, vector<16xf32>,
            %mul3A_391 = arith.constant 8.000000e+00 : f32
            %mul3A_392 = vector.broadcast %mul3A_391 : f32 to vector<16xf32>
            %mul3A_393 = arith.mulf %get3A_390, %mul3A_392 : vector<16xf32>
            %add3A_394 = arith.addi %mul3A_74, %add3A_327 : vector<16xi32>
            tpu.vector_store_idx %arg10[%add3A_394], %mul3A_337 : memref<8320xf32, #tpu.memory_space<vmem>>[vector<16xi32>], vector<16xf32>,
            %add3A_395 = arith.addi %mul3A_80, %add3A_327 : vector<16xi32>
            tpu.vector_store_idx %arg10[%add3A_395], %mul3A_345 : memref<8320xf32, #tpu.memory_space<vmem>>[vector<16xi32>], vector<16xf32>,
            %add3A_396 = arith.addi %mul3A_86, %add3A_327 : vector<16xi32>
            tpu.vector_store_idx %arg10[%add3A_396], %mul3A_353 : memref<8320xf32, #tpu.memory_space<vmem>>[vector<16xi32>], vector<16xf32>,
            %add3A_397 = arith.addi %mul3A_92, %add3A_327 : vector<16xi32>
            tpu.vector_store_idx %arg10[%add3A_397], %mul3A_361 : memref<8320xf32, #tpu.memory_space<vmem>>[vector<16xi32>], vector<16xf32>,
            %add3A_398 = arith.addi %mul3A_98, %add3A_327 : vector<16xi32>
            tpu.vector_store_idx %arg10[%add3A_398], %mul3A_369 : memref<8320xf32, #tpu.memory_space<vmem>>[vector<16xi32>], vector<16xf32>,
            %add3A_399 = arith.addi %mul3A_104, %add3A_327 : vector<16xi32>
            tpu.vector_store_idx %arg10[%add3A_399], %mul3A_377 : memref<8320xf32, #tpu.memory_space<vmem>>[vector<16xi32>], vector<16xf32>,
            %add3A_400 = arith.addi %mul3A_110, %add3A_327 : vector<16xi32>
            tpu.vector_store_idx %arg10[%add3A_400], %mul3A_385 : memref<8320xf32, #tpu.memory_space<vmem>>[vector<16xi32>], vector<16xf32>,
            %add3A_401 = arith.addi %mul3A_116, %add3A_327 : vector<16xi32>
            tpu.vector_store_idx %arg10[%add3A_401], %mul3A_393 : memref<8320xf32, #tpu.memory_space<vmem>>[vector<16xi32>], vector<16xf32>,
            %add3A_402 = arith.constant 1 : i32
            %add3A_403 = vector.broadcast %add3A_402 : i32 to vector<16xi32>
            %add3A_404 = arith.addi %add3A_327, %add3A_403 : vector<16xi32>
            scf.yield %add3A_404 : vector<16xi32>
          }
          %scan3A_230 = arith.constant 64 : i32
          %scan3A_231 = arith.constant 0 : i32
          %scan3A_232 = arith.constant 0 : i32
          %scan3A_233 = arith.constant 128 : i32
          %scan3A_234 = arith.addi %scan3A_232, %scan3A_233 : i32
          %scan3A_235 = arith.constant 4 : i32
          scf.for %scan3A_252 = %scan3A_232 to %scan3A_234 step %scan3A_235  : i32 {
            %mul3A_253 = arith.constant 65 : i32
            %mul3A_254 = arith.muli %scan3A_252, %mul3A_253 : i32
            %mul3A_255 = arith.constant 64 : i32
            %mul3A_256 = arith.muli %scan3A_252, %mul3A_255 : i32
            %add3A_257 = arith.constant 8192 : i32
            %add3A_258 = arith.addi %add3A_257, %mul3A_256 : i32
            %add3A_259 = arith.constant 0 : i32
            %add3A_260 = arith.addi %mul3A_254, %add3A_259 : i32
            %get3A = arith.index_cast %add3A_260 : i32 to index
            %get3A_261 = tpu.vector_load %arg10[%get3A] {strides = array<i32>} : memref<8320xf32, #tpu.memory_space<vmem>>, vector<16xf32>,
            %add3A_262 = arith.constant 0 : i32
            %add3A_263 = arith.addi %add3A_258, %add3A_262 : i32
            %swap3A = arith.index_cast %add3A_263 : i32 to index
            %swap3A_264 = tpu.vector_load %arg9[%swap3A] {strides = array<i32>} : memref<16384xf32, #tpu.memory_space<vmem>>, vector<16xf32>,
            tpu.vector_store %arg9[%swap3A], %get3A_261 {strides = array<i32>} : memref<16384xf32, #tpu.memory_space<vmem>>, vector<16xf32>,
            %add3A_265 = arith.constant 16 : i32
            %add3A_266 = arith.addi %mul3A_254, %add3A_265 : i32
            %get3A_267 = arith.index_cast %add3A_266 : i32 to index
            %get3A_268 = tpu.vector_load %arg10[%get3A_267] {strides = array<i32>} : memref<8320xf32, #tpu.memory_space<vmem>>, vector<16xf32>,
            %add3A_269 = arith.constant 16 : i32
            %add3A_270 = arith.addi %add3A_258, %add3A_269 : i32
            %swap3A_271 = arith.index_cast %add3A_270 : i32 to index
            %swap3A_272 = tpu.vector_load %arg9[%swap3A_271] {strides = array<i32>} : memref<16384xf32, #tpu.memory_space<vmem>>, vector<16xf32>,
            tpu.vector_store %arg9[%swap3A_271], %get3A_268 {strides = array<i32>} : memref<16384xf32, #tpu.memory_space<vmem>>, vector<16xf32>,
            %add3A_273 = arith.constant 32 : i32
            %add3A_274 = arith.addi %mul3A_254, %add3A_273 : i32
            %get3A_275 = arith.index_cast %add3A_274 : i32 to index
            %get3A_276 = tpu.vector_load %arg10[%get3A_275] {strides = array<i32>} : memref<8320xf32, #tpu.memory_space<vmem>>, vector<16xf32>,
            %add3A_277 = arith.constant 32 : i32
            %add3A_278 = arith.addi %add3A_258, %add3A_277 : i32
            %swap3A_279 = arith.index_cast %add3A_278 : i32 to index
            %swap3A_280 = tpu.vector_load %arg9[%swap3A_279] {strides = array<i32>} : memref<16384xf32, #tpu.memory_space<vmem>>, vector<16xf32>,
            tpu.vector_store %arg9[%swap3A_279], %get3A_276 {strides = array<i32>} : memref<16384xf32, #tpu.memory_space<vmem>>, vector<16xf32>,
            %add3A_281 = arith.constant 48 : i32
            %add3A_282 = arith.addi %mul3A_254, %add3A_281 : i32
            %get3A_283 = arith.index_cast %add3A_282 : i32 to index
            %get3A_284 = tpu.vector_load %arg10[%get3A_283] {strides = array<i32>} : memref<8320xf32, #tpu.memory_space<vmem>>, vector<16xf32>,
            %add3A_285 = arith.constant 48 : i32
            %add3A_286 = arith.addi %add3A_258, %add3A_285 : i32
            %swap3A_287 = arith.index_cast %add3A_286 : i32 to index
            %swap3A_288 = tpu.vector_load %arg9[%swap3A_287] {strides = array<i32>} : memref<16384xf32, #tpu.memory_space<vmem>>, vector<16xf32>,
            tpu.vector_store %arg9[%swap3A_287], %get3A_284 {strides = array<i32>} : memref<16384xf32, #tpu.memory_space<vmem>>, vector<16xf32>,
            %scan3A_289 = arith.constant 1 : i32
            %scan3A_290 = arith.addi %scan3A_252, %scan3A_289 : i32
            %mul3A_291 = arith.constant 65 : i32
            %mul3A_292 = arith.muli %scan3A_290, %mul3A_291 : i32
            %mul3A_293 = arith.constant 64 : i32
            %mul3A_294 = arith.muli %scan3A_290, %mul3A_293 : i32
            %add3A_295 = arith.constant 8192 : i32
            %add3A_296 = arith.addi %add3A_295, %mul3A_294 : i32
            %add3A_297 = arith.constant 0 : i32
            %add3A_298 = arith.addi %mul3A_292, %add3A_297 : i32
            %get3A_299 = arith.index_cast %add3A_298 : i32 to index
            %get3A_300 = tpu.vector_load %arg10[%get3A_299] {strides = array<i32>} : memref<8320xf32, #tpu.memory_space<vmem>>, vector<16xf32>,
            %add3A_301 = arith.constant 0 : i32
            %add3A_302 = arith.addi %add3A_296, %add3A_301 : i32
            %swap3A_303 = arith.index_cast %add3A_302 : i32 to index
            %swap3A_304 = tpu.vector_load %arg9[%swap3A_303] {strides = array<i32>} : memref<16384xf32, #tpu.memory_space<vmem>>, vector<16xf32>,
            tpu.vector_store %arg9[%swap3A_303], %get3A_300 {strides = array<i32>} : memref<16384xf32, #tpu.memory_space<vmem>>, vector<16xf32>,
            %add3A_305 = arith.constant 16 : i32
            %add3A_306 = arith.addi %mul3A_292, %add3A_305 : i32
            %get3A_307 = arith.index_cast %add3A_306 : i32 to index
            %get3A_308 = tpu.vector_load %arg10[%get3A_307] {strides = array<i32>} : memref<8320xf32, #tpu.memory_space<vmem>>, vector<16xf32>,
            %add3A_309 = arith.constant 16 : i32
            %add3A_310 = arith.addi %add3A_296, %add3A_309 : i32
            %swap3A_311 = arith.index_cast %add3A_310 : i32 to index
            %swap3A_312 = tpu.vector_load %arg9[%swap3A_311] {strides = array<i32>} : memref<16384xf32, #tpu.memory_space<vmem>>, vector<16xf32>,
            tpu.vector_store %arg9[%swap3A_311], %get3A_308 {strides = array<i32>} : memref<16384xf32, #tpu.memory_space<vmem>>, vector<16xf32>,
            %add3A_313 = arith.constant 32 : i32
            %add3A_314 = arith.addi %mul3A_292, %add3A_313 : i32
            %get3A_315 = arith.index_cast %add3A_314 : i32 to index
            %get3A_316 = tpu.vector_load %arg10[%get3A_315] {strides = array<i32>} : memref<8320xf32, #tpu.memory_space<vmem>>, vector<16xf32>,
            %add3A_317 = arith.constant 32 : i32
            %add3A_318 = arith.addi %add3A_296, %add3A_317 : i32
            %swap3A_319 = arith.index_cast %add3A_318 : i32 to index
            %swap3A_320 = tpu.vector_load %arg9[%swap3A_319] {strides = array<i32>} : memref<16384xf32, #tpu.memory_space<vmem>>, vector<16xf32>,
            tpu.vector_store %arg9[%swap3A_319], %get3A_316 {strides = array<i32>} : memref<16384xf32, #tpu.memory_space<vmem>>, vector<16xf32>,
            %add3A_321 = arith.constant 48 : i32
            %add3A_322 = arith.addi %mul3A_292, %add3A_321 : i32
            %get3A_323 = arith.index_cast %add3A_322 : i32 to index
            %get3A_324 = tpu.vector_load %arg10[%get3A_323] {strides = array<i32>} : memref<8320xf32, #tpu.memory_space<vmem>>, vector<16xf32>,
            %add3A_325 = arith.constant 48 : i32
            %add3A_326 = arith.addi %add3A_296, %add3A_325 : i32
            %swap3A_327 = arith.index_cast %add3A_326 : i32 to index
            %swap3A_328 = tpu.vector_load %arg9[%swap3A_327] {strides = array<i32>} : memref<16384xf32, #tpu.memory_space<vmem>>, vector<16xf32>,
            tpu.vector_store %arg9[%swap3A_327], %get3A_324 {strides = array<i32>} : memref<16384xf32, #tpu.memory_space<vmem>>, vector<16xf32>,
            %scan3A_329 = arith.constant 2 : i32
            %scan3A_330 = arith.addi %scan3A_252, %scan3A_329 : i32
            %mul3A_331 = arith.constant 65 : i32
            %mul3A_332 = arith.muli %scan3A_330, %mul3A_331 : i32
            %mul3A_333 = arith.constant 64 : i32
            %mul3A_334 = arith.muli %scan3A_330, %mul3A_333 : i32
            %add3A_335 = arith.constant 8192 : i32
            %add3A_336 = arith.addi %add3A_335, %mul3A_334 : i32
            %add3A_337 = arith.constant 0 : i32
            %add3A_338 = arith.addi %mul3A_332, %add3A_337 : i32
            %get3A_339 = arith.index_cast %add3A_338 : i32 to index
            %get3A_340 = tpu.vector_load %arg10[%get3A_339] {strides = array<i32>} : memref<8320xf32, #tpu.memory_space<vmem>>, vector<16xf32>,
            %add3A_341 = arith.constant 0 : i32
            %add3A_342 = arith.addi %add3A_336, %add3A_341 : i32
            %swap3A_343 = arith.index_cast %add3A_342 : i32 to index
            %swap3A_344 = tpu.vector_load %arg9[%swap3A_343] {strides = array<i32>} : memref<16384xf32, #tpu.memory_space<vmem>>, vector<16xf32>,
            tpu.vector_store %arg9[%swap3A_343], %get3A_340 {strides = array<i32>} : memref<16384xf32, #tpu.memory_space<vmem>>, vector<16xf32>,
            %add3A_345 = arith.constant 16 : i32
            %add3A_346 = arith.addi %mul3A_332, %add3A_345 : i32
            %get3A_347 = arith.index_cast %add3A_346 : i32 to index
            %get3A_348 = tpu.vector_load %arg10[%get3A_347] {strides = array<i32>} : memref<8320xf32, #tpu.memory_space<vmem>>, vector<16xf32>,
            %add3A_349 = arith.constant 16 : i32
            %add3A_350 = arith.addi %add3A_336, %add3A_349 : i32
            %swap3A_351 = arith.index_cast %add3A_350 : i32 to index
            %swap3A_352 = tpu.vector_load %arg9[%swap3A_351] {strides = array<i32>} : memref<16384xf32, #tpu.memory_space<vmem>>, vector<16xf32>,
            tpu.vector_store %arg9[%swap3A_351], %get3A_348 {strides = array<i32>} : memref<16384xf32, #tpu.memory_space<vmem>>, vector<16xf32>,
            %add3A_353 = arith.constant 32 : i32
            %add3A_354 = arith.addi %mul3A_332, %add3A_353 : i32
            %get3A_355 = arith.index_cast %add3A_354 : i32 to index
            %get3A_356 = tpu.vector_load %arg10[%get3A_355] {strides = array<i32>} : memref<8320xf32, #tpu.memory_space<vmem>>, vector<16xf32>,
            %add3A_357 = arith.constant 32 : i32
            %add3A_358 = arith.addi %add3A_336, %add3A_357 : i32
            %swap3A_359 = arith.index_cast %add3A_358 : i32 to index
            %swap3A_360 = tpu.vector_load %arg9[%swap3A_359] {strides = array<i32>} : memref<16384xf32, #tpu.memory_space<vmem>>, vector<16xf32>,
            tpu.vector_store %arg9[%swap3A_359], %get3A_356 {strides = array<i32>} : memref<16384xf32, #tpu.memory_space<vmem>>, vector<16xf32>,
            %add3A_361 = arith.constant 48 : i32
            %add3A_362 = arith.addi %mul3A_332, %add3A_361 : i32
            %get3A_363 = arith.index_cast %add3A_362 : i32 to index
            %get3A_364 = tpu.vector_load %arg10[%get3A_363] {strides = array<i32>} : memref<8320xf32, #tpu.memory_space<vmem>>, vector<16xf32>,
            %add3A_365 = arith.constant 48 : i32
            %add3A_366 = arith.addi %add3A_336, %add3A_365 : i32
            %swap3A_367 = arith.index_cast %add3A_366 : i32 to index
            %swap3A_368 = tpu.vector_load %arg9[%swap3A_367] {strides = array<i32>} : memref<16384xf32, #tpu.memory_space<vmem>>, vector<16xf32>,
            tpu.vector_store %arg9[%swap3A_367], %get3A_364 {strides = array<i32>} : memref<16384xf32, #tpu.memory_space<vmem>>, vector<16xf32>,
            %scan3A_369 = arith.constant 3 : i32
            %scan3A_370 = arith.addi %scan3A_252, %scan3A_369 : i32
            %mul3A_371 = arith.constant 65 : i32
            %mul3A_372 = arith.muli %scan3A_370, %mul3A_371 : i32
            %mul3A_373 = arith.constant 64 : i32
            %mul3A_374 = arith.muli %scan3A_370, %mul3A_373 : i32
            %add3A_375 = arith.constant 8192 : i32
            %add3A_376 = arith.addi %add3A_375, %mul3A_374 : i32
            %add3A_377 = arith.constant 0 : i32
            %add3A_378 = arith.addi %mul3A_372, %add3A_377 : i32
            %get3A_379 = arith.index_cast %add3A_378 : i32 to index
            %get3A_380 = tpu.vector_load %arg10[%get3A_379] {strides = array<i32>} : memref<8320xf32, #tpu.memory_space<vmem>>, vector<16xf32>,
            %add3A_381 = arith.constant 0 : i32
            %add3A_382 = arith.addi %add3A_376, %add3A_381 : i32
            %swap3A_383 = arith.index_cast %add3A_382 : i32 to index
            %swap3A_384 = tpu.vector_load %arg9[%swap3A_383] {strides = array<i32>} : memref<16384xf32, #tpu.memory_space<vmem>>, vector<16xf32>,
            tpu.vector_store %arg9[%swap3A_383], %get3A_380 {strides = array<i32>} : memref<16384xf32, #tpu.memory_space<vmem>>, vector<16xf32>,
            %add3A_385 = arith.constant 16 : i32
            %add3A_386 = arith.addi %mul3A_372, %add3A_385 : i32
            %get3A_387 = arith.index_cast %add3A_386 : i32 to index
            %get3A_388 = tpu.vector_load %arg10[%get3A_387] {strides = array<i32>} : memref<8320xf32, #tpu.memory_space<vmem>>, vector<16xf32>,
            %add3A_389 = arith.constant 16 : i32
            %add3A_390 = arith.addi %add3A_376, %add3A_389 : i32
            %swap3A_391 = arith.index_cast %add3A_390 : i32 to index
            %swap3A_392 = tpu.vector_load %arg9[%swap3A_391] {strides = array<i32>} : memref<16384xf32, #tpu.memory_space<vmem>>, vector<16xf32>,
            tpu.vector_store %arg9[%swap3A_391], %get3A_388 {strides = array<i32>} : memref<16384xf32, #tpu.memory_space<vmem>>, vector<16xf32>,
            %add3A_393 = arith.constant 32 : i32
            %add3A_394 = arith.addi %mul3A_372, %add3A_393 : i32
            %get3A_395 = arith.index_cast %add3A_394 : i32 to index
            %get3A_396 = tpu.vector_load %arg10[%get3A_395] {strides = array<i32>} : memref<8320xf32, #tpu.memory_space<vmem>>, vector<16xf32>,
            %add3A_397 = arith.constant 32 : i32
            %add3A_398 = arith.addi %add3A_376, %add3A_397 : i32
            %swap3A_399 = arith.index_cast %add3A_398 : i32 to index
            %swap3A_400 = tpu.vector_load %arg9[%swap3A_399] {strides = array<i32>} : memref<16384xf32, #tpu.memory_space<vmem>>, vector<16xf32>,
            tpu.vector_store %arg9[%swap3A_399], %get3A_396 {strides = array<i32>} : memref<16384xf32, #tpu.memory_space<vmem>>, vector<16xf32>,
            %add3A_401 = arith.constant 48 : i32
            %add3A_402 = arith.addi %mul3A_372, %add3A_401 : i32
            %get3A_403 = arith.index_cast %add3A_402 : i32 to index
            %get3A_404 = tpu.vector_load %arg10[%get3A_403] {strides = array<i32>} : memref<8320xf32, #tpu.memory_space<vmem>>, vector<16xf32>,
            %add3A_405 = arith.constant 48 : i32
            %add3A_406 = arith.addi %add3A_376, %add3A_405 : i32
            %swap3A_407 = arith.index_cast %add3A_406 : i32 to index
            %swap3A_408 = tpu.vector_load %arg9[%swap3A_407] {strides = array<i32>} : memref<16384xf32, #tpu.memory_space<vmem>>, vector<16xf32>,
            tpu.vector_store %arg9[%swap3A_407], %get3A_404 {strides = array<i32>} : memref<16384xf32, #tpu.memory_space<vmem>>, vector<16xf32>,
          }
          %scan3A_236 = arith.constant 128 : i32
          %mul3A_237 = arith.constant 32 : i32
          %mul3A_238 = arith.muli %scan3A_135, %mul3A_237 : i32
          %add3A_239 = arith.addi %add3A, %mul3A_238 : i32
          %mul3A_240 = arith.constant 256 : i32
          %mul3A_241 = arith.muli %add3A_239, %mul3A_240 : i32
          %mul3A_242 = arith.constant 64 : i32
          %mul3A_243 = arith.muli %mul3A_241, %mul3A_242 : i32
          %dma_start3A_244 = tpu.memref_slice %arg4[%mul3A_243] : memref<64000000xf32, #tpu.memory_space<hbm>> -> memref<16384xf32, #tpu.memory_space<hbm>>
          %dma_start3A_245 = tpu.memref_slice %arg4[%mul3A_243] : memref<64000000xf32, #tpu.memory_space<hbm>> -> memref<16384xf32, #tpu.memory_space<hbm>>
          tpu.enqueue_dma source(%arg9 : memref<16384xf32, #tpu.memory_space<vmem>>) target(%dma_start3A_245 : memref<16384xf32, #tpu.memory_space<hbm>>) target_semaphore(%arg18 : memref<!tpu.dma_semaphore, #tpu.memory_space<semaphore_mem>>)
          %add3A_246 = arith.constant 2 : i32
          %add3A_247 = arith.addi %scan3A_135, %add3A_246 : i32
          %lt3A_248 = arith.cmpi slt, %add3A_247, %add3A_4 : i32
          %convert_element_type3A_249 = arith.extui %lt3A_248 : i1 to i32
          %cond3A_250 = arith.constant 0 : i32
          %cond3A_251 = arith.cmpi ne, %convert_element_type3A_249, %cond3A_250 : i32
          scf.if %cond3A_251 {
            %add3A_252 = arith.constant 2 : i32
            %add3A_253 = arith.addi %scan3A_135, %add3A_252 : i32
            %mul3A_254 = arith.constant 32 : i32
            %mul3A_255 = arith.muli %add3A_253, %mul3A_254 : i32
            %add3A_256 = arith.addi %add3A, %mul3A_255 : i32
            %mul3A_257 = arith.constant 256 : i32
            %mul3A_258 = arith.muli %add3A_256, %mul3A_257 : i32
            %add3A_259 = arith.constant 0 : i32
            %add3A_260 = arith.addi %mul3A_258, %add3A_259 : i32
            %dma_start3A_261 = arith.constant 0 : i32
            %dma_start3A_262 = arith.constant 0 : i32
            %dma_start3A_263 = tpu.memref_slice %arg7[%dma_start3A_261, %dma_start3A_262] : memref<128x128xf32, #tpu.memory_space<vmem>> -> memref<64x128xf32, #tpu.memory_space<vmem>>
            %dma_start3A_264 = arith.constant 0 : i32
            %dma_start3A_265 = tpu.memref_slice %arg2[%dma_start3A_264, %add3A_260] : memref<64x1000000xf32, #tpu.memory_space<hbm>> -> memref<64x128xf32, #tpu.memory_space<hbm>>
            %dma_start3A_266 = arith.constant 0 : i32
            %dma_start3A_267 = arith.constant 0 : i32
            %dma_start3A_268 = tpu.memref_slice %arg7[%dma_start3A_266, %dma_start3A_267] : memref<128x128xf32, #tpu.memory_space<vmem>> -> memref<64x128xf32, #tpu.memory_space<vmem>>
            %dma_start3A_269 = arith.constant 0 : i32
            %dma_start3A_270 = tpu.memref_slice %arg2[%dma_start3A_269, %add3A_260] : memref<64x1000000xf32, #tpu.memory_space<hbm>> -> memref<64x128xf32, #tpu.memory_space<hbm>>
            tpu.enqueue_dma source(%dma_start3A_270 : memref<64x128xf32, #tpu.memory_space<hbm>>) target(%dma_start3A_268 : memref<64x128xf32, #tpu.memory_space<vmem>>) target_semaphore(%arg16 : memref<!tpu.dma_semaphore, #tpu.memory_space<semaphore_mem>>)
            %add3A_271 = arith.constant 128 : i32
            %add3A_272 = arith.addi %mul3A_258, %add3A_271 : i32
            %dma_start3A_273 = arith.constant 64 : i32
            %dma_start3A_274 = arith.constant 0 : i32
            %dma_start3A_275 = tpu.memref_slice %arg7[%dma_start3A_273, %dma_start3A_274] : memref<128x128xf32, #tpu.memory_space<vmem>> -> memref<64x128xf32, #tpu.memory_space<vmem>>
            %dma_start3A_276 = arith.constant 0 : i32
            %dma_start3A_277 = tpu.memref_slice %arg2[%dma_start3A_276, %add3A_272] : memref<64x1000000xf32, #tpu.memory_space<hbm>> -> memref<64x128xf32, #tpu.memory_space<hbm>>
            %dma_start3A_278 = arith.constant 64 : i32
            %dma_start3A_279 = arith.constant 0 : i32
            %dma_start3A_280 = tpu.memref_slice %arg7[%dma_start3A_278, %dma_start3A_279] : memref<128x128xf32, #tpu.memory_space<vmem>> -> memref<64x128xf32, #tpu.memory_space<vmem>>
            %dma_start3A_281 = arith.constant 0 : i32
            %dma_start3A_282 = tpu.memref_slice %arg2[%dma_start3A_281, %add3A_272] : memref<64x1000000xf32, #tpu.memory_space<hbm>> -> memref<64x128xf32, #tpu.memory_space<hbm>>
            tpu.enqueue_dma source(%dma_start3A_282 : memref<64x128xf32, #tpu.memory_space<hbm>>) target(%dma_start3A_280 : memref<64x128xf32, #tpu.memory_space<vmem>>) target_semaphore(%arg16 : memref<!tpu.dma_semaphore, #tpu.memory_space<semaphore_mem>>)
          } else {
          }
        } else {
        }
      } else {
      }
    }
    %scan3A_122 = arith.constant 123 : i32
    %dma_wait3A = arith.constant 0 : i32
    %dma_wait3A_123 = tpu.memref_slice %arg4[%dma_wait3A] : memref<64000000xf32, #tpu.memory_space<hbm>> -> memref<16384xf32, #tpu.memory_space<hbm>>
    %dma_wait3A_124 = arith.constant 0 : i32
    %dma_wait3A_125 = tpu.memref_slice %arg4[%dma_wait3A_124] : memref<64000000xf32, #tpu.memory_space<hbm>> -> memref<16384xf32, #tpu.memory_space<hbm>>
    tpu.wait_dma2 semaphore(%arg17 : memref<!tpu.dma_semaphore, #tpu.memory_space<semaphore_mem>>) src(%arg8 : memref<16384xf32, #tpu.memory_space<vmem>>) dst(%dma_wait3A_125 : memref<16384xf32, #tpu.memory_space<hbm>>)
    %dma_wait3A_126 = arith.constant 0 : i32
    %dma_wait3A_127 = tpu.memref_slice %arg4[%dma_wait3A_126] : memref<64000000xf32, #tpu.memory_space<hbm>> -> memref<16384xf32, #tpu.memory_space<hbm>>
    %dma_wait3A_128 = arith.constant 0 : i32
    %dma_wait3A_129 = tpu.memref_slice %arg4[%dma_wait3A_128] : memref<64000000xf32, #tpu.memory_space<hbm>> -> memref<16384xf32, #tpu.memory_space<hbm>>
    tpu.wait_dma2 semaphore(%arg18 : memref<!tpu.dma_semaphore, #tpu.memory_space<semaphore_mem>>) src(%arg9 : memref<16384xf32, #tpu.memory_space<vmem>>) dst(%dma_wait3A_129 : memref<16384xf32, #tpu.memory_space<hbm>>)
    %eq3A_130 = arith.constant 2 : i32
    %eq3A_131 = arith.cmpi eq, %add3A, %eq3A_130 : i32
    %convert_element_type3A_132 = arith.extui %eq3A_131 : i1 to i32
    %cond3A_133 = arith.constant 0 : i32
    %cond3A_134 = arith.cmpi ne, %convert_element_type3A_132, %cond3A_133 : i32
    scf.if %cond3A_134 {
      %dma_start3A_135 = arith.constant 0 : i32
      %dma_start3A_136 = arith.constant 999936 : i32
      %dma_start3A_137 = tpu.memref_slice %arg2[%dma_start3A_135, %dma_start3A_136] : memref<64x1000000xf32, #tpu.memory_space<hbm>> -> memref<64x64xf32, #tpu.memory_space<hbm>>
      %dma_start3A_138 = arith.constant 0 : i32
      %dma_start3A_139 = arith.constant 999936 : i32
      %dma_start3A_140 = tpu.memref_slice %arg2[%dma_start3A_138, %dma_start3A_139] : memref<64x1000000xf32, #tpu.memory_space<hbm>> -> memref<64x64xf32, #tpu.memory_space<hbm>>
      tpu.enqueue_dma source(%dma_start3A_140 : memref<64x64xf32, #tpu.memory_space<hbm>>) target(%arg11 : memref<64x64xf32, #tpu.memory_space<vmem>>) target_semaphore(%arg15 : memref<!tpu.dma_semaphore, #tpu.memory_space<semaphore_mem>>)
      %dma_wait3A_141 = arith.constant 0 : i32
      %dma_wait3A_142 = arith.constant 999936 : i32
      %dma_wait3A_143 = tpu.memref_slice %arg2[%dma_wait3A_141, %dma_wait3A_142] : memref<64x1000000xf32, #tpu.memory_space<hbm>> -> memref<64x64xf32, #tpu.memory_space<hbm>>
      %dma_wait3A_144 = arith.constant 0 : i32
      %dma_wait3A_145 = arith.constant 999936 : i32
      %dma_wait3A_146 = tpu.memref_slice %arg2[%dma_wait3A_144, %dma_wait3A_145] : memref<64x1000000xf32, #tpu.memory_space<hbm>> -> memref<64x64xf32, #tpu.memory_space<hbm>>
      tpu.wait_dma2 semaphore(%arg15 : memref<!tpu.dma_semaphore, #tpu.memory_space<semaphore_mem>>) src(%dma_wait3A_146 : memref<64x64xf32, #tpu.memory_space<hbm>>) dst(%arg11 : memref<64x64xf32, #tpu.memory_space<vmem>>)
      %broadcast_in_dim3A = arith.constant 0 : i32
      %broadcast_in_dim3A_147 = vector.broadcast %broadcast_in_dim3A : i32 to vector<16xi32>
      %scan3A_148 = arith.constant 0 : i32
      %scan3A_149 = arith.constant 64 : i32
      %scan3A_150 = arith.addi %scan3A_148, %scan3A_149 : i32
      %scan3A_151 = arith.constant 2 : i32
      %scan3A_152 = scf.for %scan3A_168 = %scan3A_148 to %scan3A_150 step %scan3A_151 iter_args(%scan3A_169 = %broadcast_in_dim3A_147) -> (vector<16xi32>)  : i32 {
        %add3A_170 = arith.constant 0 : i32
        %add3A_171 = arith.addi %add3A_170, %scan3A_168 : i32
        %get3A = arith.index_cast %add3A_171 : i32 to index
        %get3A_172 = arith.constant 0 : index
        %get3A_173 = tpu.vector_load %arg11[%get3A, %get3A_172] {strides = array<i32>} : memref<64x64xf32, #tpu.memory_space<vmem>>, vector<16xf32>,
        %mul3A_174 = arith.constant 8.000000e+00 : f32
        %mul3A_175 = vector.broadcast %mul3A_174 : f32 to vector<16xf32>
        %mul3A_176 = arith.mulf %get3A_173, %mul3A_175 : vector<16xf32>
        %add3A_177 = arith.constant 0 : i32
        %add3A_178 = arith.addi %add3A_177, %scan3A_168 : i32
        %get3A_179 = arith.index_cast %add3A_178 : i32 to index
        %get3A_180 = arith.constant 16 : index
        %get3A_181 = tpu.vector_load %arg11[%get3A_179, %get3A_180] {strides = array<i32>} : memref<64x64xf32, #tpu.memory_space<vmem>>, vector<16xf32>,
        %mul3A_182 = arith.constant 8.000000e+00 : f32
        %mul3A_183 = vector.broadcast %mul3A_182 : f32 to vector<16xf32>
        %mul3A_184 = arith.mulf %get3A_181, %mul3A_183 : vector<16xf32>
        %add3A_185 = arith.constant 0 : i32
        %add3A_186 = arith.addi %add3A_185, %scan3A_168 : i32
        %get3A_187 = arith.index_cast %add3A_186 : i32 to index
        %get3A_188 = arith.constant 32 : index
        %get3A_189 = tpu.vector_load %arg11[%get3A_187, %get3A_188] {strides = array<i32>} : memref<64x64xf32, #tpu.memory_space<vmem>>, vector<16xf32>,
        %mul3A_190 = arith.constant 8.000000e+00 : f32
        %mul3A_191 = vector.broadcast %mul3A_190 : f32 to vector<16xf32>
        %mul3A_192 = arith.mulf %get3A_189, %mul3A_191 : vector<16xf32>
        %add3A_193 = arith.constant 0 : i32
        %add3A_194 = arith.addi %add3A_193, %scan3A_168 : i32
        %get3A_195 = arith.index_cast %add3A_194 : i32 to index
        %get3A_196 = arith.constant 48 : index
        %get3A_197 = tpu.vector_load %arg11[%get3A_195, %get3A_196] {strides = array<i32>} : memref<64x64xf32, #tpu.memory_space<vmem>>, vector<16xf32>,
        %mul3A_198 = arith.constant 8.000000e+00 : f32
        %mul3A_199 = vector.broadcast %mul3A_198 : f32 to vector<16xf32>
        %mul3A_200 = arith.mulf %get3A_197, %mul3A_199 : vector<16xf32>
        %add3A_201 = arith.addi %mul3A_74, %scan3A_169 : vector<16xi32>
        tpu.vector_store_idx %arg10[%add3A_201], %mul3A_176 : memref<8320xf32, #tpu.memory_space<vmem>>[vector<16xi32>], vector<16xf32>,
        %add3A_202 = arith.addi %mul3A_80, %scan3A_169 : vector<16xi32>
        tpu.vector_store_idx %arg10[%add3A_202], %mul3A_184 : memref<8320xf32, #tpu.memory_space<vmem>>[vector<16xi32>], vector<16xf32>,
        %add3A_203 = arith.addi %mul3A_86, %scan3A_169 : vector<16xi32>
        tpu.vector_store_idx %arg10[%add3A_203], %mul3A_192 : memref<8320xf32, #tpu.memory_space<vmem>>[vector<16xi32>], vector<16xf32>,
        %add3A_204 = arith.addi %mul3A_92, %scan3A_169 : vector<16xi32>
        tpu.vector_store_idx %arg10[%add3A_204], %mul3A_200 : memref<8320xf32, #tpu.memory_space<vmem>>[vector<16xi32>], vector<16xf32>,
        %add3A_205 = arith.constant 1 : i32
        %add3A_206 = vector.broadcast %add3A_205 : i32 to vector<16xi32>
        %add3A_207 = arith.addi %scan3A_169, %add3A_206 : vector<16xi32>
        %scan3A_208 = arith.constant 1 : i32
        %scan3A_209 = arith.addi %scan3A_168, %scan3A_208 : i32
        %add3A_210 = arith.constant 0 : i32
        %add3A_211 = arith.addi %add3A_210, %scan3A_209 : i32
        %get3A_212 = arith.index_cast %add3A_211 : i32 to index
        %get3A_213 = arith.constant 0 : index
        %get3A_214 = tpu.vector_load %arg11[%get3A_212, %get3A_213] {strides = array<i32>} : memref<64x64xf32, #tpu.memory_space<vmem>>, vector<16xf32>,
        %mul3A_215 = arith.constant 8.000000e+00 : f32
        %mul3A_216 = vector.broadcast %mul3A_215 : f32 to vector<16xf32>
        %mul3A_217 = arith.mulf %get3A_214, %mul3A_216 : vector<16xf32>
        %add3A_218 = arith.constant 0 : i32
        %add3A_219 = arith.addi %add3A_218, %scan3A_209 : i32
        %get3A_220 = arith.index_cast %add3A_219 : i32 to index
        %get3A_221 = arith.constant 16 : index
        %get3A_222 = tpu.vector_load %arg11[%get3A_220, %get3A_221] {strides = array<i32>} : memref<64x64xf32, #tpu.memory_space<vmem>>, vector<16xf32>,
        %mul3A_223 = arith.constant 8.000000e+00 : f32
        %mul3A_224 = vector.broadcast %mul3A_223 : f32 to vector<16xf32>
        %mul3A_225 = arith.mulf %get3A_222, %mul3A_224 : vector<16xf32>
        %add3A_226 = arith.constant 0 : i32
        %add3A_227 = arith.addi %add3A_226, %scan3A_209 : i32
        %get3A_228 = arith.index_cast %add3A_227 : i32 to index
        %get3A_229 = arith.constant 32 : index
        %get3A_230 = tpu.vector_load %arg11[%get3A_228, %get3A_229] {strides = array<i32>} : memref<64x64xf32, #tpu.memory_space<vmem>>, vector<16xf32>,
        %mul3A_231 = arith.constant 8.000000e+00 : f32
        %mul3A_232 = vector.broadcast %mul3A_231 : f32 to vector<16xf32>
        %mul3A_233 = arith.mulf %get3A_230, %mul3A_232 : vector<16xf32>
        %add3A_234 = arith.constant 0 : i32
        %add3A_235 = arith.addi %add3A_234, %scan3A_209 : i32
        %get3A_236 = arith.index_cast %add3A_235 : i32 to index
        %get3A_237 = arith.constant 48 : index
        %get3A_238 = tpu.vector_load %arg11[%get3A_236, %get3A_237] {strides = array<i32>} : memref<64x64xf32, #tpu.memory_space<vmem>>, vector<16xf32>,
        %mul3A_239 = arith.constant 8.000000e+00 : f32
        %mul3A_240 = vector.broadcast %mul3A_239 : f32 to vector<16xf32>
        %mul3A_241 = arith.mulf %get3A_238, %mul3A_240 : vector<16xf32>
        %add3A_242 = arith.addi %mul3A_74, %add3A_207 : vector<16xi32>
        tpu.vector_store_idx %arg10[%add3A_242], %mul3A_217 : memref<8320xf32, #tpu.memory_space<vmem>>[vector<16xi32>], vector<16xf32>,
        %add3A_243 = arith.addi %mul3A_80, %add3A_207 : vector<16xi32>
        tpu.vector_store_idx %arg10[%add3A_243], %mul3A_225 : memref<8320xf32, #tpu.memory_space<vmem>>[vector<16xi32>], vector<16xf32>,
        %add3A_244 = arith.addi %mul3A_86, %add3A_207 : vector<16xi32>
        tpu.vector_store_idx %arg10[%add3A_244], %mul3A_233 : memref<8320xf32, #tpu.memory_space<vmem>>[vector<16xi32>], vector<16xf32>,
        %add3A_245 = arith.addi %mul3A_92, %add3A_207 : vector<16xi32>
        tpu.vector_store_idx %arg10[%add3A_245], %mul3A_241 : memref<8320xf32, #tpu.memory_space<vmem>>[vector<16xi32>], vector<16xf32>,
        %add3A_246 = arith.constant 1 : i32
        %add3A_247 = vector.broadcast %add3A_246 : i32 to vector<16xi32>
        %add3A_248 = arith.addi %add3A_207, %add3A_247 : vector<16xi32>
        scf.yield %add3A_248 : vector<16xi32>
      }
      %scan3A_153 = arith.constant 64 : i32
      %scan3A_154 = arith.constant 0 : i32
      %scan3A_155 = arith.constant 0 : i32
      %scan3A_156 = arith.constant 64 : i32
      %scan3A_157 = arith.addi %scan3A_155, %scan3A_156 : i32
      %scan3A_158 = arith.constant 4 : i32
      scf.for %scan3A_168 = %scan3A_155 to %scan3A_157 step %scan3A_158  : i32 {
        %mul3A_169 = arith.constant 65 : i32
        %mul3A_170 = arith.muli %scan3A_168, %mul3A_169 : i32
        %mul3A_171 = arith.constant 64 : i32
        %mul3A_172 = arith.muli %scan3A_168, %mul3A_171 : i32
        %add3A_173 = arith.constant 0 : i32
        %add3A_174 = arith.addi %add3A_173, %mul3A_172 : i32
        %add3A_175 = arith.constant 0 : i32
        %add3A_176 = arith.addi %mul3A_170, %add3A_175 : i32
        %get3A = arith.index_cast %add3A_176 : i32 to index
        %get3A_177 = tpu.vector_load %arg10[%get3A] {strides = array<i32>} : memref<8320xf32, #tpu.memory_space<vmem>>, vector<16xf32>,
        %add3A_178 = arith.constant 0 : i32
        %add3A_179 = arith.addi %add3A_174, %add3A_178 : i32
        %swap3A = arith.index_cast %add3A_179 : i32 to index
        %swap3A_180 = tpu.vector_load %arg12[%swap3A] {strides = array<i32>} : memref<4096xf32, #tpu.memory_space<vmem>>, vector<16xf32>,
        tpu.vector_store %arg12[%swap3A], %get3A_177 {strides = array<i32>} : memref<4096xf32, #tpu.memory_space<vmem>>, vector<16xf32>,
        %add3A_181 = arith.constant 16 : i32
        %add3A_182 = arith.addi %mul3A_170, %add3A_181 : i32
        %get3A_183 = arith.index_cast %add3A_182 : i32 to index
        %get3A_184 = tpu.vector_load %arg10[%get3A_183] {strides = array<i32>} : memref<8320xf32, #tpu.memory_space<vmem>>, vector<16xf32>,
        %add3A_185 = arith.constant 16 : i32
        %add3A_186 = arith.addi %add3A_174, %add3A_185 : i32
        %swap3A_187 = arith.index_cast %add3A_186 : i32 to index
        %swap3A_188 = tpu.vector_load %arg12[%swap3A_187] {strides = array<i32>} : memref<4096xf32, #tpu.memory_space<vmem>>, vector<16xf32>,
        tpu.vector_store %arg12[%swap3A_187], %get3A_184 {strides = array<i32>} : memref<4096xf32, #tpu.memory_space<vmem>>, vector<16xf32>,
        %add3A_189 = arith.constant 32 : i32
        %add3A_190 = arith.addi %mul3A_170, %add3A_189 : i32
        %get3A_191 = arith.index_cast %add3A_190 : i32 to index
        %get3A_192 = tpu.vector_load %arg10[%get3A_191] {strides = array<i32>} : memref<8320xf32, #tpu.memory_space<vmem>>, vector<16xf32>,
        %add3A_193 = arith.constant 32 : i32
        %add3A_194 = arith.addi %add3A_174, %add3A_193 : i32
        %swap3A_195 = arith.index_cast %add3A_194 : i32 to index
        %swap3A_196 = tpu.vector_load %arg12[%swap3A_195] {strides = array<i32>} : memref<4096xf32, #tpu.memory_space<vmem>>, vector<16xf32>,
        tpu.vector_store %arg12[%swap3A_195], %get3A_192 {strides = array<i32>} : memref<4096xf32, #tpu.memory_space<vmem>>, vector<16xf32>,
        %add3A_197 = arith.constant 48 : i32
        %add3A_198 = arith.addi %mul3A_170, %add3A_197 : i32
        %get3A_199 = arith.index_cast %add3A_198 : i32 to index
        %get3A_200 = tpu.vector_load %arg10[%get3A_199] {strides = array<i32>} : memref<8320xf32, #tpu.memory_space<vmem>>, vector<16xf32>,
        %add3A_201 = arith.constant 48 : i32
        %add3A_202 = arith.addi %add3A_174, %add3A_201 : i32
        %swap3A_203 = arith.index_cast %add3A_202 : i32 to index
        %swap3A_204 = tpu.vector_load %arg12[%swap3A_203] {strides = array<i32>} : memref<4096xf32, #tpu.memory_space<vmem>>, vector<16xf32>,
        tpu.vector_store %arg12[%swap3A_203], %get3A_200 {strides = array<i32>} : memref<4096xf32, #tpu.memory_space<vmem>>, vector<16xf32>,
        %scan3A_205 = arith.constant 1 : i32
        %scan3A_206 = arith.addi %scan3A_168, %scan3A_205 : i32
        %mul3A_207 = arith.constant 65 : i32
        %mul3A_208 = arith.muli %scan3A_206, %mul3A_207 : i32
        %mul3A_209 = arith.constant 64 : i32
        %mul3A_210 = arith.muli %scan3A_206, %mul3A_209 : i32
        %add3A_211 = arith.constant 0 : i32
        %add3A_212 = arith.addi %add3A_211, %mul3A_210 : i32
        %add3A_213 = arith.constant 0 : i32
        %add3A_214 = arith.addi %mul3A_208, %add3A_213 : i32
        %get3A_215 = arith.index_cast %add3A_214 : i32 to index
        %get3A_216 = tpu.vector_load %arg10[%get3A_215] {strides = array<i32>} : memref<8320xf32, #tpu.memory_space<vmem>>, vector<16xf32>,
        %add3A_217 = arith.constant 0 : i32
        %add3A_218 = arith.addi %add3A_212, %add3A_217 : i32
        %swap3A_219 = arith.index_cast %add3A_218 : i32 to index
        %swap3A_220 = tpu.vector_load %arg12[%swap3A_219] {strides = array<i32>} : memref<4096xf32, #tpu.memory_space<vmem>>, vector<16xf32>,
        tpu.vector_store %arg12[%swap3A_219], %get3A_216 {strides = array<i32>} : memref<4096xf32, #tpu.memory_space<vmem>>, vector<16xf32>,
        %add3A_221 = arith.constant 16 : i32
        %add3A_222 = arith.addi %mul3A_208, %add3A_221 : i32
        %get3A_223 = arith.index_cast %add3A_222 : i32 to index
        %get3A_224 = tpu.vector_load %arg10[%get3A_223] {strides = array<i32>} : memref<8320xf32, #tpu.memory_space<vmem>>, vector<16xf32>,
        %add3A_225 = arith.constant 16 : i32
        %add3A_226 = arith.addi %add3A_212, %add3A_225 : i32
        %swap3A_227 = arith.index_cast %add3A_226 : i32 to index
        %swap3A_228 = tpu.vector_load %arg12[%swap3A_227] {strides = array<i32>} : memref<4096xf32, #tpu.memory_space<vmem>>, vector<16xf32>,
        tpu.vector_store %arg12[%swap3A_227], %get3A_224 {strides = array<i32>} : memref<4096xf32, #tpu.memory_space<vmem>>, vector<16xf32>,
        %add3A_229 = arith.constant 32 : i32
        %add3A_230 = arith.addi %mul3A_208, %add3A_229 : i32
        %get3A_231 = arith.index_cast %add3A_230 : i32 to index
        %get3A_232 = tpu.vector_load %arg10[%get3A_231] {strides = array<i32>} : memref<8320xf32, #tpu.memory_space<vmem>>, vector<16xf32>,
        %add3A_233 = arith.constant 32 : i32
        %add3A_234 = arith.addi %add3A_212, %add3A_233 : i32
        %swap3A_235 = arith.index_cast %add3A_234 : i32 to index
        %swap3A_236 = tpu.vector_load %arg12[%swap3A_235] {strides = array<i32>} : memref<4096xf32, #tpu.memory_space<vmem>>, vector<16xf32>,
        tpu.vector_store %arg12[%swap3A_235], %get3A_232 {strides = array<i32>} : memref<4096xf32, #tpu.memory_space<vmem>>, vector<16xf32>,
        %add3A_237 = arith.constant 48 : i32
        %add3A_238 = arith.addi %mul3A_208, %add3A_237 : i32
        %get3A_239 = arith.index_cast %add3A_238 : i32 to index
        %get3A_240 = tpu.vector_load %arg10[%get3A_239] {strides = array<i32>} : memref<8320xf32, #tpu.memory_space<vmem>>, vector<16xf32>,
        %add3A_241 = arith.constant 48 : i32
        %add3A_242 = arith.addi %add3A_212, %add3A_241 : i32
        %swap3A_243 = arith.index_cast %add3A_242 : i32 to index
        %swap3A_244 = tpu.vector_load %arg12[%swap3A_243] {strides = array<i32>} : memref<4096xf32, #tpu.memory_space<vmem>>, vector<16xf32>,
        tpu.vector_store %arg12[%swap3A_243], %get3A_240 {strides = array<i32>} : memref<4096xf32, #tpu.memory_space<vmem>>, vector<16xf32>,
        %scan3A_245 = arith.constant 2 : i32
        %scan3A_246 = arith.addi %scan3A_168, %scan3A_245 : i32
        %mul3A_247 = arith.constant 65 : i32
        %mul3A_248 = arith.muli %scan3A_246, %mul3A_247 : i32
        %mul3A_249 = arith.constant 64 : i32
        %mul3A_250 = arith.muli %scan3A_246, %mul3A_249 : i32
        %add3A_251 = arith.constant 0 : i32
        %add3A_252 = arith.addi %add3A_251, %mul3A_250 : i32
        %add3A_253 = arith.constant 0 : i32
        %add3A_254 = arith.addi %mul3A_248, %add3A_253 : i32
        %get3A_255 = arith.index_cast %add3A_254 : i32 to index
        %get3A_256 = tpu.vector_load %arg10[%get3A_255] {strides = array<i32>} : memref<8320xf32, #tpu.memory_space<vmem>>, vector<16xf32>,
        %add3A_257 = arith.constant 0 : i32
        %add3A_258 = arith.addi %add3A_252, %add3A_257 : i32
        %swap3A_259 = arith.index_cast %add3A_258 : i32 to index
        %swap3A_260 = tpu.vector_load %arg12[%swap3A_259] {strides = array<i32>} : memref<4096xf32, #tpu.memory_space<vmem>>, vector<16xf32>,
        tpu.vector_store %arg12[%swap3A_259], %get3A_256 {strides = array<i32>} : memref<4096xf32, #tpu.memory_space<vmem>>, vector<16xf32>,
        %add3A_261 = arith.constant 16 : i32
        %add3A_262 = arith.addi %mul3A_248, %add3A_261 : i32
        %get3A_263 = arith.index_cast %add3A_262 : i32 to index
        %get3A_264 = tpu.vector_load %arg10[%get3A_263] {strides = array<i32>} : memref<8320xf32, #tpu.memory_space<vmem>>, vector<16xf32>,
        %add3A_265 = arith.constant 16 : i32
        %add3A_266 = arith.addi %add3A_252, %add3A_265 : i32
        %swap3A_267 = arith.index_cast %add3A_266 : i32 to index
        %swap3A_268 = tpu.vector_load %arg12[%swap3A_267] {strides = array<i32>} : memref<4096xf32, #tpu.memory_space<vmem>>, vector<16xf32>,
        tpu.vector_store %arg12[%swap3A_267], %get3A_264 {strides = array<i32>} : memref<4096xf32, #tpu.memory_space<vmem>>, vector<16xf32>,
        %add3A_269 = arith.constant 32 : i32
        %add3A_270 = arith.addi %mul3A_248, %add3A_269 : i32
        %get3A_271 = arith.index_cast %add3A_270 : i32 to index
        %get3A_272 = tpu.vector_load %arg10[%get3A_271] {strides = array<i32>} : memref<8320xf32, #tpu.memory_space<vmem>>, vector<16xf32>,
        %add3A_273 = arith.constant 32 : i32
        %add3A_274 = arith.addi %add3A_252, %add3A_273 : i32
        %swap3A_275 = arith.index_cast %add3A_274 : i32 to index
        %swap3A_276 = tpu.vector_load %arg12[%swap3A_275] {strides = array<i32>} : memref<4096xf32, #tpu.memory_space<vmem>>, vector<16xf32>,
        tpu.vector_store %arg12[%swap3A_275], %get3A_272 {strides = array<i32>} : memref<4096xf32, #tpu.memory_space<vmem>>, vector<16xf32>,
        %add3A_277 = arith.constant 48 : i32
        %add3A_278 = arith.addi %mul3A_248, %add3A_277 : i32
        %get3A_279 = arith.index_cast %add3A_278 : i32 to index
        %get3A_280 = tpu.vector_load %arg10[%get3A_279] {strides = array<i32>} : memref<8320xf32, #tpu.memory_space<vmem>>, vector<16xf32>,
        %add3A_281 = arith.constant 48 : i32
        %add3A_282 = arith.addi %add3A_252, %add3A_281 : i32
        %swap3A_283 = arith.index_cast %add3A_282 : i32 to index
        %swap3A_284 = tpu.vector_load %arg12[%swap3A_283] {strides = array<i32>} : memref<4096xf32, #tpu.memory_space<vmem>>, vector<16xf32>,
        tpu.vector_store %arg12[%swap3A_283], %get3A_280 {strides = array<i32>} : memref<4096xf32, #tpu.memory_space<vmem>>, vector<16xf32>,
        %scan3A_285 = arith.constant 3 : i32
        %scan3A_286 = arith.addi %scan3A_168, %scan3A_285 : i32
        %mul3A_287 = arith.constant 65 : i32
        %mul3A_288 = arith.muli %scan3A_286, %mul3A_287 : i32
        %mul3A_289 = arith.constant 64 : i32
        %mul3A_290 = arith.muli %scan3A_286, %mul3A_289 : i32
        %add3A_291 = arith.constant 0 : i32
        %add3A_292 = arith.addi %add3A_291, %mul3A_290 : i32
        %add3A_293 = arith.constant 0 : i32
        %add3A_294 = arith.addi %mul3A_288, %add3A_293 : i32
        %get3A_295 = arith.index_cast %add3A_294 : i32 to index
        %get3A_296 = tpu.vector_load %arg10[%get3A_295] {strides = array<i32>} : memref<8320xf32, #tpu.memory_space<vmem>>, vector<16xf32>,
        %add3A_297 = arith.constant 0 : i32
        %add3A_298 = arith.addi %add3A_292, %add3A_297 : i32
        %swap3A_299 = arith.index_cast %add3A_298 : i32 to index
        %swap3A_300 = tpu.vector_load %arg12[%swap3A_299] {strides = array<i32>} : memref<4096xf32, #tpu.memory_space<vmem>>, vector<16xf32>,
        tpu.vector_store %arg12[%swap3A_299], %get3A_296 {strides = array<i32>} : memref<4096xf32, #tpu.memory_space<vmem>>, vector<16xf32>,
        %add3A_301 = arith.constant 16 : i32
        %add3A_302 = arith.addi %mul3A_288, %add3A_301 : i32
        %get3A_303 = arith.index_cast %add3A_302 : i32 to index
        %get3A_304 = tpu.vector_load %arg10[%get3A_303] {strides = array<i32>} : memref<8320xf32, #tpu.memory_space<vmem>>, vector<16xf32>,
        %add3A_305 = arith.constant 16 : i32
        %add3A_306 = arith.addi %add3A_292, %add3A_305 : i32
        %swap3A_307 = arith.index_cast %add3A_306 : i32 to index
        %swap3A_308 = tpu.vector_load %arg12[%swap3A_307] {strides = array<i32>} : memref<4096xf32, #tpu.memory_space<vmem>>, vector<16xf32>,
        tpu.vector_store %arg12[%swap3A_307], %get3A_304 {strides = array<i32>} : memref<4096xf32, #tpu.memory_space<vmem>>, vector<16xf32>,
        %add3A_309 = arith.constant 32 : i32
        %add3A_310 = arith.addi %mul3A_288, %add3A_309 : i32
        %get3A_311 = arith.index_cast %add3A_310 : i32 to index
        %get3A_312 = tpu.vector_load %arg10[%get3A_311] {strides = array<i32>} : memref<8320xf32, #tpu.memory_space<vmem>>, vector<16xf32>,
        %add3A_313 = arith.constant 32 : i32
        %add3A_314 = arith.addi %add3A_292, %add3A_313 : i32
        %swap3A_315 = arith.index_cast %add3A_314 : i32 to index
        %swap3A_316 = tpu.vector_load %arg12[%swap3A_315] {strides = array<i32>} : memref<4096xf32, #tpu.memory_space<vmem>>, vector<16xf32>,
        tpu.vector_store %arg12[%swap3A_315], %get3A_312 {strides = array<i32>} : memref<4096xf32, #tpu.memory_space<vmem>>, vector<16xf32>,
        %add3A_317 = arith.constant 48 : i32
        %add3A_318 = arith.addi %mul3A_288, %add3A_317 : i32
        %get3A_319 = arith.index_cast %add3A_318 : i32 to index
        %get3A_320 = tpu.vector_load %arg10[%get3A_319] {strides = array<i32>} : memref<8320xf32, #tpu.memory_space<vmem>>, vector<16xf32>,
        %add3A_321 = arith.constant 48 : i32
        %add3A_322 = arith.addi %add3A_292, %add3A_321 : i32
        %swap3A_323 = arith.index_cast %add3A_322 : i32 to index
        %swap3A_324 = tpu.vector_load %arg12[%swap3A_323] {strides = array<i32>} : memref<4096xf32, #tpu.memory_space<vmem>>, vector<16xf32>,
        tpu.vector_store %arg12[%swap3A_323], %get3A_320 {strides = array<i32>} : memref<4096xf32, #tpu.memory_space<vmem>>, vector<16xf32>,
      }
      %scan3A_159 = arith.constant 64 : i32
      %dma_start3A_160 = arith.constant 63995904 : i32
      %dma_start3A_161 = tpu.memref_slice %arg4[%dma_start3A_160] : memref<64000000xf32, #tpu.memory_space<hbm>> -> memref<4096xf32, #tpu.memory_space<hbm>>
      %dma_start3A_162 = arith.constant 63995904 : i32
      %dma_start3A_163 = tpu.memref_slice %arg4[%dma_start3A_162] : memref<64000000xf32, #tpu.memory_space<hbm>> -> memref<4096xf32, #tpu.memory_space<hbm>>
      tpu.enqueue_dma source(%arg12 : memref<4096xf32, #tpu.memory_space<vmem>>) target(%dma_start3A_163 : memref<4096xf32, #tpu.memory_space<hbm>>) target_semaphore(%arg15 : memref<!tpu.dma_semaphore, #tpu.memory_space<semaphore_mem>>)
      %dma_wait3A_164 = arith.constant 63995904 : i32
      %dma_wait3A_165 = tpu.memref_slice %arg4[%dma_wait3A_164] : memref<64000000xf32, #tpu.memory_space<hbm>> -> memref<4096xf32, #tpu.memory_space<hbm>>
      %dma_wait3A_166 = arith.constant 63995904 : i32
      %dma_wait3A_167 = tpu.memref_slice %arg4[%dma_wait3A_166] : memref<64000000xf32, #tpu.memory_space<hbm>> -> memref<4096xf32, #tpu.memory_space<hbm>>
      tpu.wait_dma2 semaphore(%arg15 : memref<!tpu.dma_semaphore, #tpu.memory_space<semaphore_mem>>) src(%arg12 : memref<4096xf32, #tpu.memory_space<vmem>>) dst(%dma_wait3A_167 : memref<4096xf32, #tpu.memory_space<hbm>>)
    } else {
    }
    return
  }
}

</mosaic_0001>

<sc_bundles>
// kernel: _stage1.3.cloned.1.call-start
scs
__scs_entry_jumppad:
0x0: {  	(pc) =	sbr.rel $0x88, $3  }
0x1: {  	(tag) =	ssettag $0x0;
	lr =	simm.s32 $0x1  }
0x2: {  	[smem:$0x3F9F] =	sst lr;
	_ =	strace $0xD0000000  }
0x3: {  	_ = 	snop  }
0x4: {  	_ = 	snop  }
0x5: {  	_ = 	snop  }
0x6: {  	_ = 	snop  }
0x7: {  	_ = 	snop  }
__scs_overlays_trampoline_lowered:
0x8: {  	[smem:$0x3FAE] =	sst s0  }
0x9: {  	[smem:$0x3FAF] =	sst s1  }
0xa: {  	[smem:$0x3FB0] =	sst s2  }
0xb: {  	[smem:$0x3FB1] =	sst s3  }
0xc: {  	[smem:$0x3FB2] =	sst s4  }
0xd: {  	[smem:$0x3FB3] =	sst s5  }
0xe: {  	[smem:$0x3FB4] =	sst s6  }
0xf: {  	[smem:$0x3FB5] =	sst s7  }
0x10: {  	[smem:$0x3FB6] =	sst s8  }
0x11: {  	[smem:$0x3FB7] =	sst s9;
	s0 =	simm.s32 @!p0 $0x0  }
0x12: {  	s1 =	sld [smem:$0x3F9D];
	s0 =	simm.s32 @p0 $0x1  }
0x13: {  	[smem:$0x3FB8] =	sst s0;
	s0 =	simm.s32 @!p1 $0x0  }
0x14: {  	s2 =	sld [smem:$0x3F9C];
	s0 =	simm.s32 @p1 $0x1  }
0x15: {  	[smem:$0x3FB9] =	sst s0;
	s0 =	simm.s32 @!p2 $0x0  }
0x16: {  	s3 =	sld [smem:$0x3FDB];
	s0 =	simm.s32 @p2 $0x1  }
0x17: {  	s4 =	simm.s32 $0x1BF5;
	[smem:$0x3FBB] =	sst s0  }
0x18: {  	s0 =	sld [smem:$0x3F9E];
	_ =	swait.ge [sflag:s4], $0x0  }
0x19: {  	s7 =	sld [smem:$0x3F9F]  }
0x1a: {  	s8 =	sadd.s32 $0xFFFFE003, lr  }
0x1b: {  	s9 =	sadd.s32 $0xFFFFFEF7, lr;
	s5 =	simm.s32 $0xFFFFFFFF;
	p2 =	slt.u32 s8, $0xFFFFF086  }
0x1c: {  	p1 =	slt.u32 s9, $0xF7A;
	s5 =	simm.s32 @!p2 $0x0  }
0x1d: {  	s5 =	simm.s32 @p1 $0x1;
	p0 =	seq.s32 s7, s2  }
0x1e: {  	s7 =	smul.u32 @!p0 $0xF7A, s2;
	p2 =	seq.s32 @!p0 s5, $0x0  }
0x1f: {  	s9 =	smul.u32 $0xF7A, s1;
	s8 =	simm.s32 @!p0 $0x1BF5;
	p2 =	por !p2, p0  }
0x20: {  	[sflag:s8] =	ssyncset.s32 @!p0 $0xFFFFF086;
	s6 =	sadd.s32 @!p0 s3, s7;
	s7 =	simm.s32 @!p0 $0x108  }
0x21: {  	s3 =	sadd.s32 s3, s9;
	s6 =	sadd.s32 @!p0 $0x88, s6;
	s7 =	simm.s32 @p2 $0x1082  }
0x22: {  	[simem:s7], [sflag:s8] =	dma.local @!p0 [hbm:s6], $0xF7A  }
0x23: {  	s9 =	sor.u32 $0xD0000000, s2;
	s6 =	simm.s32 $0x108;
	_ =	swait.ge @!p0 [sflag:s8], $0x0  }
0x24: {  	s3 =	sadd.s32 $0x88, s3;
	s6 =	simm.s32 @!p1 $0x1082;
	[sflag:s4] =	ssyncset.s32 $0xFFFFF086  }
0x25: {  	[simem:s6], [sflag:s4] =	dma.local [hbm:s3], $0xF7A  }
0x26: {  	[smem:$0x3F9F] =	sst s1;
	(tag) =	ssettag s2;
	_ =	strace s9  }
0x27: {  	s1 =	sld [smem:$0x3FAF]  }
0x28: {  	s2 =	sld [smem:$0x3FB0]  }
0x29: {  	s4 =	sld [smem:$0x3FB2]  }
0x2a: {  	p0 =	seq.s32 s5, $0x0;
	s5 =	sld [smem:$0x3FB3]  }
0x2b: {  	s6 =	sld [smem:$0x3FB4]  }
0x2c: {  	s7 =	sld [smem:$0x3FB5]  }
0x2d: {  	s3 =	simm.s32 $0x108;
	s8 =	sld [smem:$0x3FB6]  }
0x2e: {  	s3 =	simm.s32 @!p0 $0x1082;
	s9 =	sld [smem:$0x3FB7]  }
0x2f: {  	lr =	sadd.s32 s0, s3;
	s0 =	sld [smem:$0x3FAE]  }
0x30: {  	s3 =	sld [smem:$0x3FB1]  }
0x31: {  	[smem:$0x3FBA] =	sst s10  }
0x32: {  	s10 =	sld [smem:$0x3FB8];
	_ =	sdelay $0x3  }
0x33: {  	p0 =	seq.s32 s10, $0x1;
	s10 =	sld [smem:$0x3FBA];
	_ =	sdelay $0x3  }
0x34: {  	[smem:$0x3FBA] =	sst s10  }
0x35: {  	s10 =	sld [smem:$0x3FB9];
	_ =	sdelay $0x3  }
0x36: {  	p1 =	seq.s32 s10, $0x1;
	s10 =	sld [smem:$0x3FBA];
	_ =	sdelay $0x3  }
0x37: {  	[smem:$0x3FBA] =	sst s10  }
0x38: {  	s10 =	sld [smem:$0x3FBB]  }
0x39: {  	_ = 	snop;
	(pc) =	sbr.ind lr, $3  }
0x3a: {  	_ = 	snop  }
0x3b: {  	_ = 	snop  }
0x3c: {  	p2 =	seq.s32 s10, $0x1;
	s10 =	sld [smem:$0x3FBA]  }
0x3d: {  	_ =	shalt  }
0x3e: {  	_ =	shalt  }
0x3f: {  	_ =	shalt  }
0x40: {  	_ =	shalt  }
0x41: {  	_ =	shalt  }
0x42: {  	_ =	shalt  }
0x43: {  	_ =	shalt  }
0x44: {  	_ =	shalt  }
0x45: {  	_ =	shalt  }
0x46: {  	_ =	shalt  }
0x47: {  	_ =	shalt  }
0x48: {  	_ =	shalt  }
0x49: {  	_ =	shalt  }
0x4a: {  	_ =	shalt  }
0x4b: {  	_ =	shalt  }
0x4c: {  	_ =	shalt  }
0x4d: {  	_ =	shalt  }
0x4e: {  	_ =	shalt  }
0x4f: {  	_ =	shalt  }
0x50: {  	_ =	shalt  }
0x51: {  	_ =	shalt  }
0x52: {  	_ =	shalt  }
0x53: {  	_ =	shalt  }
0x54: {  	_ =	shalt  }
0x55: {  	_ =	shalt  }
0x56: {  	_ =	shalt  }
0x57: {  	_ =	shalt  }
0x58: {  	_ =	shalt  }
0x59: {  	_ =	shalt  }
0x5a: {  	_ =	shalt  }
0x5b: {  	_ =	shalt  }
0x5c: {  	_ =	shalt  }
0x5d: {  	_ =	shalt  }
0x5e: {  	_ =	shalt  }
0x5f: {  	_ =	shalt  }
0x60: {  	_ =	shalt  }
0x61: {  	_ =	shalt  }
0x62: {  	_ =	shalt  }
0x63: {  	_ =	shalt  }
0x64: {  	_ =	shalt  }
0x65: {  	_ =	shalt  }
0x66: {  	_ =	shalt  }
0x67: {  	_ =	shalt  }
0x68: {  	_ =	shalt  }
0x69: {  	_ =	shalt  }
0x6a: {  	_ =	shalt  }
0x6b: {  	_ =	shalt  }
0x6c: {  	_ =	shalt  }
0x6d: {  	_ =	shalt  }
0x6e: {  	_ =	shalt  }
0x6f: {  	_ =	shalt  }
0x70: {  	_ =	shalt  }
0x71: {  	_ =	shalt  }
0x72: {  	_ =	shalt  }
0x73: {  	_ =	shalt  }
0x74: {  	_ =	shalt  }
0x75: {  	_ =	shalt  }
0x76: {  	_ =	shalt  }
0x77: {  	_ =	shalt  }
0x78: {  	_ =	shalt  }
0x79: {  	_ =	shalt  }
0x7a: {  	_ =	shalt  }
0x7b: {  	_ =	shalt  }
0x7c: {  	_ =	shalt  }
0x7d: {  	_ =	shalt  }
0x7e: {  	_ =	shalt  }
0x7f: {  	_ =	shalt  }
0x80: {  	_ =	shalt  }
0x81: {  	_ =	shalt  }
0x82: {  	_ =	shalt  }
0x83: {  	_ =	shalt  }
0x84: {  	_ =	shalt  }
0x85: {  	_ =	shalt  }
0x86: {  	_ =	shalt  }
0x87: {  	_ =	shalt  }
.Lfunc_end0:
.L_simem_size_0:
called_computation_lowered:
.L_overlay_start_0:
0x88: {  	s2 =	sld [smem:$0x3FD9]  }
0x89: {  	s3 =	sld [smem:$0x3FFE];
	_ =	sdelay $0x1  }
0x8a: {  	s1 =	srdreg.scid  }
0x8b: {  	s0 =	sand.u32 $0x1, s1  }
0x8c: {  	s15 =	sshll.u32 s0, $0xA;
	s2 =	sadd.s32 s3, s2  }
0x8d: {  	s2 =	sadd.s32 s2, s15  }
0x8e: {  	[smem:$0x3FC6] =	sst s2  }
0x8f: {  	_ = 	snop  }
0x90: {  	s2 =	sld [smem:$0x3FD0];
	_ =	sdelay $0x1  }
0x91: {  	s16 =	sld [smem:$0x3FC9]  }
0x92: {  	s5 =	simm.s32 $0xA;
	s6 =	simm.s32 $0x10;
	s4 =	sld [smem:$0x3FC8]  }
0x93: {  	[smem:s6], [sflag:s5] =	dma.local [hbm:s2], $0x1  }
0x94: {  	_ =	swait.eq [sflag:s5], $0x1  }
0x95: {  	[sflag:s5] =	ssyncset.done $0x0  }
0x96: {  	s17 =	sld [smem:$0x10];
	[sflag:s5] =	ssyncadd.s32 $0xFFFFFFFF  }
0x97: {  	s18 =	sld [smem:$0x11];
	(tm) =	ssettm $0x1  }
0x98: {  	s19 =	sld [smem:$0x3FFB];
	_ =	sdelay $0x3  }
0x99: {  	_ =	strace s19  }
0x9a: {  	s6 =	sld [smem:$0x3FFC];
	_ =	sdelay $0x3  }
0x9b: {  	_ =	strace s6  }
0x9c: {  	s6 =	sld [smem:$0x3FFD];
	_ =	sdelay $0x3  }
0x9d: {  	_ =	strace s6  }
0x9e: {  	_ =	strace $0x8FFFFFFF  }
0x9f: {  	s20 =	sld [smem:$0x3FDB];
	_ =	sdelay $0x1  }
0xa0: {  	s7 =	simm.s32 $_scs_section_size  }
0xa1: {  	s8 =	simm.s32 $_size__tile_overlayer_lowered;
	s9 =	simm.s32 $_tile_overlayer_lowered  }
0xa2: {  	s23 =	simm.s32 $0x1BFF;
	s22 =	sshll.u32 s9, $0x1;
	s6 =	sadd.s32 s7, s20  }
0xa3: {  	s10 =	simm.s32 $0x0;
	s21 =	sshll.u32 s8, $0x1;
	s8 =	sadd.s32 s22, s6  }
0xa4: {  	[timem:s10], [sflag:s23] =	dma.local [hbm:s8], s21  }
0xa5: {  	_ =	swait.ge [sflag:s23], s21  }
0xa6: {  	s7 =	ssub.s32 $0x0, s21;
	[sflag:s23] =	ssyncset.done $0x0  }
0xa7: {  	[sflag:s23] =	ssyncadd.s32 s7;
	_ =	sdelay $0x1  }
0xa8: {  	s24 =	simm.s32 $0x1B8B  }
0xa9: {  	_ =	swait.ge [sflag:s24], $0x1  }
0xaa: {  	[sflag:s24] =	ssyncset.done $0x0  }
0xab: {  	s25 =	simm.s32 $0x1B8E;
	[sflag:s24] =	ssyncadd.s32 $0xFFFFFFFF  }
0xac: {  	s26 =	simm.s32 $execute0_lowered;
	[smem:$0x3FD2] =	sst s25  }
0xad: {  	s7 =	sshll.u32 s26, $0x1;
	_ =	strace $0x80000046;
	[dreg:$0x1] =	wrdreg $0xFFFFFFFF  }
0xae: {  	s28 =	simm.s32 $_size_execute0_lowered;
	s6 =	sadd.s32 s6, s7;
	[dreg:$0x0] =	wrdreg $0x0  }
0xaf: {  	s7 =	sshll.u32 s28, $0x1;
	[dreg:$0x2] =	wrdreg s6  }
0xb0: {  	[dreg:$0x3] =	wrdreg s7  }
0xb1: {  	[dreg:$0x4] =	wrdreg $0xC0  }
0xb2: {  	_ =	task [dreg:s10], $0x5FFFF  }
0xb3: {  	[dreg:$0x1] =	wrdreg $0xFFFFFFFF  }
0xb4: {  	[dreg:$0x0] =	wrdreg $0x60  }
0xb5: {  	[dreg:$0x2] =	wrdreg s16  }
0xb6: {  	[dreg:$0x3] =	wrdreg s4  }
0xb7: {  	[dreg:$0x4] =	wrdreg s17  }
0xb8: {  	[dreg:$0x5] =	wrdreg s18  }
0xb9: {  	[dreg:$0x6] =	wrdreg $0x9  }
0xba: {  	_ =	task.clear_ibuf [dreg:s10], $0x7FFFF;
	_ =	strace $0x90000046  }
0xbb: {  	s29 =	simm.s32 $0x9;
	_ =	strace $0x80000048  }
0xbc: {  	_ =	swait.ge [sflag:s29], $0x1  }
0xbd: {  	[sflag:s29] =	ssyncadd.s32 $0xFFFFFFFF  }
0xbe: {  	_ =	strace $0x90000048  }
0xbf: {  	_ =	sfence  }
0xc0: {  	s30 =	sld [smem:$0x0];
	_ =	sdelay $0x2  }
0xc1: {  	s31 =	sshll.u32 s1, $0xD;
	s1 =	sshrl.u32 s1, $0x2  }
0xc2: {  	s3 =	sand.u32 $0x4000, s31;
	s1 =	sadd.s32 s1, s30  }
0xc3: {  	s0 =	sor.u32 s3, s0;
	s1 =	sshll.u32 s1, $0x11  }
0xc4: {  	s0 =	sor.u32 s1, s0  }
0xc5: {  	s0 =	sadd.s32 $0x8F2B, s0  }
0xc6: {  	[sflag:s0] =	ssyncadd.remote.s32 $0x1  }
0xc7: {  	_ =	sfence.sel $0xFFFF  }
0xc8: {  	[dreg:$0x0] =	wrdreg $0xFFFFFFFF;
	(pc) =	sbr.abs _section_cstart, $3  }
0xc9: {  	[dreg:$0x1] =	wrdreg $0xFFFFFFFF  }
0xca: {  	_ =	task.clear_ibuf [dreg:s10], $0x2FFFF;
	_ =	strace $0x9FFFFFFF  }
0xcb: {  	(tm) =	ssettm $0x7FFFFFFF  }
tec
execute0_lowered:
.L_overlay_start_1:
0x0: {  	(tag) =	ssettag $0x1  }
0x1: {  	s1 =	rddreg [dreg:$0x0]  }
0x2: {  	s0 =	rddreg [dreg:$0x1]  }
0x3: {  	s2 =	rddreg [dreg:$0x2]  }
0x4: {  	s20 =	rddreg [dreg:$0x3]  }
0x5: {  	s3 =	srdreg.scid;
	s4 =	simm.s32 $0x0;
	s11 =	stileid.u32  }
0x6: {  	s13 =	simm.s32 $0x6;
	s14 =	simm.s32 $0x6;
	s29 =	simm.s32 $0x5  }
0x7: {  	s22 =	simm.s32 $0x16C80;
	s24 =	simm.s32 $0xC000;
	s3 =	sand.u32 $0x1, s3  }
0x8: {  	[smem:$0x7FF] =	sst s4;
	s7 =	sshll.u32 s11, $0x1;
	p0 =	seq.s32 s11, $0x0  }
0x9: {  	s18 =	sadd.s32 $0x80, s20;
	s19 =	sadd.s32 $0x100, s20;
	s30 =	sadd.s32 $0xF4200, s1  }
0xa: {  	s5 =	ssub.s32 $0x2, s3;
	_ =	strace $0x80000047;
	s9 =	sor.u32 s3, s7  }
0xb: {  	s7 =	sadd.s32 $0x80, s1;
	s3 =	sshll.u32 s3, $0x9;
	s6 =	sshrl.u32 s5, $0x1  }
0xc: {  	[dreg:$0xb] =	wrdreg s30;
	s26 =	sshll.u32 s9, $0xB;
	s8 =	ssub.s32 s5, s6  }
0xd: {  	s5 =	simm.s32 $0x7B;
	s6 =	sshll.u32 s9, $0x8;
	s21 =	sadd.s32 s2, s26  }
0xe: {  	s2 =	sadd.s32 $0x7A1000, s2;
	s26 =	simm.s32 $0x0;
	s5 =	simm.s32 @!p0 $0x7A  }
0xf: {  	s12 =	sadd.s32 s1, s6;
	s10 =	sadd.s32 s6, s7;
	[dreg:$0xc] =	wrdreg s2  }
0x10: {  	p0 =	sgt.u32 s11, $0x3;
	s11 =	sshll.u32 s11, $0xA;
	[dreg:$0x6] =	wrdreg s10  }
0x11: {  	s25 =	sadd.s32 $0x2000, s12;
	[dreg:$0x5] =	wrdreg s12;
	s12 =	sadd.s32 $0x2080, s12  }
0x12: {  	s31 =	smax.u32 s8, $0x1;
	[dreg:$0x8] =	wrdreg s12;
	s12 =	sshll.u32 s9, $0x9  }
0x13: {  	v0 =	vlaneseq.u32;
	s15 =	sand.u32 $0x3000, s11;
	s13 =	simm.s32 @!p0 $0x7;
	s16 =	sand.u32 $0xE00, s12  }
0x14: {  	v0 =	vmul.u32 $0x41, v0;
	s28 =	sadd.s32 s11, s20;
	s20 =	sadd.s32 $0x180, s20;
	s16 =	sor.u32 s15, s16  }
0x15: {  	p0 =	sne.s32 s9, $0x2;
	[dreg:$0xd] =	wrdreg s31;
	s17 =	sadd.s32 s0, s16  }
.Ltmp0:
0x16: {  	v1 =	vadd.s32 $0x410, v0;
	v2 =	vadd.s32 $0x820, v0;
	v3 =	vadd.s32 $0xC30, v0;
	[dreg:$0x9] =	wrdreg s17;
	s17 =	sadd.s32 $0x4000, s17;
	(pc) =	sbr.rel .LBB2_1-.Ltmp0, $4  }
0x17: {  	v4 =	vadd.s32 $0x1040, v0;
	v5 =	vadd.s32 $0x1450, v0;
	v6 =	vadd.s32 $0x1860, v0;
	[dreg:$0xa] =	wrdreg s17;
	s17 =	sadd.s32 s3, s28;
	s3 =	sor.u32 s3, s11  }
0x18: {  	v7 =	vadd.s32 $0x1C70, v0;
	v8 =	vadd.s32 $0x1, v0;
	v9 =	vadd.s32 $0x411, v0;
	[dreg:$0x7] =	wrdreg s25;
	s0 =	sadd.s32 s15, s0;
	s3 =	sand.u32 $0xE00, s3  }
0x19: {  	v10 =	vadd.s32 $0x821, v0;
	v11 =	vadd.s32 $0xC31, v0;
	v12 =	vadd.s32 $0x1041, v0;
	s16 =	simm.s32 $0x10000;
	s15 =	simm.s32 $0x1;
	s0 =	sadd.s32 s3, s0  }
0x1a: {  	v13 =	vadd.s32 $0x1451, v0;
	v14 =	vadd.s32 $0x1861, v0;
	v15 =	vadd.s32 $0x1C71, v0;
	s11 =	simm.s32 $0x2;
	s3 =	simm.s32 $0x16080;
	s25 =	sadd.s32 $0x8000, s0  }
.LBB2_35:
0x1b: {  	[tilespmem:s10+$0x14080] =	vst v16;
	s0 =	rddreg [dreg:$0xc];
	s2 =	simm.s32 $0x14080  }
0x1c: {  	[hbm4b:s0+s4] =	stream.linear.scatter [tilespmem:s2], [sflag:$0x1], $0x1000, $0x38;
	[tilespmem:$0x17080] =	vst v63  }
0x1d: {  	_ =	swait.ge [sflag:s15], $0x1000  }
0x1e: {  	[sflag:s15] =	ssyncset.done $0x0  }
0x1f: {  	[sflag:s15] =	ssyncadd.s32 $0xFFFFF000  }
.LBB2_36:
0x20: {  	s26 =	sadd.s32 $0x1, s26;
	s0 =	rddreg [dreg:$0xd]  }
0x21: {  	p1 =	sne.s32 s26, s0  }
.Ltmp1:
0x22: {  	_ = 	snop;
	(pc) =	sbr.rel @!p1 .LBB2_37-.Ltmp1, $1  }
0x23: {  	_ =	sdelay $0x3  }
.LBB2_1:
0x24: {  	s0 =	rddreg [dreg:$0x5];
	s2 =	simm.s32 $0x400;
	s8 =	simm.s32 $0x7A1400  }
0x25: {  	[tilespmem:s4], [sflag:$0x1] =	stream.strided.gather [hbm4b:s0+s2], $0x2000, s8, s2, $0x38;
	[tilespmem:$0x17080] =	vst v63  }
0x26: {  	s28 =	rddreg [dreg:$0x6];
	s9 =	simm.s32 $0x2000  }
0x27: {  	[tilespmem:s9], [sflag:$0x1] =	stream.strided.gather [hbm4b:s28+s2], $0x2000, s8, s2, $0x38;
	[tilespmem:$0x17080] =	vst v63  }
0x28: {  	s30 =	rddreg [dreg:$0x7];
	s31 =	simm.s32 $0x4000  }
0x29: {  	[tilespmem:s31], [sflag:$0x2] =	stream.strided.gather [hbm4b:s30+s2], $0x2000, s8, s2, $0x38;
	[tilespmem:$0x17080] =	vst v63  }
0x2a: {  	s10 =	rddreg [dreg:$0x8];
	s23 =	simm.s32 $0x6000  }
0x2b: {  	[tilespmem:s23], [sflag:$0x2] =	stream.strided.gather [hbm4b:s10+s2], $0x2000, s8, s2, $0x38;
	[tilespmem:$0x17080] =	vst v63  }
.Ltmp2:
0x2c: {  	_ = 	snop;
	(pc) =	sbr.rel .LBB2_2-.Ltmp2, $4  }
0x2d: {  	s28 =	rddreg [dreg:$0x9];
	s30 =	simm.s32 $0x15080  }
0x2e: {  	[tilespmem:s30], [sflag:$0x5] =	stream.linear.gather [hbm4b:s28+s4], $0x1000, $0x38;
	[tilespmem:$0x17080] =	vst v63  }
0x2f: {  	s0 =	simm.s32 $0x0;
	s31 =	rddreg [dreg:$0xa];
	s2 =	simm.s32 $0x0  }
0x30: {  	[tilespmem:s3], [sflag:$0x5] =	stream.linear.gather [hbm4b:s31+s4], $0x1000, $0x38;
	[tilespmem:$0x17080] =	vst v63  }
.LBB2_4:
0x31: {  	s8 =	sshll.u32 s2, $0xE  }
0x32: {  	s31 =	rddreg [dreg:$0x3];
	s23 =	sor.u32 s12, s8  }
0x33: {  	s8 =	sadd.s32 s31, s23  }
0x34: {  	s9 =	sadd.s32 s23, s18;
	s10 =	sadd.s32 s23, s19;
	s23 =	sadd.s32 s23, s20  }
.LBB2_6:
0x35: {  	_ =	swait.ge [sflag:s29], $0x1000  }
0x36: {  	[sflag:s29] =	ssyncset.done $0x0  }
0x37: {  	[sflag:s29] =	ssyncadd.s32 $0xFFFFF000  }
0x38: {  	[hbm4b:s8+s4] =	stream.linear.scatter [tilespmem:s3], [sflag:$0x6], $0x400, $0x38;
	[tilespmem:$0x17080] =	vst v63  }
0x39: {  	_ =	swait.ge [sflag:s14], $0x400  }
0x3a: {  	[sflag:s14] =	ssyncset.done $0x0  }
0x3b: {  	s28 =	simm.s32 $0x16480;
	[sflag:s14] =	ssyncadd.s32 $0xFFFFFC00  }
0x3c: {  	[hbm4b:s9+s4] =	stream.linear.scatter [tilespmem:s28], [sflag:$0x6], $0x400, $0x38;
	[tilespmem:$0x17080] =	vst v63  }
0x3d: {  	_ =	swait.ge [sflag:s14], $0x400  }
0x3e: {  	[sflag:s14] =	ssyncset.done $0x0  }
0x3f: {  	s30 =	simm.s32 $0x16880;
	[sflag:s14] =	ssyncadd.s32 $0xFFFFFC00  }
0x40: {  	[hbm4b:s10+s4] =	stream.linear.scatter [tilespmem:s30], [sflag:$0x6], $0x400, $0x38;
	[tilespmem:$0x17080] =	vst v63  }
0x41: {  	_ =	swait.ge [sflag:s14], $0x400  }
0x42: {  	[sflag:s14] =	ssyncset.done $0x0  }
0x43: {  	s31 =	sadd.s32 $0x2, s2;
	[sflag:s14] =	ssyncadd.s32 $0xFFFFFC00  }
0x44: {  	[hbm4b:s23+s4] =	stream.linear.scatter [tilespmem:s22], [sflag:$0x6], $0x400, $0x38;
	[tilespmem:$0x17080] =	vst v63  }
0x45: {  	p1 =	sge.u32 s31, s13;
	_ =	swait.ge [sflag:s14], $0x400  }
0x46: {  	s8 =	sadd.s32 @!p1 s0, s25;
	[sflag:s14] =	ssyncset.done $0x0  }
0x47: {  	s9 =	simm.s32 @!p1 $0x0;
	s10 =	simm.s32 @!p1 $0x16080;
	[sflag:s14] =	ssyncadd.s32 $0xFFFFFC00  }
0x48: {  	[tilespmem:s10], [sflag:$0x5] =	stream.linear.gather @!p1 [hbm4b:s8+s9], $0x1000, $0x38;
	[tilespmem:$0x17080] =	vst v63  }
.LBB2_7:
0x49: {  	s0 =	sadd.s32 $0x4000, s0  }
0x4a: {  	p1 =	sne.s32 s0, $0x1C000  }
.Ltmp3:
0x4b: {  	_ = 	snop;
	(pc) =	sbr.rel @!p1 .LBB2_8-.Ltmp3, $2  }
0x4c: {  	_ =	sdelay $0x2  }
0x4d: {  	s2 =	sadd.s32 $0x1, s2  }
.LBB2_2:
0x4e: {  	p1 =	sge.u32 s2, s13  }
.Ltmp4:
0x4f: {  	_ = 	snop;
	(pc) =	sbr.rel @p1 .LBB2_7-.Ltmp4, $1  }
0x50: {  	_ =	sdelay $0x3  }
0x51: {  	s8 =	sand.u32 $0x1, s2  }
0x52: {  	p1 =	seq.s32 s8, $0x0  }
.Ltmp5:
0x53: {  	_ = 	snop;
	(pc) =	sbr.rel @!p1 .LBB2_4-.Ltmp5, $1  }
0x54: {  	_ =	sdelay $0x3  }
0x55: {  	_ =	swait.ge [sflag:s29], $0x1000  }
0x56: {  	[sflag:s29] =	ssyncset.done $0x0  }
0x57: {  	s8 =	sadd.s32 s0, s17;
	s9 =	simm.s32 $0x15080;
	[sflag:s29] =	ssyncadd.s32 $0xFFFFF000  }
0x58: {  	[hbm4b:s8+s4] =	stream.linear.scatter [tilespmem:s9], [sflag:$0x6], $0x400, $0x38;
	[tilespmem:$0x17080] =	vst v63  }
0x59: {  	_ =	swait.ge [sflag:s14], $0x400  }
0x5a: {  	[sflag:s14] =	ssyncset.done $0x0  }
0x5b: {  	s10 =	simm.s32 $0x15480;
	s9 =	sadd.s32 $0x80, s8;
	[sflag:s14] =	ssyncadd.s32 $0xFFFFFC00  }
0x5c: {  	[hbm4b:s9+s4] =	stream.linear.scatter [tilespmem:s10], [sflag:$0x6], $0x400, $0x38;
	[tilespmem:$0x17080] =	vst v63  }
0x5d: {  	_ =	swait.ge [sflag:s14], $0x400  }
0x5e: {  	[sflag:s14] =	ssyncset.done $0x0  }
0x5f: {  	s23 =	simm.s32 $0x15880;
	s10 =	sadd.s32 $0x100, s8;
	[sflag:s14] =	ssyncadd.s32 $0xFFFFFC00  }
0x60: {  	[hbm4b:s10+s4] =	stream.linear.scatter [tilespmem:s23], [sflag:$0x6], $0x400, $0x38;
	[tilespmem:$0x17080] =	vst v63  }
0x61: {  	_ =	swait.ge [sflag:s14], $0x400  }
0x62: {  	[sflag:s14] =	ssyncset.done $0x0  }
0x63: {  	s28 =	simm.s32 $0x15C80;
	s23 =	sadd.s32 $0x180, s8;
	[sflag:s14] =	ssyncadd.s32 $0xFFFFFC00  }
0x64: {  	[hbm4b:s23+s4] =	stream.linear.scatter [tilespmem:s28], [sflag:$0x6], $0x400, $0x38;
	[tilespmem:$0x17080] =	vst v63  }
.Ltmp6:
0x65: {  	s31 =	sadd.s32 $0x2, s2;
	(pc) =	sbr.rel @p1 .LBB2_7-.Ltmp6, $4  }
.Ltmp7:
0x66: {  	p2 =	sge.u32 s31, s13;
	_ =	swait.ge [sflag:s14], $0x400;
	(pc) =	sbr.rel @!p1 .LBB2_6-.Ltmp7, $4  }
0x67: {  	s30 =	simm.s32 @!p2 $0x0;
	[sflag:s14] =	ssyncset.done $0x0  }
0x68: {  	s31 =	simm.s32 @!p2 $0x15080;
	s28 =	sadd.s32 @!p2 s0, s25;
	[sflag:s14] =	ssyncadd.s32 $0xFFFFFC00  }
0x69: {  	[tilespmem:s31], [sflag:$0x5] =	stream.linear.gather @!p2 [hbm4b:s28+s30], $0x1000, $0x38;
	[tilespmem:$0x17080] =	vst v63  }
0x6a: {  	_ = 	snop  }
.LBB2_8:
.Ltmp8:
0x6b: {  	(pc) =	sbr.rel .LBB2_9-.Ltmp8, $2  }
0x6c: {  	_ =	sdelay $0x2  }
0x6d: {  	s28 =	simm.s32 $0x0  }
.LBB2_29:
0x6e: {  	s28 =	sadd.s32 $0x1, s28  }
0x6f: {  	p1 =	sne.s32 s28, $0x7B  }
.Ltmp9:
0x70: {  	_ = 	snop;
	(pc) =	sbr.rel @!p1 .LBB2_30-.Ltmp9, $1  }
0x71: {  	_ =	sdelay $0x3  }
.LBB2_9:
0x72: {  	p1 =	sge.u32 s28, s5  }
.Ltmp10:
0x73: {  	_ = 	snop;
	(pc) =	sbr.rel @p1 .LBB2_29-.Ltmp10, $1  }
0x74: {  	_ =	sdelay $0x3  }
0x75: {  	s2 =	sand.u32 $0x1, s28  }
0x76: {  	p1 =	seq.s32 s2, $0x1  }
.Ltmp11:
0x77: {  	_ = 	snop;
	(pc) =	sbr.rel @p1 .LBB2_20-.Ltmp11, $1  }
0x78: {  	_ =	sdelay $0x3  }
0x79: {  	_ =	swait.ge [sflag:s15], $0x2000  }
0x7a: {  	[sflag:s15] =	ssyncset.done $0x0  }
0x7b: {  	[sflag:s15] =	ssyncadd.s32 $0xFFFFE000  }
0x7c: {  	_ =	swait.ge [sflag:s15], $0x2000  }
0x7d: {  	p1 =	slt.u32 s28, $0x2;
	[sflag:s15] =	ssyncset.done $0x0  }
0x7e: {  	s0 =	simm.s32 @!p1 $0x3;
	[sflag:s15] =	ssyncadd.s32 $0xFFFFE000  }
0x7f: {  	_ =	swait.ge @!p1 [sflag:s0], $0x4000  }
0x80: {  	[sflag:s0] =	ssyncset.done @!p1 $0x0  }
0x81: {  	s23 =	simm.s32 $0x80;
	[sflag:s0] =	ssyncadd.s32 @!p1 $0xFFFFC000  }
0x82: {  	v18 =	vld [tilespmem:s23+$0xFFFFFF80]  }
0x83: {  	v16 =	vimm.s32 $0x0;
	v17 =	vld [tilespmem:s23+$0xFFFFFF90]  }
0x84: {  	v20 =	vadd.s32 v0, v16;
	v21 =	vld [tilespmem:s23+$0xFFFFFFA0]  }
0x85: {  	v22 =	vadd.s32 v1, v16;
	v23 =	vld [tilespmem:s23+$0xFFFFFFB0]  }
0x86: {  	v25 =	vadd.s32 v2, v16;
	v24 =	vld [tilespmem:s23+$0xFFFFFFC0]  }
0x87: {  	v27 =	vadd.s32 v3, v16;
	v26 =	vld [tilespmem:s23+$0xFFFFFFD0];
	v18 =	vmul.f32 $8.000000000e+00, v18  }
0x88: {  	v29 =	vadd.s32 v4, v16;
	v19 =	vld [tilespmem:s23+$0xFFFFFFE0];
	v17 =	vmul.f32 $8.000000000e+00, v17  }
0x89: {  	v28 =	vld [tilespmem:s23+$0xFFFFFFF0];
	v21 =	vmul.f32 $8.000000000e+00, v21;
	[tilespmem:v20+s16+$0x0] =	vst.idx.msk $0xffff, v18;
	v18 =	vadd.s32 v5, v16  }
0x8a: {  	v20 =	vmul.f32 $8.000000000e+00, v23;
	[tilespmem:v22+s16+$0x0] =	vst.idx.msk $0xffff, v17;
	v17 =	vadd.s32 v6, v16  }
0x8b: {  	v22 =	vmul.f32 $8.000000000e+00, v24;
	[tilespmem:v25+s16+$0x0] =	vst.idx.msk $0xffff, v21;
	v21 =	vadd.s32 v7, v16  }
0x8c: {  	v23 =	vmul.f32 $8.000000000e+00, v26;
	[tilespmem:v27+s16+$0x0] =	vst.idx.msk $0xffff, v20  }
0x8d: {  	v19 =	vmul.f32 $8.000000000e+00, v19;
	[tilespmem:v29+s16+$0x0] =	vst.idx.msk $0xffff, v22  }
0x8e: {  	v20 =	vmul.f32 $8.000000000e+00, v28;
	[tilespmem:v18+s16+$0x0] =	vst.idx.msk $0xffff, v23  }
0x8f: {  	[tilespmem:v17+s16+$0x0] =	vst.idx.msk $0xffff, v19  }
0x90: {  	[tilespmem:v21+s16+$0x0] =	vst.idx.msk $0xffff, v20  }
0x91: {  	v27 =	vld [tilespmem:s23+$0x20]  }
0x92: {  	v18 =	vld [tilespmem:s23+$0x0]  }
0x93: {  	v22 =	vld [tilespmem:s23+$0x10]  }
0x94: {  	v31 =	vadd.s32 v8, v16;
	v28 =	vld [tilespmem:s23+$0x30]  }
0x95: {  	v25 =	vadd.s32 v9, v16  }
0x96: {  	v24 =	vadd.s32 v10, v16;
	v20 =	vld [tilespmem:s23+$0x40]  }
0x97: {  	v26 =	vadd.s32 v12, v16;
	v23 =	vadd.s32 v11, v16;
	v19 =	vld [tilespmem:s23+$0x50];
	v32 =	vmul.f32 $8.000000000e+00, v18  }
0x98: {  	s9 =	simm.s32 $0xC0;
	v17 =	vadd.s32 v14, v16;
	v21 =	vld [tilespmem:s23+$0x60];
	v29 =	vmul.f32 $8.000000000e+00, v22;
	v18 =	vadd.s32 $0x2, v16  }
0x99: {  	s10 =	simm.s32 $0x8080;
	s8 =	simm.s32 $0x10082;
	s0 =	simm.s32 $0x0;
	v22 =	vld [tilespmem:s23+$0x70];
	v30 =	vmul.f32 $8.000000000e+00, v27;
	v28 =	vmul.f32 $8.000000000e+00, v28;
	v27 =	vadd.s32 v13, v16;
	[tilespmem:v31+s16+$0x0] =	vst.idx.msk $0xffff, v32  }
.LBB2_12:
0x9a: {  	v31 =	vadd.s32 v14, v18;
	s0 =	sadd.s32 $0x2, s0;
	[tilespmem:v25+s16+$0x0] =	vst.idx.msk $0xffff, v29;
	s23 =	sadd.s32 $0x100, s23  }
0x9b: {  	v20 =	vmul.f32 $8.000000000e+00, v20;
	p1 =	slt.u32 s0, $0x3E;
	[tilespmem:v24+s16+$0x0] =	vst.idx.msk $0xffff, v30;
	v24 =	vadd.s32 v15, v16;
	v16 =	vmov v18  }
0x9c: {  	v19 =	vmul.f32 $8.000000000e+00, v19;
	[tilespmem:v23+s16+$0x0] =	vst.idx.msk $0xffff, v28  }
0x9d: {  	v21 =	vmul.f32 $8.000000000e+00, v21;
	[tilespmem:v26+s16+$0x0] =	vst.idx.msk $0xffff, v20  }
0x9e: {  	v20 =	vmul.f32 $8.000000000e+00, v22;
	[tilespmem:v27+s16+$0x0] =	vst.idx.msk $0xffff, v19  }
0x9f: {  	v19 =	vadd.s32 v0, v18;
	[tilespmem:v17+s16+$0x0] =	vst.idx.msk $0xffff, v21;
	v17 =	vmov v31  }
0xa0: {  	v21 =	vadd.s32 v1, v18;
	[tilespmem:v24+s16+$0x0] =	vst.idx.msk $0xffff, v20  }
0xa1: {  	v20 =	vld [tilespmem:s23+$0xFFFFFF90]  }
0xa2: {  	v22 =	vld [tilespmem:s23+$0xFFFFFF80]  }
0xa3: {  	v23 =	vld [tilespmem:s23+$0xFFFFFFE0]  }
0xa4: {  	v24 =	vld [tilespmem:s23+$0xFFFFFFA0]  }
0xa5: {  	v25 =	vld [tilespmem:s23+$0xFFFFFFB0]  }
0xa6: {  	v27 =	vadd.s32 v2, v18;
	v26 =	vld [tilespmem:s23+$0xFFFFFFC0]  }
0xa7: {  	v29 =	vadd.s32 v3, v18;
	v22 =	vmul.f32 $8.000000000e+00, v22;
	v28 =	vld [tilespmem:s23+$0xFFFFFFD0]  }
0xa8: {  	v31 =	vadd.s32 v4, v18;
	v20 =	vmul.f32 $8.000000000e+00, v20;
	v30 =	vld [tilespmem:s23+$0xFFFFFFF0]  }
0xa9: {  	v24 =	vmul.f32 $8.000000000e+00, v24;
	[tilespmem:v19+s16+$0x0] =	vst.idx.msk $0xffff, v22;
	v19 =	vadd.s32 v5, v18  }
0xaa: {  	v22 =	vmul.f32 $8.000000000e+00, v25;
	[tilespmem:v21+s16+$0x0] =	vst.idx.msk $0xffff, v20;
	v20 =	vadd.s32 v6, v18  }
0xab: {  	v21 =	vmul.f32 $8.000000000e+00, v26;
	[tilespmem:v27+s16+$0x0] =	vst.idx.msk $0xffff, v24;
	v24 =	vadd.s32 v7, v18  }
0xac: {  	v25 =	vmul.f32 $8.000000000e+00, v28;
	[tilespmem:v29+s16+$0x0] =	vst.idx.msk $0xffff, v22  }
0xad: {  	v22 =	vmul.f32 $8.000000000e+00, v23;
	[tilespmem:v31+s16+$0x0] =	vst.idx.msk $0xffff, v21  }
0xae: {  	v21 =	vmul.f32 $8.000000000e+00, v30;
	[tilespmem:v19+s16+$0x0] =	vst.idx.msk $0xffff, v25  }
0xaf: {  	[tilespmem:v20+s16+$0x0] =	vst.idx.msk $0xffff, v22  }
0xb0: {  	[tilespmem:v24+s16+$0x0] =	vst.idx.msk $0xffff, v21  }
0xb1: {  	v27 =	vld [tilespmem:s23+$0x20]  }
0xb2: {  	v21 =	vld [tilespmem:s23+$0x0]  }
0xb3: {  	v22 =	vld [tilespmem:s23+$0x10]  }
0xb4: {  	v31 =	vadd.s32 v8, v18;
	v28 =	vld [tilespmem:s23+$0x30]  }
.Ltmp12:
0xb5: {  	v25 =	vadd.s32 v9, v18;
	v20 =	vld [tilespmem:s23+$0x40];
	(pc) =	sbr.rel @p1 .LBB2_12-.Ltmp12, $4  }
0xb6: {  	v24 =	vadd.s32 v10, v18;
	v19 =	vld [tilespmem:s23+$0x50]  }
0xb7: {  	v23 =	vadd.s32 v11, v18;
	v32 =	vmul.f32 $8.000000000e+00, v21;
	v21 =	vld [tilespmem:s23+$0x60]  }
0xb8: {  	v26 =	vadd.s32 v12, v16;
	v18 =	vadd.s32 $0x2, v18;
	v29 =	vmul.f32 $8.000000000e+00, v22;
	v22 =	vld [tilespmem:s23+$0x70]  }
0xb9: {  	v30 =	vmul.f32 $8.000000000e+00, v27;
	v27 =	vadd.s32 v13, v16;
	v28 =	vmul.f32 $8.000000000e+00, v28;
	[tilespmem:v31+s16+$0x0] =	vst.idx.msk $0xffff, v32  }
0xba: {  	_ =	sdelay $0x3  }
0xbb: {  	[tilespmem:v25+s16+$0x0] =	vst.idx.msk $0xffff, v29  }
0xbc: {  	v18 =	vmul.f32 $8.000000000e+00, v20;
	v16 =	vadd.s32 v15, v16;
	[tilespmem:v24+s16+$0x0] =	vst.idx.msk $0xffff, v30  }
0xbd: {  	v19 =	vmul.f32 $8.000000000e+00, v19;
	[tilespmem:v23+s16+$0x0] =	vst.idx.msk $0xffff, v28  }
0xbe: {  	v63 =	vmul.f32 $8.000000000e+00, v21;
	[tilespmem:v26+s16+$0x0] =	vst.idx.msk $0xffff, v18  }
0xbf: {  	v18 =	vmul.f32 $8.000000000e+00, v22;
	[tilespmem:v27+s16+$0x0] =	vst.idx.msk $0xffff, v19  }
0xc0: {  	[tilespmem:v17+s16+$0x0] =	vst.idx.msk $0xffff, v63  }
0xc1: {  	[tilespmem:v16+s16+$0x0] =	vst.idx.msk $0xffff, v18  }
0xc2: {  	v16 =	vld [tilespmem:s8+$0xFFFFFF7E];
	_ =	sdelay $0x4  }
0xc3: {  	[tilespmem:s10+$0xFFFFFF80] =	vst v16  }
0xc4: {  	v16 =	vld [tilespmem:s8+$0xFFFFFF8E];
	_ =	sdelay $0x4  }
0xc5: {  	[tilespmem:s10+$0xFFFFFF90] =	vst v16  }
0xc6: {  	v16 =	vld [tilespmem:s8+$0xFFFFFF9E];
	_ =	sdelay $0x4  }
0xc7: {  	[tilespmem:s10+$0xFFFFFFA0] =	vst v16  }
0xc8: {  	v16 =	vld [tilespmem:s8+$0xFFFFFFAE];
	_ =	sdelay $0x4  }
0xc9: {  	[tilespmem:s10+$0xFFFFFFB0] =	vst v16  }
0xca: {  	v16 =	vld [tilespmem:s8+$0xFFFFFFBF];
	_ =	sdelay $0x4  }
0xcb: {  	[tilespmem:s10+$0xFFFFFFC0] =	vst v16  }
0xcc: {  	v16 =	vld [tilespmem:s8+$0xFFFFFFCF];
	_ =	sdelay $0x2  }
0xcd: {  	s0 =	simm.s32 $0x40  }
0xce: {  	s23 =	sor.u32 $0x50, s0  }
0xcf: {  	[tilespmem:s23+$0x8000] =	vst v16  }
0xd0: {  	v16 =	vld [tilespmem:s8+$0xFFFFFFDF];
	_ =	sdelay $0x3  }
0xd1: {  	s31 =	sor.u32 $0x60, s0  }
0xd2: {  	[tilespmem:s31+$0x8000] =	vst v16  }
0xd3: {  	v16 =	vld [tilespmem:s8+$0xFFFFFFEF];
	_ =	sdelay $0x3  }
0xd4: {  	s0 =	sor.u32 $0x70, s0  }
0xd5: {  	[tilespmem:s0+$0x8000] =	vst v16  }
0xd6: {  	v16 =	vld [tilespmem:s8+$0x0];
	_ =	sdelay $0x4  }
0xd7: {  	[tilespmem:s10+$0x0] =	vst v16  }
0xd8: {  	v16 =	vld [tilespmem:s8+$0x10];
	_ =	sdelay $0x4  }
0xd9: {  	[tilespmem:s10+$0x10] =	vst v16  }
0xda: {  	v16 =	vld [tilespmem:s8+$0x20];
	_ =	sdelay $0x4  }
0xdb: {  	[tilespmem:s10+$0x20] =	vst v16  }
0xdc: {  	v16 =	vld [tilespmem:s8+$0x30];
	_ =	sdelay $0x4  }
0xdd: {  	[tilespmem:s10+$0x30] =	vst v16  }
0xde: {  	v16 =	vld [tilespmem:s8+$0x41];
	_ =	sdelay $0x4  }
0xdf: {  	[tilespmem:s10+$0x40] =	vst v16  }
0xe0: {  	v16 =	vld [tilespmem:s8+$0x51];
	_ =	sdelay $0x3  }
0xe1: {  	s23 =	sor.u32 $0x50, s9  }
0xe2: {  	[tilespmem:s23+$0x8000] =	vst v16  }
0xe3: {  	v16 =	vld [tilespmem:s8+$0x61];
	_ =	sdelay $0x3  }
0xe4: {  	s31 =	sor.u32 $0x60, s9  }
0xe5: {  	[tilespmem:s31+$0x8000] =	vst v16  }
0xe6: {  	v16 =	vld [tilespmem:s8+$0x71];
	_ =	sdelay $0x2  }
0xe7: {  	s30 =	sor.u32 $0x70, s9  }
0xe8: {  	s0 =	simm.s32 $0x0;
	s23 =	simm.s32 $0x20F0;
	s8 =	simm.s32 $0x10186  }
.LBB2_14:
0xe9: {  	s0 =	sadd.s32 $0x4, s0;
	[tilespmem:s30+$0x8000] =	vst v16;
	s9 =	sadd.s32 $0x100, s9;
	s10 =	sadd.s32 $0x100, s10  }
0xea: {  	v16 =	vld [tilespmem:s8+$0xFFFFFF7E];
	p1 =	slt.u32 s0, $0x7C;
	_ =	sdelay $0x4  }
0xeb: {  	[tilespmem:s10+$0xFFFFFF80] =	vst v16  }
0xec: {  	v16 =	vld [tilespmem:s8+$0xFFFFFF8E];
	_ =	sdelay $0x4  }
0xed: {  	[tilespmem:s10+$0xFFFFFF90] =	vst v16  }
0xee: {  	v16 =	vld [tilespmem:s8+$0xFFFFFF9E];
	_ =	sdelay $0x4  }
0xef: {  	[tilespmem:s10+$0xFFFFFFA0] =	vst v16  }
0xf0: {  	v16 =	vld [tilespmem:s8+$0xFFFFFFAE];
	_ =	sdelay $0x4  }
0xf1: {  	[tilespmem:s10+$0xFFFFFFB0] =	vst v16  }
0xf2: {  	v16 =	vld [tilespmem:s8+$0xFFFFFFBF];
	_ =	sdelay $0x4  }
0xf3: {  	[tilespmem:s10+$0xFFFFFFC0] =	vst v16  }
0xf4: {  	v16 =	vld [tilespmem:s8+$0xFFFFFFCF];
	_ =	sdelay $0x2  }
0xf5: {  	s30 =	sadd.s32 $0xFFFFFF80, s9  }
0xf6: {  	s31 =	sor.u32 $0x50, s30  }
0xf7: {  	[tilespmem:s31+$0x8000] =	vst v16  }
0xf8: {  	v16 =	vld [tilespmem:s8+$0xFFFFFFDF];
	_ =	sdelay $0x3  }
0xf9: {  	s31 =	sor.u32 $0x60, s30  }
0xfa: {  	[tilespmem:s31+$0x8000] =	vst v16  }
0xfb: {  	v16 =	vld [tilespmem:s8+$0xFFFFFFEF];
	_ =	sdelay $0x3  }
0xfc: {  	s30 =	sor.u32 $0x70, s30  }
0xfd: {  	[tilespmem:s30+$0x8000] =	vst v16  }
0xfe: {  	v16 =	vld [tilespmem:s8+$0x0];
	_ =	sdelay $0x4  }
0xff: {  	[tilespmem:s10+$0x0] =	vst v16  }
0x100: {  	v16 =	vld [tilespmem:s8+$0x10];
	_ =	sdelay $0x4  }
0x101: {  	[tilespmem:s10+$0x10] =	vst v16  }
0x102: {  	v16 =	vld [tilespmem:s8+$0x20];
	_ =	sdelay $0x4  }
0x103: {  	[tilespmem:s10+$0x20] =	vst v16  }
0x104: {  	v16 =	vld [tilespmem:s8+$0x30];
	_ =	sdelay $0x4  }
0x105: {  	[tilespmem:s10+$0x30] =	vst v16  }
0x106: {  	v16 =	vld [tilespmem:s8+$0x41];
	_ =	sdelay $0x4  }
0x107: {  	[tilespmem:s10+$0x40] =	vst v16  }
0x108: {  	v16 =	vld [tilespmem:s8+$0x51];
	_ =	sdelay $0x3  }
0x109: {  	s30 =	sor.u32 $0x50, s9  }
0x10a: {  	[tilespmem:s30+$0x8000] =	vst v16  }
0x10b: {  	v16 =	vld [tilespmem:s8+$0x61];
	_ =	sdelay $0x3  }
0x10c: {  	s30 =	sor.u32 $0x60, s9  }
0x10d: {  	[tilespmem:s30+$0x8000] =	vst v16  }
.Ltmp13:
0x10e: {  	v16 =	vld [tilespmem:s8+$0x71];
	(pc) =	sbr.rel @p1 .LBB2_14-.Ltmp13, $2  }
0x10f: {  	_ =	sdelay $0x2  }
0x110: {  	s30 =	sor.u32 $0x70, s9;
	s8 =	sadd.s32 $0x104, s8  }
0x111: {  	[tilespmem:s30+$0x8000] =	vst v16  }
0x112: {  	v18 =	vld [tilespmem:s23+$0xFFFFFF10]  }
0x113: {  	v16 =	vimm.s32 $0x0;
	v17 =	vld [tilespmem:s23+$0xFFFFFF20]  }
0x114: {  	v20 =	vadd.s32 v0, v16;
	v21 =	vld [tilespmem:s23+$0xFFFFFF30]  }
0x115: {  	v22 =	vadd.s32 v1, v16;
	v23 =	vld [tilespmem:s23+$0xFFFFFF40]  }
0x116: {  	v24 =	vld [tilespmem:s23+$0xFFFFFF50];
	v25 =	vadd.s32 v2, v16  }
0x117: {  	v26 =	vld [tilespmem:s23+$0xFFFFFF60];
	v27 =	vadd.s32 v3, v16;
	v18 =	vmul.f32 $8.000000000e+00, v18  }
0x118: {  	v19 =	vld [tilespmem:s23+$0xFFFFFF70];
	v29 =	vadd.s32 v4, v16;
	v17 =	vmul.f32 $8.000000000e+00, v17  }
0x119: {  	v28 =	vld [tilespmem:s23+$0xFFFFFF80];
	v21 =	vmul.f32 $8.000000000e+00, v21;
	[tilespmem:v20+s16+$0x0] =	vst.idx.msk $0xffff, v18;
	v18 =	vadd.s32 v5, v16  }
0x11a: {  	v20 =	vmul.f32 $8.000000000e+00, v23;
	[tilespmem:v22+s16+$0x0] =	vst.idx.msk $0xffff, v17;
	v17 =	vadd.s32 v6, v16  }
0x11b: {  	v22 =	vmul.f32 $8.000000000e+00, v24;
	[tilespmem:v25+s16+$0x0] =	vst.idx.msk $0xffff, v21;
	v21 =	vadd.s32 v7, v16  }
0x11c: {  	v23 =	vmul.f32 $8.000000000e+00, v26;
	[tilespmem:v27+s16+$0x0] =	vst.idx.msk $0xffff, v20  }
0x11d: {  	v19 =	vmul.f32 $8.000000000e+00, v19;
	[tilespmem:v29+s16+$0x0] =	vst.idx.msk $0xffff, v22  }
0x11e: {  	v20 =	vmul.f32 $8.000000000e+00, v28;
	[tilespmem:v18+s16+$0x0] =	vst.idx.msk $0xffff, v23  }
0x11f: {  	[tilespmem:v17+s16+$0x0] =	vst.idx.msk $0xffff, v19  }
0x120: {  	[tilespmem:v21+s16+$0x0] =	vst.idx.msk $0xffff, v20  }
0x121: {  	v27 =	vld [tilespmem:s23+$0xFFFFFFB0]  }
0x122: {  	v18 =	vld [tilespmem:s23+$0xFFFFFF90]  }
0x123: {  	v22 =	vld [tilespmem:s23+$0xFFFFFFA0]  }
0x124: {  	v31 =	vadd.s32 v8, v16;
	v28 =	vld [tilespmem:s23+$0xFFFFFFC0]  }
0x125: {  	v26 =	vadd.s32 v9, v16  }
0x126: {  	v24 =	vadd.s32 v10, v16;
	v20 =	vld [tilespmem:s23+$0xFFFFFFD0]  }
0x127: {  	v25 =	vadd.s32 v12, v16;
	v23 =	vadd.s32 v11, v16;
	v19 =	vld [tilespmem:s23+$0xFFFFFFE0];
	v32 =	vmul.f32 $8.000000000e+00, v18  }
0x128: {  	v17 =	vadd.s32 v14, v16;
	v21 =	vld [tilespmem:s23+$0xFFFFFFF0];
	v29 =	vmul.f32 $8.000000000e+00, v22;
	v18 =	vadd.s32 $0x2, v16  }
0x129: {  	s0 =	simm.s32 $0x0;
	s9 =	simm.s32 $0xA0F0;
	v22 =	vld [tilespmem:s23+$0x0];
	v30 =	vmul.f32 $8.000000000e+00, v27;
	v28 =	vmul.f32 $8.000000000e+00, v28;
	v27 =	vadd.s32 v13, v16;
	[tilespmem:v31+s16+$0x0] =	vst.idx.msk $0xffff, v32  }
.LBB2_16:
0x12a: {  	v31 =	vadd.s32 v14, v18;
	s0 =	sadd.s32 $0x2, s0;
	[tilespmem:v26+s16+$0x0] =	vst.idx.msk $0xffff, v29;
	s23 =	sadd.s32 $0x100, s23  }
0x12b: {  	v20 =	vmul.f32 $8.000000000e+00, v20;
	p1 =	slt.u32 s0, $0x3E;
	[tilespmem:v24+s16+$0x0] =	vst.idx.msk $0xffff, v30;
	v24 =	vadd.s32 v15, v16;
	v16 =	vmov v18  }
0x12c: {  	v19 =	vmul.f32 $8.000000000e+00, v19;
	[tilespmem:v23+s16+$0x0] =	vst.idx.msk $0xffff, v28  }
0x12d: {  	v21 =	vmul.f32 $8.000000000e+00, v21;
	[tilespmem:v25+s16+$0x0] =	vst.idx.msk $0xffff, v20  }
0x12e: {  	v20 =	vmul.f32 $8.000000000e+00, v22;
	[tilespmem:v27+s16+$0x0] =	vst.idx.msk $0xffff, v19  }
0x12f: {  	v19 =	vadd.s32 v0, v18;
	[tilespmem:v17+s16+$0x0] =	vst.idx.msk $0xffff, v21;
	v17 =	vmov v31  }
0x130: {  	v21 =	vadd.s32 v1, v18;
	[tilespmem:v24+s16+$0x0] =	vst.idx.msk $0xffff, v20  }
0x131: {  	v20 =	vld [tilespmem:s23+$0xFFFFFF20]  }
0x132: {  	v22 =	vld [tilespmem:s23+$0xFFFFFF10]  }
0x133: {  	v23 =	vld [tilespmem:s23+$0xFFFFFF70]  }
0x134: {  	v24 =	vld [tilespmem:s23+$0xFFFFFF30]  }
0x135: {  	v25 =	vld [tilespmem:s23+$0xFFFFFF40]  }
0x136: {  	v27 =	vadd.s32 v2, v18;
	v26 =	vld [tilespmem:s23+$0xFFFFFF50]  }
0x137: {  	v29 =	vadd.s32 v3, v18;
	v22 =	vmul.f32 $8.000000000e+00, v22;
	v28 =	vld [tilespmem:s23+$0xFFFFFF60]  }
0x138: {  	v31 =	vadd.s32 v4, v18;
	v20 =	vmul.f32 $8.000000000e+00, v20;
	v30 =	vld [tilespmem:s23+$0xFFFFFF80]  }
0x139: {  	v24 =	vmul.f32 $8.000000000e+00, v24;
	[tilespmem:v19+s16+$0x0] =	vst.idx.msk $0xffff, v22;
	v19 =	vadd.s32 v5, v18  }
0x13a: {  	v22 =	vmul.f32 $8.000000000e+00, v25;
	[tilespmem:v21+s16+$0x0] =	vst.idx.msk $0xffff, v20;
	v20 =	vadd.s32 v6, v18  }
0x13b: {  	v21 =	vmul.f32 $8.000000000e+00, v26;
	[tilespmem:v27+s16+$0x0] =	vst.idx.msk $0xffff, v24;
	v24 =	vadd.s32 v7, v18  }
0x13c: {  	v25 =	vmul.f32 $8.000000000e+00, v28;
	[tilespmem:v29+s16+$0x0] =	vst.idx.msk $0xffff, v22  }
0x13d: {  	v22 =	vmul.f32 $8.000000000e+00, v23;
	[tilespmem:v31+s16+$0x0] =	vst.idx.msk $0xffff, v21  }
0x13e: {  	v21 =	vmul.f32 $8.000000000e+00, v30;
	[tilespmem:v19+s16+$0x0] =	vst.idx.msk $0xffff, v25  }
0x13f: {  	[tilespmem:v20+s16+$0x0] =	vst.idx.msk $0xffff, v22  }
0x140: {  	[tilespmem:v24+s16+$0x0] =	vst.idx.msk $0xffff, v21  }
0x141: {  	v27 =	vld [tilespmem:s23+$0xFFFFFFB0]  }
0x142: {  	v21 =	vld [tilespmem:s23+$0xFFFFFF90]  }
0x143: {  	v22 =	vld [tilespmem:s23+$0xFFFFFFA0]  }
0x144: {  	v31 =	vadd.s32 v8, v18;
	v28 =	vld [tilespmem:s23+$0xFFFFFFC0]  }
.Ltmp14:
0x145: {  	v26 =	vadd.s32 v9, v18;
	v20 =	vld [tilespmem:s23+$0xFFFFFFD0];
	(pc) =	sbr.rel @p1 .LBB2_16-.Ltmp14, $4  }
0x146: {  	v24 =	vadd.s32 v10, v18;
	v19 =	vld [tilespmem:s23+$0xFFFFFFE0]  }
0x147: {  	v23 =	vadd.s32 v11, v18;
	v32 =	vmul.f32 $8.000000000e+00, v21;
	v21 =	vld [tilespmem:s23+$0xFFFFFFF0]  }
0x148: {  	v25 =	vadd.s32 v12, v16;
	v18 =	vadd.s32 $0x2, v18;
	v29 =	vmul.f32 $8.000000000e+00, v22;
	v22 =	vld [tilespmem:s23+$0x0]  }
0x149: {  	s8 =	simm.s32 $0x10082;
	v30 =	vmul.f32 $8.000000000e+00, v27;
	v27 =	vadd.s32 v13, v16;
	v28 =	vmul.f32 $8.000000000e+00, v28;
	[tilespmem:v31+s16+$0x0] =	vst.idx.msk $0xffff, v32  }
0x14a: {  	_ =	sdelay $0x3  }
0x14b: {  	[tilespmem:v26+s16+$0x0] =	vst.idx.msk $0xffff, v29  }
0x14c: {  	v18 =	vmul.f32 $8.000000000e+00, v20;
	v16 =	vadd.s32 v15, v16;
	[tilespmem:v24+s16+$0x0] =	vst.idx.msk $0xffff, v30  }
0x14d: {  	v19 =	vmul.f32 $8.000000000e+00, v19;
	[tilespmem:v23+s16+$0x0] =	vst.idx.msk $0xffff, v28  }
0x14e: {  	v62 =	vmul.f32 $8.000000000e+00, v21;
	[tilespmem:v25+s16+$0x0] =	vst.idx.msk $0xffff, v18  }
0x14f: {  	v63 =	vmul.f32 $8.000000000e+00, v22;
	[tilespmem:v27+s16+$0x0] =	vst.idx.msk $0xffff, v19  }
0x150: {  	[tilespmem:v17+s16+$0x0] =	vst.idx.msk $0xffff, v62  }
0x151: {  	[tilespmem:v16+s16+$0x0] =	vst.idx.msk $0xffff, v63  }
0x152: {  	v16 =	vld [tilespmem:s8+$0xFFFFFF7E];
	_ =	sdelay $0x4  }
0x153: {  	[tilespmem:s9+$0xFFFFFF10] =	vst v16  }
0x154: {  	v16 =	vld [tilespmem:s8+$0xFFFFFF8E];
	_ =	sdelay $0x4  }
0x155: {  	[tilespmem:s9+$0xFFFFFF20] =	vst v16  }
0x156: {  	v16 =	vld [tilespmem:s8+$0xFFFFFF9E];
	_ =	sdelay $0x4  }
0x157: {  	[tilespmem:s9+$0xFFFFFF30] =	vst v16  }
0x158: {  	v16 =	vld [tilespmem:s8+$0xFFFFFFAE];
	_ =	sdelay $0x4  }
0x159: {  	[tilespmem:s9+$0xFFFFFF40] =	vst v16  }
0x15a: {  	v16 =	vld [tilespmem:s8+$0xFFFFFFBF];
	_ =	sdelay $0x4  }
0x15b: {  	[tilespmem:s9+$0xFFFFFF50] =	vst v16  }
0x15c: {  	v16 =	vld [tilespmem:s8+$0xFFFFFFCF];
	_ =	sdelay $0x4  }
0x15d: {  	[tilespmem:s9+$0xFFFFFF60] =	vst v16  }
0x15e: {  	v16 =	vld [tilespmem:s8+$0xFFFFFFDF];
	_ =	sdelay $0x4  }
0x15f: {  	[tilespmem:s9+$0xFFFFFF70] =	vst v16  }
0x160: {  	v16 =	vld [tilespmem:s8+$0xFFFFFFEF];
	_ =	sdelay $0x4  }
0x161: {  	[tilespmem:s9+$0xFFFFFF80] =	vst v16  }
0x162: {  	v16 =	vld [tilespmem:s8+$0x0];
	_ =	sdelay $0x4  }
0x163: {  	[tilespmem:s9+$0xFFFFFF90] =	vst v16  }
0x164: {  	v16 =	vld [tilespmem:s8+$0x10];
	_ =	sdelay $0x4  }
0x165: {  	[tilespmem:s9+$0xFFFFFFA0] =	vst v16  }
0x166: {  	v16 =	vld [tilespmem:s8+$0x20];
	_ =	sdelay $0x4  }
0x167: {  	[tilespmem:s9+$0xFFFFFFB0] =	vst v16  }
0x168: {  	v16 =	vld [tilespmem:s8+$0x30];
	_ =	sdelay $0x4  }
0x169: {  	[tilespmem:s9+$0xFFFFFFC0] =	vst v16  }
0x16a: {  	v16 =	vld [tilespmem:s8+$0x41];
	_ =	sdelay $0x4  }
0x16b: {  	[tilespmem:s9+$0xFFFFFFD0] =	vst v16  }
0x16c: {  	v16 =	vld [tilespmem:s8+$0x51];
	_ =	sdelay $0x4  }
0x16d: {  	[tilespmem:s9+$0xFFFFFFE0] =	vst v16  }
0x16e: {  	v16 =	vld [tilespmem:s8+$0x61];
	_ =	sdelay $0x4  }
0x16f: {  	[tilespmem:s9+$0xFFFFFFF0] =	vst v16  }
0x170: {  	v16 =	vld [tilespmem:s8+$0x71];
	_ =	sdelay $0x4  }
0x171: {  	s0 =	simm.s32 $0x0;
	s8 =	simm.s32 $0x10186;
	[tilespmem:s9+$0x0] =	vst v16  }
.LBB2_18:
0x172: {  	v16 =	vld [tilespmem:s8+$0xFFFFFF7E];
	s0 =	sadd.s32 $0x4, s0  }
0x173: {  	p1 =	slt.u32 s0, $0x7C;
	_ =	sdelay $0x2  }
0x174: {  	s9 =	sadd.s32 $0x100, s9  }
0x175: {  	[tilespmem:s9+$0xFFFFFF10] =	vst v16  }
0x176: {  	v16 =	vld [tilespmem:s8+$0xFFFFFF8E];
	_ =	sdelay $0x4  }
0x177: {  	[tilespmem:s9+$0xFFFFFF20] =	vst v16  }
0x178: {  	v16 =	vld [tilespmem:s8+$0xFFFFFF9E];
	_ =	sdelay $0x4  }
0x179: {  	[tilespmem:s9+$0xFFFFFF30] =	vst v16  }
0x17a: {  	v16 =	vld [tilespmem:s8+$0xFFFFFFAE];
	_ =	sdelay $0x4  }
0x17b: {  	[tilespmem:s9+$0xFFFFFF40] =	vst v16  }
0x17c: {  	v16 =	vld [tilespmem:s8+$0xFFFFFFBF];
	_ =	sdelay $0x4  }
0x17d: {  	[tilespmem:s9+$0xFFFFFF50] =	vst v16  }
0x17e: {  	v16 =	vld [tilespmem:s8+$0xFFFFFFCF];
	_ =	sdelay $0x4  }
0x17f: {  	[tilespmem:s9+$0xFFFFFF60] =	vst v16  }
0x180: {  	v16 =	vld [tilespmem:s8+$0xFFFFFFDF];
	_ =	sdelay $0x4  }
0x181: {  	[tilespmem:s9+$0xFFFFFF70] =	vst v16  }
0x182: {  	v16 =	vld [tilespmem:s8+$0xFFFFFFEF];
	_ =	sdelay $0x4  }
0x183: {  	[tilespmem:s9+$0xFFFFFF80] =	vst v16  }
0x184: {  	v16 =	vld [tilespmem:s8+$0x0];
	_ =	sdelay $0x4  }
0x185: {  	[tilespmem:s9+$0xFFFFFF90] =	vst v16  }
0x186: {  	v16 =	vld [tilespmem:s8+$0x10];
	_ =	sdelay $0x4  }
0x187: {  	[tilespmem:s9+$0xFFFFFFA0] =	vst v16  }
0x188: {  	v16 =	vld [tilespmem:s8+$0x20];
	_ =	sdelay $0x4  }
0x189: {  	[tilespmem:s9+$0xFFFFFFB0] =	vst v16  }
0x18a: {  	v16 =	vld [tilespmem:s8+$0x30];
	_ =	sdelay $0x4  }
0x18b: {  	[tilespmem:s9+$0xFFFFFFC0] =	vst v16  }
0x18c: {  	v16 =	vld [tilespmem:s8+$0x41];
	_ =	sdelay $0x4  }
0x18d: {  	[tilespmem:s9+$0xFFFFFFD0] =	vst v16  }
0x18e: {  	v16 =	vld [tilespmem:s8+$0x51];
	_ =	sdelay $0x4  }
0x18f: {  	[tilespmem:s9+$0xFFFFFFE0] =	vst v16  }
0x190: {  	v16 =	vld [tilespmem:s8+$0x61];
	_ =	sdelay $0x4  }
0x191: {  	[tilespmem:s9+$0xFFFFFFF0] =	vst v16  }
0x192: {  	v16 =	vld [tilespmem:s8+$0x71]  }
.Ltmp15:
0x193: {  	(pc) =	sbr.rel @p1 .LBB2_18-.Ltmp15, $2  }
0x194: {  	_ =	sdelay $0x2  }
0x195: {  	s8 =	sadd.s32 $0x104, s8;
	[tilespmem:s9+$0x0] =	vst v16  }
0x196: {  	s0 =	sshll.u32 s28, $0x10  }
0x197: {  	s8 =	simm.s32 $0x8000;
	s0 =	sadd.s32 s0, s21  }
0x198: {  	[hbm4b:s0+s4] =	stream.linear.scatter [tilespmem:s8], [sflag:$0x3], $0x4000, $0x38;
	[tilespmem:$0x17080] =	vst v63  }
0x199: {  	s0 =	sadd.s32 $0x2, s28  }
0x19a: {  	p1 =	sge.u32 s0, s5  }
0x19b: {  	s0 =	sshll.u32 @!p1 s0, $0xD  }
0x19c: {  	s9 =	simm.s32 @!p1 $0x400;
	s0 =	sor.u32 @!p1 s6, s0  }
0x19d: {  	s10 =	simm.s32 @!p1 $0x7A1400;
	s23 =	simm.s32 @!p1 $0x0;
	s8 =	sadd.s32 @!p1 s1, s0  }
0x19e: {  	[tilespmem:s23], [sflag:$0x1] =	stream.strided.gather @!p1 [hbm4b:s8+s9], $0x2000, s10, s9, $0x38;
	[tilespmem:$0x17080] =	vst v63  }
0x19f: {  	s0 =	sadd.s32 @!p1 s0, s7;
	s8 =	simm.s32 @!p1 $0x2000  }
0x1a0: {  	[tilespmem:s8], [sflag:$0x1] =	stream.strided.gather @!p1 [hbm4b:s0+s9], $0x2000, s10, s9, $0x38;
	[tilespmem:$0x17080] =	vst v63  }
0x1a1: {  	p1 =	seq.s32 s2, $0x0  }
.Ltmp16:
0x1a2: {  	_ = 	snop;
	(pc) =	sbr.rel @p1 .LBB2_29-.Ltmp16, $1  }
0x1a3: {  	_ =	sdelay $0x3  }
.LBB2_20:
0x1a4: {  	_ =	swait.ge [sflag:s11], $0x2000  }
0x1a5: {  	[sflag:s11] =	ssyncset.done $0x0  }
0x1a6: {  	[sflag:s11] =	ssyncadd.s32 $0xFFFFE000  }
0x1a7: {  	_ =	swait.ge [sflag:s11], $0x2000  }
0x1a8: {  	p1 =	slt.u32 s28, $0x2;
	[sflag:s11] =	ssyncset.done $0x0  }
0x1a9: {  	s0 =	simm.s32 @!p1 $0x4;
	[sflag:s11] =	ssyncadd.s32 $0xFFFFE000  }
0x1aa: {  	_ =	swait.ge @!p1 [sflag:s0], $0x4000  }
0x1ab: {  	[sflag:s0] =	ssyncset.done @!p1 $0x0  }
0x1ac: {  	s2 =	simm.s32 $0x4080;
	[sflag:s0] =	ssyncadd.s32 @!p1 $0xFFFFC000  }
0x1ad: {  	v18 =	vld [tilespmem:s2+$0xFFFFFF80]  }
0x1ae: {  	v16 =	vimm.s32 $0x0;
	v17 =	vld [tilespmem:s2+$0xFFFFFF90]  }
0x1af: {  	v20 =	vadd.s32 v0, v16;
	v21 =	vld [tilespmem:s2+$0xFFFFFFA0]  }
0x1b0: {  	v22 =	vadd.s32 v1, v16;
	v23 =	vld [tilespmem:s2+$0xFFFFFFB0]  }
0x1b1: {  	v25 =	vadd.s32 v2, v16;
	v24 =	vld [tilespmem:s2+$0xFFFFFFC0]  }
0x1b2: {  	v27 =	vadd.s32 v3, v16;
	v26 =	vld [tilespmem:s2+$0xFFFFFFD0];
	v18 =	vmul.f32 $8.000000000e+00, v18  }
0x1b3: {  	v29 =	vadd.s32 v4, v16;
	v19 =	vld [tilespmem:s2+$0xFFFFFFE0];
	v17 =	vmul.f32 $8.000000000e+00, v17  }
0x1b4: {  	v28 =	vld [tilespmem:s2+$0xFFFFFFF0];
	v21 =	vmul.f32 $8.000000000e+00, v21;
	[tilespmem:v20+s16+$0x0] =	vst.idx.msk $0xffff, v18;
	v18 =	vadd.s32 v5, v16  }
0x1b5: {  	v20 =	vmul.f32 $8.000000000e+00, v23;
	[tilespmem:v22+s16+$0x0] =	vst.idx.msk $0xffff, v17;
	v17 =	vadd.s32 v6, v16  }
0x1b6: {  	v22 =	vmul.f32 $8.000000000e+00, v24;
	[tilespmem:v25+s16+$0x0] =	vst.idx.msk $0xffff, v21;
	v21 =	vadd.s32 v7, v16  }
0x1b7: {  	v23 =	vmul.f32 $8.000000000e+00, v26;
	[tilespmem:v27+s16+$0x0] =	vst.idx.msk $0xffff, v20  }
0x1b8: {  	v19 =	vmul.f32 $8.000000000e+00, v19;
	[tilespmem:v29+s16+$0x0] =	vst.idx.msk $0xffff, v22  }
0x1b9: {  	v20 =	vmul.f32 $8.000000000e+00, v28;
	[tilespmem:v18+s16+$0x0] =	vst.idx.msk $0xffff, v23  }
0x1ba: {  	[tilespmem:v17+s16+$0x0] =	vst.idx.msk $0xffff, v19  }
0x1bb: {  	[tilespmem:v21+s16+$0x0] =	vst.idx.msk $0xffff, v20  }
0x1bc: {  	v27 =	vld [tilespmem:s2+$0x20]  }
0x1bd: {  	v18 =	vld [tilespmem:s2+$0x0]  }
0x1be: {  	v22 =	vld [tilespmem:s2+$0x10]  }
0x1bf: {  	v31 =	vadd.s32 v8, v16;
	v28 =	vld [tilespmem:s2+$0x30]  }
0x1c0: {  	v25 =	vadd.s32 v9, v16  }
0x1c1: {  	v24 =	vadd.s32 v10, v16;
	v20 =	vld [tilespmem:s2+$0x40]  }
0x1c2: {  	v26 =	vadd.s32 v12, v16;
	v23 =	vadd.s32 v11, v16;
	v19 =	vld [tilespmem:s2+$0x50];
	v32 =	vmul.f32 $8.000000000e+00, v18  }
0x1c3: {  	s9 =	simm.s32 $0xC0;
	v17 =	vadd.s32 v14, v16;
	v21 =	vld [tilespmem:s2+$0x60];
	v29 =	vmul.f32 $8.000000000e+00, v22;
	v18 =	vadd.s32 $0x2, v16  }
0x1c4: {  	s10 =	simm.s32 $0xC080;
	s8 =	simm.s32 $0x10082;
	s0 =	simm.s32 $0x0;
	v22 =	vld [tilespmem:s2+$0x70];
	v30 =	vmul.f32 $8.000000000e+00, v27;
	v28 =	vmul.f32 $8.000000000e+00, v28;
	v27 =	vadd.s32 v13, v16;
	[tilespmem:v31+s16+$0x0] =	vst.idx.msk $0xffff, v32  }
.LBB2_21:
0x1c5: {  	v31 =	vadd.s32 v14, v18;
	s0 =	sadd.s32 $0x2, s0;
	[tilespmem:v25+s16+$0x0] =	vst.idx.msk $0xffff, v29;
	s2 =	sadd.s32 $0x100, s2  }
0x1c6: {  	v20 =	vmul.f32 $8.000000000e+00, v20;
	p1 =	slt.u32 s0, $0x3E;
	[tilespmem:v24+s16+$0x0] =	vst.idx.msk $0xffff, v30;
	v24 =	vadd.s32 v15, v16;
	v16 =	vmov v18  }
0x1c7: {  	v19 =	vmul.f32 $8.000000000e+00, v19;
	[tilespmem:v23+s16+$0x0] =	vst.idx.msk $0xffff, v28  }
0x1c8: {  	v21 =	vmul.f32 $8.000000000e+00, v21;
	[tilespmem:v26+s16+$0x0] =	vst.idx.msk $0xffff, v20  }
0x1c9: {  	v20 =	vmul.f32 $8.000000000e+00, v22;
	[tilespmem:v27+s16+$0x0] =	vst.idx.msk $0xffff, v19  }
0x1ca: {  	v19 =	vadd.s32 v0, v18;
	[tilespmem:v17+s16+$0x0] =	vst.idx.msk $0xffff, v21;
	v17 =	vmov v31  }
0x1cb: {  	v21 =	vadd.s32 v1, v18;
	[tilespmem:v24+s16+$0x0] =	vst.idx.msk $0xffff, v20  }
0x1cc: {  	v20 =	vld [tilespmem:s2+$0xFFFFFF90]  }
0x1cd: {  	v22 =	vld [tilespmem:s2+$0xFFFFFF80]  }
0x1ce: {  	v23 =	vld [tilespmem:s2+$0xFFFFFFE0]  }
0x1cf: {  	v24 =	vld [tilespmem:s2+$0xFFFFFFA0]  }
0x1d0: {  	v25 =	vld [tilespmem:s2+$0xFFFFFFB0]  }
0x1d1: {  	v27 =	vadd.s32 v2, v18;
	v26 =	vld [tilespmem:s2+$0xFFFFFFC0]  }
0x1d2: {  	v29 =	vadd.s32 v3, v18;
	v22 =	vmul.f32 $8.000000000e+00, v22;
	v28 =	vld [tilespmem:s2+$0xFFFFFFD0]  }
0x1d3: {  	v31 =	vadd.s32 v4, v18;
	v20 =	vmul.f32 $8.000000000e+00, v20;
	v30 =	vld [tilespmem:s2+$0xFFFFFFF0]  }
0x1d4: {  	v24 =	vmul.f32 $8.000000000e+00, v24;
	[tilespmem:v19+s16+$0x0] =	vst.idx.msk $0xffff, v22;
	v19 =	vadd.s32 v5, v18  }
0x1d5: {  	v22 =	vmul.f32 $8.000000000e+00, v25;
	[tilespmem:v21+s16+$0x0] =	vst.idx.msk $0xffff, v20;
	v20 =	vadd.s32 v6, v18  }
0x1d6: {  	v21 =	vmul.f32 $8.000000000e+00, v26;
	[tilespmem:v27+s16+$0x0] =	vst.idx.msk $0xffff, v24;
	v24 =	vadd.s32 v7, v18  }
0x1d7: {  	v25 =	vmul.f32 $8.000000000e+00, v28;
	[tilespmem:v29+s16+$0x0] =	vst.idx.msk $0xffff, v22  }
0x1d8: {  	v22 =	vmul.f32 $8.000000000e+00, v23;
	[tilespmem:v31+s16+$0x0] =	vst.idx.msk $0xffff, v21  }
0x1d9: {  	v21 =	vmul.f32 $8.000000000e+00, v30;
	[tilespmem:v19+s16+$0x0] =	vst.idx.msk $0xffff, v25  }
0x1da: {  	[tilespmem:v20+s16+$0x0] =	vst.idx.msk $0xffff, v22  }
0x1db: {  	[tilespmem:v24+s16+$0x0] =	vst.idx.msk $0xffff, v21  }
0x1dc: {  	v27 =	vld [tilespmem:s2+$0x20]  }
0x1dd: {  	v21 =	vld [tilespmem:s2+$0x0]  }
0x1de: {  	v22 =	vld [tilespmem:s2+$0x10]  }
0x1df: {  	v31 =	vadd.s32 v8, v18;
	v28 =	vld [tilespmem:s2+$0x30]  }
.Ltmp17:
0x1e0: {  	v25 =	vadd.s32 v9, v18;
	v20 =	vld [tilespmem:s2+$0x40];
	(pc) =	sbr.rel @p1 .LBB2_21-.Ltmp17, $4  }
0x1e1: {  	v24 =	vadd.s32 v10, v18;
	v19 =	vld [tilespmem:s2+$0x50]  }
0x1e2: {  	v23 =	vadd.s32 v11, v18;
	v32 =	vmul.f32 $8.000000000e+00, v21;
	v21 =	vld [tilespmem:s2+$0x60]  }
0x1e3: {  	v26 =	vadd.s32 v12, v16;
	v18 =	vadd.s32 $0x2, v18;
	v29 =	vmul.f32 $8.000000000e+00, v22;
	v22 =	vld [tilespmem:s2+$0x70]  }
0x1e4: {  	v30 =	vmul.f32 $8.000000000e+00, v27;
	v27 =	vadd.s32 v13, v16;
	v28 =	vmul.f32 $8.000000000e+00, v28;
	[tilespmem:v31+s16+$0x0] =	vst.idx.msk $0xffff, v32  }
0x1e5: {  	_ =	sdelay $0x3  }
0x1e6: {  	[tilespmem:v25+s16+$0x0] =	vst.idx.msk $0xffff, v29  }
0x1e7: {  	v18 =	vmul.f32 $8.000000000e+00, v20;
	v16 =	vadd.s32 v15, v16;
	[tilespmem:v24+s16+$0x0] =	vst.idx.msk $0xffff, v30  }
0x1e8: {  	v19 =	vmul.f32 $8.000000000e+00, v19;
	[tilespmem:v23+s16+$0x0] =	vst.idx.msk $0xffff, v28  }
0x1e9: {  	v63 =	vmul.f32 $8.000000000e+00, v21;
	[tilespmem:v26+s16+$0x0] =	vst.idx.msk $0xffff, v18  }
0x1ea: {  	v18 =	vmul.f32 $8.000000000e+00, v22;
	[tilespmem:v27+s16+$0x0] =	vst.idx.msk $0xffff, v19  }
0x1eb: {  	[tilespmem:v17+s16+$0x0] =	vst.idx.msk $0xffff, v63  }
0x1ec: {  	[tilespmem:v16+s16+$0x0] =	vst.idx.msk $0xffff, v18  }
0x1ed: {  	v16 =	vld [tilespmem:s8+$0xFFFFFF7E];
	_ =	sdelay $0x4  }
0x1ee: {  	[tilespmem:s10+$0xFFFFFF80] =	vst v16  }
0x1ef: {  	v16 =	vld [tilespmem:s8+$0xFFFFFF8E];
	_ =	sdelay $0x4  }
0x1f0: {  	[tilespmem:s10+$0xFFFFFF90] =	vst v16  }
0x1f1: {  	v16 =	vld [tilespmem:s8+$0xFFFFFF9E];
	_ =	sdelay $0x4  }
0x1f2: {  	[tilespmem:s10+$0xFFFFFFA0] =	vst v16  }
0x1f3: {  	v16 =	vld [tilespmem:s8+$0xFFFFFFAE];
	_ =	sdelay $0x4  }
0x1f4: {  	[tilespmem:s10+$0xFFFFFFB0] =	vst v16  }
0x1f5: {  	v16 =	vld [tilespmem:s8+$0xFFFFFFBF];
	_ =	sdelay $0x4  }
0x1f6: {  	[tilespmem:s10+$0xFFFFFFC0] =	vst v16  }
0x1f7: {  	v16 =	vld [tilespmem:s8+$0xFFFFFFCF];
	_ =	sdelay $0x2  }
0x1f8: {  	s0 =	simm.s32 $0x40  }
0x1f9: {  	s2 =	sor.u32 $0x50, s0  }
0x1fa: {  	[tilespmem:s2+$0xC000] =	vst v16  }
0x1fb: {  	v16 =	vld [tilespmem:s8+$0xFFFFFFDF];
	_ =	sdelay $0x3  }
0x1fc: {  	s23 =	sor.u32 $0x60, s0  }
0x1fd: {  	[tilespmem:s23+$0xC000] =	vst v16  }
0x1fe: {  	v16 =	vld [tilespmem:s8+$0xFFFFFFEF];
	_ =	sdelay $0x3  }
0x1ff: {  	s0 =	sor.u32 $0x70, s0  }
0x200: {  	[tilespmem:s0+$0xC000] =	vst v16  }
0x201: {  	v16 =	vld [tilespmem:s8+$0x0];
	_ =	sdelay $0x4  }
0x202: {  	[tilespmem:s10+$0x0] =	vst v16  }
0x203: {  	v16 =	vld [tilespmem:s8+$0x10];
	_ =	sdelay $0x4  }
0x204: {  	[tilespmem:s10+$0x10] =	vst v16  }
0x205: {  	v16 =	vld [tilespmem:s8+$0x20];
	_ =	sdelay $0x4  }
0x206: {  	[tilespmem:s10+$0x20] =	vst v16  }
0x207: {  	v16 =	vld [tilespmem:s8+$0x30];
	_ =	sdelay $0x4  }
0x208: {  	[tilespmem:s10+$0x30] =	vst v16  }
0x209: {  	v16 =	vld [tilespmem:s8+$0x41];
	_ =	sdelay $0x4  }
0x20a: {  	[tilespmem:s10+$0x40] =	vst v16  }
0x20b: {  	v16 =	vld [tilespmem:s8+$0x51];
	_ =	sdelay $0x3  }
0x20c: {  	s30 =	sor.u32 $0x50, s9  }
0x20d: {  	[tilespmem:s30+$0xC000] =	vst v16  }
0x20e: {  	v16 =	vld [tilespmem:s8+$0x61];
	_ =	sdelay $0x3  }
0x20f: {  	s31 =	sor.u32 $0x60, s9  }
0x210: {  	[tilespmem:s31+$0xC000] =	vst v16  }
0x211: {  	v16 =	vld [tilespmem:s8+$0x71];
	_ =	sdelay $0x2  }
0x212: {  	s2 =	simm.s32 $0x60F0  }
0x213: {  	s23 =	sor.u32 $0x70, s9;
	s0 =	simm.s32 $0x0;
	s8 =	simm.s32 $0x10186  }
.LBB2_23:
0x214: {  	s0 =	sadd.s32 $0x4, s0;
	[tilespmem:s23+$0xC000] =	vst v16;
	s9 =	sadd.s32 $0x100, s9;
	s10 =	sadd.s32 $0x100, s10  }
0x215: {  	v16 =	vld [tilespmem:s8+$0xFFFFFF7E];
	p1 =	slt.u32 s0, $0x7C;
	_ =	sdelay $0x4  }
0x216: {  	[tilespmem:s10+$0xFFFFFF80] =	vst v16  }
0x217: {  	v16 =	vld [tilespmem:s8+$0xFFFFFF8E];
	_ =	sdelay $0x4  }
0x218: {  	[tilespmem:s10+$0xFFFFFF90] =	vst v16  }
0x219: {  	v16 =	vld [tilespmem:s8+$0xFFFFFF9E];
	_ =	sdelay $0x4  }
0x21a: {  	[tilespmem:s10+$0xFFFFFFA0] =	vst v16  }
0x21b: {  	v16 =	vld [tilespmem:s8+$0xFFFFFFAE];
	_ =	sdelay $0x4  }
0x21c: {  	[tilespmem:s10+$0xFFFFFFB0] =	vst v16  }
0x21d: {  	v16 =	vld [tilespmem:s8+$0xFFFFFFBF];
	_ =	sdelay $0x4  }
0x21e: {  	[tilespmem:s10+$0xFFFFFFC0] =	vst v16  }
0x21f: {  	v16 =	vld [tilespmem:s8+$0xFFFFFFCF];
	_ =	sdelay $0x2  }
0x220: {  	s23 =	sadd.s32 $0xFFFFFF80, s9  }
0x221: {  	s30 =	sor.u32 $0x50, s23  }
0x222: {  	[tilespmem:s30+$0xC000] =	vst v16  }
0x223: {  	v16 =	vld [tilespmem:s8+$0xFFFFFFDF];
	_ =	sdelay $0x3  }
0x224: {  	s30 =	sor.u32 $0x60, s23  }
0x225: {  	[tilespmem:s30+$0xC000] =	vst v16  }
0x226: {  	v16 =	vld [tilespmem:s8+$0xFFFFFFEF];
	_ =	sdelay $0x3  }
0x227: {  	s23 =	sor.u32 $0x70, s23  }
0x228: {  	[tilespmem:s23+$0xC000] =	vst v16  }
0x229: {  	v16 =	vld [tilespmem:s8+$0x0];
	_ =	sdelay $0x4  }
0x22a: {  	[tilespmem:s10+$0x0] =	vst v16  }
0x22b: {  	v16 =	vld [tilespmem:s8+$0x10];
	_ =	sdelay $0x4  }
0x22c: {  	[tilespmem:s10+$0x10] =	vst v16  }
0x22d: {  	v16 =	vld [tilespmem:s8+$0x20];
	_ =	sdelay $0x4  }
0x22e: {  	[tilespmem:s10+$0x20] =	vst v16  }
0x22f: {  	v16 =	vld [tilespmem:s8+$0x30];
	_ =	sdelay $0x4  }
0x230: {  	[tilespmem:s10+$0x30] =	vst v16  }
0x231: {  	v16 =	vld [tilespmem:s8+$0x41];
	_ =	sdelay $0x4  }
0x232: {  	[tilespmem:s10+$0x40] =	vst v16  }
0x233: {  	v16 =	vld [tilespmem:s8+$0x51];
	_ =	sdelay $0x3  }
0x234: {  	s23 =	sor.u32 $0x50, s9  }
0x235: {  	[tilespmem:s23+$0xC000] =	vst v16  }
0x236: {  	v16 =	vld [tilespmem:s8+$0x61];
	_ =	sdelay $0x3  }
0x237: {  	s23 =	sor.u32 $0x60, s9  }
0x238: {  	[tilespmem:s23+$0xC000] =	vst v16  }
.Ltmp18:
0x239: {  	v16 =	vld [tilespmem:s8+$0x71];
	(pc) =	sbr.rel @p1 .LBB2_23-.Ltmp18, $2  }
0x23a: {  	_ =	sdelay $0x2  }
0x23b: {  	s23 =	sor.u32 $0x70, s9;
	s8 =	sadd.s32 $0x104, s8  }
0x23c: {  	[tilespmem:s23+$0xC000] =	vst v16  }
0x23d: {  	v18 =	vld [tilespmem:s2+$0xFFFFFF10]  }
0x23e: {  	v16 =	vimm.s32 $0x0;
	v17 =	vld [tilespmem:s2+$0xFFFFFF20]  }
0x23f: {  	v20 =	vadd.s32 v0, v16;
	v21 =	vld [tilespmem:s2+$0xFFFFFF30]  }
0x240: {  	v22 =	vadd.s32 v1, v16;
	v23 =	vld [tilespmem:s2+$0xFFFFFF40]  }
0x241: {  	v24 =	vld [tilespmem:s2+$0xFFFFFF50];
	v25 =	vadd.s32 v2, v16  }
0x242: {  	v26 =	vld [tilespmem:s2+$0xFFFFFF60];
	v27 =	vadd.s32 v3, v16;
	v18 =	vmul.f32 $8.000000000e+00, v18  }
0x243: {  	v19 =	vld [tilespmem:s2+$0xFFFFFF70];
	v29 =	vadd.s32 v4, v16;
	v17 =	vmul.f32 $8.000000000e+00, v17  }
0x244: {  	v28 =	vld [tilespmem:s2+$0xFFFFFF80];
	v21 =	vmul.f32 $8.000000000e+00, v21;
	[tilespmem:v20+s16+$0x0] =	vst.idx.msk $0xffff, v18;
	v18 =	vadd.s32 v5, v16  }
0x245: {  	v20 =	vmul.f32 $8.000000000e+00, v23;
	[tilespmem:v22+s16+$0x0] =	vst.idx.msk $0xffff, v17;
	v17 =	vadd.s32 v6, v16  }
0x246: {  	v22 =	vmul.f32 $8.000000000e+00, v24;
	[tilespmem:v25+s16+$0x0] =	vst.idx.msk $0xffff, v21;
	v21 =	vadd.s32 v7, v16  }
0x247: {  	v23 =	vmul.f32 $8.000000000e+00, v26;
	[tilespmem:v27+s16+$0x0] =	vst.idx.msk $0xffff, v20  }
0x248: {  	v19 =	vmul.f32 $8.000000000e+00, v19;
	[tilespmem:v29+s16+$0x0] =	vst.idx.msk $0xffff, v22  }
0x249: {  	v20 =	vmul.f32 $8.000000000e+00, v28;
	[tilespmem:v18+s16+$0x0] =	vst.idx.msk $0xffff, v23  }
0x24a: {  	[tilespmem:v17+s16+$0x0] =	vst.idx.msk $0xffff, v19  }
0x24b: {  	[tilespmem:v21+s16+$0x0] =	vst.idx.msk $0xffff, v20  }
0x24c: {  	v27 =	vld [tilespmem:s2+$0xFFFFFFB0]  }
0x24d: {  	v18 =	vld [tilespmem:s2+$0xFFFFFF90]  }
0x24e: {  	v22 =	vld [tilespmem:s2+$0xFFFFFFA0]  }
0x24f: {  	v31 =	vadd.s32 v8, v16;
	v28 =	vld [tilespmem:s2+$0xFFFFFFC0]  }
0x250: {  	v26 =	vadd.s32 v9, v16  }
0x251: {  	v24 =	vadd.s32 v10, v16;
	v20 =	vld [tilespmem:s2+$0xFFFFFFD0]  }
0x252: {  	v25 =	vadd.s32 v12, v16;
	v23 =	vadd.s32 v11, v16;
	v19 =	vld [tilespmem:s2+$0xFFFFFFE0];
	v32 =	vmul.f32 $8.000000000e+00, v18  }
0x253: {  	v17 =	vadd.s32 v14, v16;
	v21 =	vld [tilespmem:s2+$0xFFFFFFF0];
	v29 =	vmul.f32 $8.000000000e+00, v22;
	v18 =	vadd.s32 $0x2, v16  }
0x254: {  	s0 =	simm.s32 $0x0;
	s9 =	simm.s32 $0xE0F0;
	v22 =	vld [tilespmem:s2+$0x0];
	v30 =	vmul.f32 $8.000000000e+00, v27;
	v28 =	vmul.f32 $8.000000000e+00, v28;
	v27 =	vadd.s32 v13, v16;
	[tilespmem:v31+s16+$0x0] =	vst.idx.msk $0xffff, v32  }
.LBB2_25:
0x255: {  	v31 =	vadd.s32 v14, v18;
	s0 =	sadd.s32 $0x2, s0;
	[tilespmem:v26+s16+$0x0] =	vst.idx.msk $0xffff, v29;
	s2 =	sadd.s32 $0x100, s2  }
0x256: {  	v20 =	vmul.f32 $8.000000000e+00, v20;
	p1 =	slt.u32 s0, $0x3E;
	[tilespmem:v24+s16+$0x0] =	vst.idx.msk $0xffff, v30;
	v24 =	vadd.s32 v15, v16;
	v16 =	vmov v18  }
0x257: {  	v19 =	vmul.f32 $8.000000000e+00, v19;
	[tilespmem:v23+s16+$0x0] =	vst.idx.msk $0xffff, v28  }
0x258: {  	v21 =	vmul.f32 $8.000000000e+00, v21;
	[tilespmem:v25+s16+$0x0] =	vst.idx.msk $0xffff, v20  }
0x259: {  	v20 =	vmul.f32 $8.000000000e+00, v22;
	[tilespmem:v27+s16+$0x0] =	vst.idx.msk $0xffff, v19  }
0x25a: {  	v19 =	vadd.s32 v0, v18;
	[tilespmem:v17+s16+$0x0] =	vst.idx.msk $0xffff, v21;
	v17 =	vmov v31  }
0x25b: {  	v21 =	vadd.s32 v1, v18;
	[tilespmem:v24+s16+$0x0] =	vst.idx.msk $0xffff, v20  }
0x25c: {  	v20 =	vld [tilespmem:s2+$0xFFFFFF20]  }
0x25d: {  	v22 =	vld [tilespmem:s2+$0xFFFFFF10]  }
0x25e: {  	v23 =	vld [tilespmem:s2+$0xFFFFFF70]  }
0x25f: {  	v24 =	vld [tilespmem:s2+$0xFFFFFF30]  }
0x260: {  	v25 =	vld [tilespmem:s2+$0xFFFFFF40]  }
0x261: {  	v27 =	vadd.s32 v2, v18;
	v26 =	vld [tilespmem:s2+$0xFFFFFF50]  }
0x262: {  	v29 =	vadd.s32 v3, v18;
	v22 =	vmul.f32 $8.000000000e+00, v22;
	v28 =	vld [tilespmem:s2+$0xFFFFFF60]  }
0x263: {  	v31 =	vadd.s32 v4, v18;
	v20 =	vmul.f32 $8.000000000e+00, v20;
	v30 =	vld [tilespmem:s2+$0xFFFFFF80]  }
0x264: {  	v24 =	vmul.f32 $8.000000000e+00, v24;
	[tilespmem:v19+s16+$0x0] =	vst.idx.msk $0xffff, v22;
	v19 =	vadd.s32 v5, v18  }
0x265: {  	v22 =	vmul.f32 $8.000000000e+00, v25;
	[tilespmem:v21+s16+$0x0] =	vst.idx.msk $0xffff, v20;
	v20 =	vadd.s32 v6, v18  }
0x266: {  	v21 =	vmul.f32 $8.000000000e+00, v26;
	[tilespmem:v27+s16+$0x0] =	vst.idx.msk $0xffff, v24;
	v24 =	vadd.s32 v7, v18  }
0x267: {  	v25 =	vmul.f32 $8.000000000e+00, v28;
	[tilespmem:v29+s16+$0x0] =	vst.idx.msk $0xffff, v22  }
0x268: {  	v22 =	vmul.f32 $8.000000000e+00, v23;
	[tilespmem:v31+s16+$0x0] =	vst.idx.msk $0xffff, v21  }
0x269: {  	v21 =	vmul.f32 $8.000000000e+00, v30;
	[tilespmem:v19+s16+$0x0] =	vst.idx.msk $0xffff, v25  }
0x26a: {  	[tilespmem:v20+s16+$0x0] =	vst.idx.msk $0xffff, v22  }
0x26b: {  	[tilespmem:v24+s16+$0x0] =	vst.idx.msk $0xffff, v21  }
0x26c: {  	v27 =	vld [tilespmem:s2+$0xFFFFFFB0]  }
0x26d: {  	v21 =	vld [tilespmem:s2+$0xFFFFFF90]  }
0x26e: {  	v22 =	vld [tilespmem:s2+$0xFFFFFFA0]  }
0x26f: {  	v31 =	vadd.s32 v8, v18;
	v28 =	vld [tilespmem:s2+$0xFFFFFFC0]  }
.Ltmp19:
0x270: {  	v26 =	vadd.s32 v9, v18;
	v20 =	vld [tilespmem:s2+$0xFFFFFFD0];
	(pc) =	sbr.rel @p1 .LBB2_25-.Ltmp19, $4  }
0x271: {  	v24 =	vadd.s32 v10, v18;
	v19 =	vld [tilespmem:s2+$0xFFFFFFE0]  }
0x272: {  	v23 =	vadd.s32 v11, v18;
	v32 =	vmul.f32 $8.000000000e+00, v21;
	v21 =	vld [tilespmem:s2+$0xFFFFFFF0]  }
0x273: {  	v25 =	vadd.s32 v12, v16;
	v18 =	vadd.s32 $0x2, v18;
	v29 =	vmul.f32 $8.000000000e+00, v22;
	v22 =	vld [tilespmem:s2+$0x0]  }
0x274: {  	s8 =	simm.s32 $0x10082;
	v30 =	vmul.f32 $8.000000000e+00, v27;
	v27 =	vadd.s32 v13, v16;
	v28 =	vmul.f32 $8.000000000e+00, v28;
	[tilespmem:v31+s16+$0x0] =	vst.idx.msk $0xffff, v32  }
0x275: {  	_ =	sdelay $0x3  }
0x276: {  	[tilespmem:v26+s16+$0x0] =	vst.idx.msk $0xffff, v29  }
0x277: {  	v18 =	vmul.f32 $8.000000000e+00, v20;
	v16 =	vadd.s32 v15, v16;
	[tilespmem:v24+s16+$0x0] =	vst.idx.msk $0xffff, v30  }
0x278: {  	v19 =	vmul.f32 $8.000000000e+00, v19;
	[tilespmem:v23+s16+$0x0] =	vst.idx.msk $0xffff, v28  }
0x279: {  	v62 =	vmul.f32 $8.000000000e+00, v21;
	[tilespmem:v25+s16+$0x0] =	vst.idx.msk $0xffff, v18  }
0x27a: {  	v63 =	vmul.f32 $8.000000000e+00, v22;
	[tilespmem:v27+s16+$0x0] =	vst.idx.msk $0xffff, v19  }
0x27b: {  	[tilespmem:v17+s16+$0x0] =	vst.idx.msk $0xffff, v62  }
0x27c: {  	[tilespmem:v16+s16+$0x0] =	vst.idx.msk $0xffff, v63  }
0x27d: {  	v16 =	vld [tilespmem:s8+$0xFFFFFF7E];
	_ =	sdelay $0x4  }
0x27e: {  	[tilespmem:s9+$0xFFFFFF10] =	vst v16  }
0x27f: {  	v16 =	vld [tilespmem:s8+$0xFFFFFF8E];
	_ =	sdelay $0x4  }
0x280: {  	[tilespmem:s9+$0xFFFFFF20] =	vst v16  }
0x281: {  	v16 =	vld [tilespmem:s8+$0xFFFFFF9E];
	_ =	sdelay $0x4  }
0x282: {  	[tilespmem:s9+$0xFFFFFF30] =	vst v16  }
0x283: {  	v16 =	vld [tilespmem:s8+$0xFFFFFFAE];
	_ =	sdelay $0x4  }
0x284: {  	[tilespmem:s9+$0xFFFFFF40] =	vst v16  }
0x285: {  	v16 =	vld [tilespmem:s8+$0xFFFFFFBF];
	_ =	sdelay $0x4  }
0x286: {  	[tilespmem:s9+$0xFFFFFF50] =	vst v16  }
0x287: {  	v16 =	vld [tilespmem:s8+$0xFFFFFFCF];
	_ =	sdelay $0x4  }
0x288: {  	[tilespmem:s9+$0xFFFFFF60] =	vst v16  }
0x289: {  	v16 =	vld [tilespmem:s8+$0xFFFFFFDF];
	_ =	sdelay $0x4  }
0x28a: {  	[tilespmem:s9+$0xFFFFFF70] =	vst v16  }
0x28b: {  	v16 =	vld [tilespmem:s8+$0xFFFFFFEF];
	_ =	sdelay $0x4  }
0x28c: {  	[tilespmem:s9+$0xFFFFFF80] =	vst v16  }
0x28d: {  	v16 =	vld [tilespmem:s8+$0x0];
	_ =	sdelay $0x4  }
0x28e: {  	[tilespmem:s9+$0xFFFFFF90] =	vst v16  }
0x28f: {  	v16 =	vld [tilespmem:s8+$0x10];
	_ =	sdelay $0x4  }
0x290: {  	[tilespmem:s9+$0xFFFFFFA0] =	vst v16  }
0x291: {  	v16 =	vld [tilespmem:s8+$0x20];
	_ =	sdelay $0x4  }
0x292: {  	[tilespmem:s9+$0xFFFFFFB0] =	vst v16  }
0x293: {  	v16 =	vld [tilespmem:s8+$0x30];
	_ =	sdelay $0x4  }
0x294: {  	[tilespmem:s9+$0xFFFFFFC0] =	vst v16  }
0x295: {  	v16 =	vld [tilespmem:s8+$0x41];
	_ =	sdelay $0x4  }
0x296: {  	[tilespmem:s9+$0xFFFFFFD0] =	vst v16  }
0x297: {  	v16 =	vld [tilespmem:s8+$0x51];
	_ =	sdelay $0x4  }
0x298: {  	[tilespmem:s9+$0xFFFFFFE0] =	vst v16  }
0x299: {  	v16 =	vld [tilespmem:s8+$0x61];
	_ =	sdelay $0x4  }
0x29a: {  	[tilespmem:s9+$0xFFFFFFF0] =	vst v16  }
0x29b: {  	v16 =	vld [tilespmem:s8+$0x71];
	_ =	sdelay $0x4  }
0x29c: {  	s0 =	simm.s32 $0x0;
	s2 =	simm.s32 $0x10186;
	[tilespmem:s9+$0x0] =	vst v16  }
.LBB2_27:
0x29d: {  	v16 =	vld [tilespmem:s2+$0xFFFFFF7E];
	s0 =	sadd.s32 $0x4, s0  }
0x29e: {  	p1 =	slt.u32 s0, $0x7C;
	_ =	sdelay $0x2  }
0x29f: {  	s9 =	sadd.s32 $0x100, s9  }
0x2a0: {  	[tilespmem:s9+$0xFFFFFF10] =	vst v16  }
0x2a1: {  	v16 =	vld [tilespmem:s2+$0xFFFFFF8E];
	_ =	sdelay $0x4  }
0x2a2: {  	[tilespmem:s9+$0xFFFFFF20] =	vst v16  }
0x2a3: {  	v16 =	vld [tilespmem:s2+$0xFFFFFF9E];
	_ =	sdelay $0x4  }
0x2a4: {  	[tilespmem:s9+$0xFFFFFF30] =	vst v16  }
0x2a5: {  	v16 =	vld [tilespmem:s2+$0xFFFFFFAE];
	_ =	sdelay $0x4  }
0x2a6: {  	[tilespmem:s9+$0xFFFFFF40] =	vst v16  }
0x2a7: {  	v16 =	vld [tilespmem:s2+$0xFFFFFFBF];
	_ =	sdelay $0x4  }
0x2a8: {  	[tilespmem:s9+$0xFFFFFF50] =	vst v16  }
0x2a9: {  	v16 =	vld [tilespmem:s2+$0xFFFFFFCF];
	_ =	sdelay $0x4  }
0x2aa: {  	[tilespmem:s9+$0xFFFFFF60] =	vst v16  }
0x2ab: {  	v16 =	vld [tilespmem:s2+$0xFFFFFFDF];
	_ =	sdelay $0x4  }
0x2ac: {  	[tilespmem:s9+$0xFFFFFF70] =	vst v16  }
0x2ad: {  	v16 =	vld [tilespmem:s2+$0xFFFFFFEF];
	_ =	sdelay $0x4  }
0x2ae: {  	[tilespmem:s9+$0xFFFFFF80] =	vst v16  }
0x2af: {  	v16 =	vld [tilespmem:s2+$0x0];
	_ =	sdelay $0x4  }
0x2b0: {  	[tilespmem:s9+$0xFFFFFF90] =	vst v16  }
0x2b1: {  	v16 =	vld [tilespmem:s2+$0x10];
	_ =	sdelay $0x4  }
0x2b2: {  	[tilespmem:s9+$0xFFFFFFA0] =	vst v16  }
0x2b3: {  	v16 =	vld [tilespmem:s2+$0x20];
	_ =	sdelay $0x4  }
0x2b4: {  	[tilespmem:s9+$0xFFFFFFB0] =	vst v16  }
0x2b5: {  	v16 =	vld [tilespmem:s2+$0x30];
	_ =	sdelay $0x4  }
0x2b6: {  	[tilespmem:s9+$0xFFFFFFC0] =	vst v16  }
0x2b7: {  	v16 =	vld [tilespmem:s2+$0x41];
	_ =	sdelay $0x4  }
0x2b8: {  	[tilespmem:s9+$0xFFFFFFD0] =	vst v16  }
0x2b9: {  	v16 =	vld [tilespmem:s2+$0x51];
	_ =	sdelay $0x4  }
0x2ba: {  	[tilespmem:s9+$0xFFFFFFE0] =	vst v16  }
0x2bb: {  	v16 =	vld [tilespmem:s2+$0x61];
	_ =	sdelay $0x4  }
0x2bc: {  	[tilespmem:s9+$0xFFFFFFF0] =	vst v16  }
0x2bd: {  	v16 =	vld [tilespmem:s2+$0x71]  }
.Ltmp20:
0x2be: {  	(pc) =	sbr.rel @p1 .LBB2_27-.Ltmp20, $2  }
0x2bf: {  	_ =	sdelay $0x2  }
0x2c0: {  	s2 =	sadd.s32 $0x104, s2;
	[tilespmem:s9+$0x0] =	vst v16  }
0x2c1: {  	s0 =	sshll.u32 s28, $0x10  }
0x2c2: {  	s0 =	sadd.s32 s0, s21  }
0x2c3: {  	[hbm4b:s0+s4] =	stream.linear.scatter [tilespmem:s24], [sflag:$0x4], $0x4000, $0x38;
	[tilespmem:$0x17080] =	vst v63  }
0x2c4: {  	s0 =	sadd.s32 $0x2, s28  }
0x2c5: {  	p1 =	sge.u32 s0, s5  }
0x2c6: {  	s0 =	sshll.u32 @!p1 s0, $0xD  }
.Ltmp21:
0x2c7: {  	s8 =	simm.s32 @!p1 $0x400;
	s0 =	sor.u32 @!p1 s6, s0;
	(pc) =	sbr.rel .LBB2_29-.Ltmp21, $4  }
0x2c8: {  	s9 =	simm.s32 @!p1 $0x7A1400;
	s10 =	simm.s32 @!p1 $0x4000;
	s2 =	sadd.s32 @!p1 s1, s0  }
0x2c9: {  	[tilespmem:s10], [sflag:$0x2] =	stream.strided.gather @!p1 [hbm4b:s2+s8], $0x2000, s9, s8, $0x38;
	[tilespmem:$0x17080] =	vst v63  }
0x2ca: {  	s0 =	sadd.s32 @!p1 s0, s7;
	s2 =	simm.s32 @!p1 $0x6000  }
0x2cb: {  	[tilespmem:s2], [sflag:$0x2] =	stream.strided.gather @!p1 [hbm4b:s0+s8], $0x2000, s9, s8, $0x38;
	[tilespmem:$0x17080] =	vst v63  }
.LBB2_30:
0x2cc: {  	s0 =	simm.s32 $0x3  }
0x2cd: {  	_ =	swait.ge [sflag:s0], $0x4000  }
.Ltmp22:
0x2ce: {  	[sflag:s0] =	ssyncset.done $0x0;
	(pc) =	sbr.rel @p0 .LBB2_36-.Ltmp22, $4  }
0x2cf: {  	s31 =	simm.s32 $0x4;
	[sflag:s0] =	ssyncadd.s32 $0xFFFFC000  }
0x2d0: {  	_ =	swait.ge [sflag:s31], $0x4000  }
0x2d1: {  	[sflag:s31] =	ssyncset.done $0x0  }
0x2d2: {  	[sflag:s31] =	ssyncadd.s32 $0xFFFFC000  }
0x2d3: {  	s0 =	rddreg [dreg:$0xb]  }
0x2d4: {  	s2 =	simm.s32 $0x400;
	s8 =	simm.s32 $0x7A1400;
	s9 =	simm.s32 $0x12080  }
0x2d5: {  	[tilespmem:s9], [sflag:$0x1] =	stream.strided.gather [hbm4b:s0+s2], $0x2000, s8, s2, $0x38;
	[tilespmem:$0x17080] =	vst v63  }
0x2d6: {  	_ =	swait.ge [sflag:s15], $0x2000  }
0x2d7: {  	[sflag:s15] =	ssyncset.done $0x0  }
0x2d8: {  	s0 =	simm.s32 $0x12100;
	[sflag:s15] =	ssyncadd.s32 $0xFFFFE000  }
0x2d9: {  	v17 =	vld [tilespmem:s0+$0xFFFFFF80]  }
0x2da: {  	v16 =	vimm.s32 $0x0;
	v18 =	vld [tilespmem:s0+$0xFFFFFF90]  }
0x2db: {  	v20 =	vadd.s32 v0, v16;
	v19 =	vld [tilespmem:s0+$0xFFFFFFA0]  }
0x2dc: {  	v22 =	vadd.s32 v1, v16;
	v21 =	vld [tilespmem:s0+$0xFFFFFFB0]  }
0x2dd: {  	v23 =	vadd.s32 v2, v16  }
0x2de: {  	v24 =	vadd.s32 v3, v16;
	v17 =	vmul.f32 $8.000000000e+00, v17  }
0x2df: {  	v18 =	vmul.f32 $8.000000000e+00, v18  }
0x2e0: {  	v19 =	vmul.f32 $8.000000000e+00, v19;
	[tilespmem:v20+s16+$0x0] =	vst.idx.msk $0xffff, v17  }
0x2e1: {  	v17 =	vmul.f32 $8.000000000e+00, v21;
	[tilespmem:v22+s16+$0x0] =	vst.idx.msk $0xffff, v18  }
0x2e2: {  	[tilespmem:v23+s16+$0x0] =	vst.idx.msk $0xffff, v19  }
0x2e3: {  	[tilespmem:v24+s16+$0x0] =	vst.idx.msk $0xffff, v17  }
0x2e4: {  	v17 =	vld [tilespmem:s0+$0x0];
	_ =	sdelay $0x1  }
0x2e5: {  	v20 =	vadd.s32 v8, v16  }
0x2e6: {  	v18 =	vld [tilespmem:s0+$0x10]  }
0x2e7: {  	v19 =	vld [tilespmem:s0+$0x20]  }
0x2e8: {  	v62 =	vadd.s32 v9, v16;
	v22 =	vld [tilespmem:s0+$0x30];
	v17 =	vmul.f32 $8.000000000e+00, v17  }
0x2e9: {  	v63 =	vadd.s32 v10, v16  }
0x2ea: {  	[tilespmem:v20+s16+$0x0] =	vst.idx.msk $0xffff, v17;
	v17 =	vadd.s32 v11, v16  }
0x2eb: {  	v18 =	vmul.f32 $8.000000000e+00, v18  }
0x2ec: {  	v19 =	vmul.f32 $8.000000000e+00, v19  }
0x2ed: {  	s10 =	simm.s32 $0x0;
	[tilespmem:v62+s16+$0x0] =	vst.idx.msk $0xffff, v18;
	v18 =	vmul.f32 $8.000000000e+00, v22  }
0x2ee: {  	s2 =	simm.s32 $0xC0;
	s9 =	simm.s32 $0x14100;
	s8 =	simm.s32 $0x10082;
	[tilespmem:v63+s16+$0x0] =	vst.idx.msk $0xffff, v19  }
.LBB2_32:
0x2ef: {  	s10 =	sadd.s32 $0x2, s10;
	[tilespmem:v17+s16+$0x0] =	vst.idx.msk $0xffff, v18;
	v16 =	vadd.s32 $0x2, v16;
	s0 =	sadd.s32 $0x100, s0  }
0x2f0: {  	v17 =	vld [tilespmem:s0+$0xFFFFFF80];
	p1 =	slt.u32 s10, $0x3E  }
0x2f1: {  	v18 =	vld [tilespmem:s0+$0xFFFFFF90]  }
0x2f2: {  	v20 =	vadd.s32 v0, v16;
	v19 =	vld [tilespmem:s0+$0xFFFFFFA0]  }
0x2f3: {  	v22 =	vadd.s32 v1, v16;
	v21 =	vld [tilespmem:s0+$0xFFFFFFB0]  }
0x2f4: {  	v23 =	vadd.s32 v2, v16  }
0x2f5: {  	v24 =	vadd.s32 v3, v16;
	v17 =	vmul.f32 $8.000000000e+00, v17  }
0x2f6: {  	v18 =	vmul.f32 $8.000000000e+00, v18  }
0x2f7: {  	v19 =	vmul.f32 $8.000000000e+00, v19;
	[tilespmem:v20+s16+$0x0] =	vst.idx.msk $0xffff, v17  }
0x2f8: {  	v17 =	vmul.f32 $8.000000000e+00, v21;
	[tilespmem:v22+s16+$0x0] =	vst.idx.msk $0xffff, v18  }
0x2f9: {  	[tilespmem:v23+s16+$0x0] =	vst.idx.msk $0xffff, v19  }
0x2fa: {  	[tilespmem:v24+s16+$0x0] =	vst.idx.msk $0xffff, v17  }
0x2fb: {  	v17 =	vld [tilespmem:s0+$0x0]  }
0x2fc: {  	v18 =	vld [tilespmem:s0+$0x10]  }
0x2fd: {  	v20 =	vadd.s32 v8, v16;
	v19 =	vld [tilespmem:s0+$0x20]  }
0x2fe: {  	v22 =	vadd.s32 v9, v16;
	v21 =	vld [tilespmem:s0+$0x30]  }
0x2ff: {  	v23 =	vadd.s32 v10, v16  }
.Ltmp23:
0x300: {  	v24 =	vmul.f32 $8.000000000e+00, v17;
	v17 =	vadd.s32 v11, v16;
	(pc) =	sbr.rel @p1 .LBB2_32-.Ltmp23, $4  }
0x301: {  	v25 =	vmul.f32 $8.000000000e+00, v18  }
0x302: {  	v19 =	vmul.f32 $8.000000000e+00, v19;
	[tilespmem:v20+s16+$0x0] =	vst.idx.msk $0xffff, v24  }
0x303: {  	v18 =	vmul.f32 $8.000000000e+00, v21;
	[tilespmem:v22+s16+$0x0] =	vst.idx.msk $0xffff, v25  }
0x304: {  	[tilespmem:v23+s16+$0x0] =	vst.idx.msk $0xffff, v19  }
0x305: {  	_ =	sdelay $0x3  }
0x306: {  	[tilespmem:v17+s16+$0x0] =	vst.idx.msk $0xffff, v18  }
0x307: {  	v16 =	vld [tilespmem:s8+$0xFFFFFF7E];
	_ =	sdelay $0x4  }
0x308: {  	[tilespmem:s9+$0xFFFFFF80] =	vst v16  }
0x309: {  	v16 =	vld [tilespmem:s8+$0xFFFFFF8E];
	_ =	sdelay $0x4  }
0x30a: {  	[tilespmem:s9+$0xFFFFFF90] =	vst v16  }
0x30b: {  	v16 =	vld [tilespmem:s8+$0xFFFFFF9E];
	_ =	sdelay $0x4  }
0x30c: {  	[tilespmem:s9+$0xFFFFFFA0] =	vst v16  }
0x30d: {  	v16 =	vld [tilespmem:s8+$0xFFFFFFAE];
	_ =	sdelay $0x4  }
0x30e: {  	[tilespmem:s9+$0xFFFFFFB0] =	vst v16  }
0x30f: {  	v16 =	vld [tilespmem:s8+$0xFFFFFFBF];
	_ =	sdelay $0x4  }
0x310: {  	[tilespmem:s9+$0xFFFFFFC0] =	vst v16  }
0x311: {  	v16 =	vld [tilespmem:s8+$0xFFFFFFCF];
	_ =	sdelay $0x2  }
0x312: {  	s0 =	simm.s32 $0x40  }
0x313: {  	s10 =	sor.u32 $0x50, s0  }
0x314: {  	[tilespmem:s10+$0x14080] =	vst v16  }
0x315: {  	v16 =	vld [tilespmem:s8+$0xFFFFFFDF];
	_ =	sdelay $0x3  }
0x316: {  	s28 =	sor.u32 $0x60, s0  }
0x317: {  	[tilespmem:s28+$0x14080] =	vst v16  }
0x318: {  	v16 =	vld [tilespmem:s8+$0xFFFFFFEF];
	_ =	sdelay $0x3  }
0x319: {  	s0 =	sor.u32 $0x70, s0  }
0x31a: {  	[tilespmem:s0+$0x14080] =	vst v16  }
0x31b: {  	v16 =	vld [tilespmem:s8+$0x0];
	_ =	sdelay $0x4  }
0x31c: {  	[tilespmem:s9+$0x0] =	vst v16  }
0x31d: {  	v16 =	vld [tilespmem:s8+$0x10];
	_ =	sdelay $0x4  }
0x31e: {  	[tilespmem:s9+$0x10] =	vst v16  }
0x31f: {  	v16 =	vld [tilespmem:s8+$0x20];
	_ =	sdelay $0x4  }
0x320: {  	[tilespmem:s9+$0x20] =	vst v16  }
0x321: {  	v16 =	vld [tilespmem:s8+$0x30];
	_ =	sdelay $0x4  }
0x322: {  	[tilespmem:s9+$0x30] =	vst v16  }
0x323: {  	v16 =	vld [tilespmem:s8+$0x41];
	_ =	sdelay $0x4  }
0x324: {  	[tilespmem:s9+$0x40] =	vst v16  }
0x325: {  	v16 =	vld [tilespmem:s8+$0x51];
	_ =	sdelay $0x3  }
0x326: {  	s30 =	sor.u32 $0x50, s2  }
0x327: {  	[tilespmem:s30+$0x14080] =	vst v16  }
0x328: {  	v16 =	vld [tilespmem:s8+$0x61];
	_ =	sdelay $0x3  }
0x329: {  	s31 =	sor.u32 $0x60, s2  }
0x32a: {  	[tilespmem:s31+$0x14080] =	vst v16  }
0x32b: {  	v16 =	vld [tilespmem:s8+$0x71];
	_ =	sdelay $0x3  }
0x32c: {  	s10 =	sor.u32 $0x70, s2;
	s0 =	simm.s32 $0x0;
	s8 =	simm.s32 $0x10186  }
.LBB2_34:
0x32d: {  	s0 =	sadd.s32 $0x4, s0;
	[tilespmem:s10+$0x14080] =	vst v16;
	s2 =	sadd.s32 $0x100, s2;
	s9 =	sadd.s32 $0x100, s9  }
0x32e: {  	v16 =	vld [tilespmem:s8+$0xFFFFFF7E];
	p1 =	slt.u32 s0, $0x3C;
	_ =	sdelay $0x4  }
0x32f: {  	[tilespmem:s9+$0xFFFFFF80] =	vst v16  }
0x330: {  	v16 =	vld [tilespmem:s8+$0xFFFFFF8E];
	_ =	sdelay $0x4  }
0x331: {  	[tilespmem:s9+$0xFFFFFF90] =	vst v16  }
0x332: {  	v16 =	vld [tilespmem:s8+$0xFFFFFF9E];
	_ =	sdelay $0x4  }
0x333: {  	[tilespmem:s9+$0xFFFFFFA0] =	vst v16  }
0x334: {  	v16 =	vld [tilespmem:s8+$0xFFFFFFAE];
	_ =	sdelay $0x4  }
0x335: {  	[tilespmem:s9+$0xFFFFFFB0] =	vst v16  }
0x336: {  	v16 =	vld [tilespmem:s8+$0xFFFFFFBF];
	_ =	sdelay $0x4  }
0x337: {  	[tilespmem:s9+$0xFFFFFFC0] =	vst v16  }
0x338: {  	v16 =	vld [tilespmem:s8+$0xFFFFFFCF];
	_ =	sdelay $0x2  }
0x339: {  	s10 =	sadd.s32 $0xFFFFFF80, s2  }
0x33a: {  	s23 =	sor.u32 $0x50, s10  }
0x33b: {  	[tilespmem:s23+$0x14080] =	vst v16  }
0x33c: {  	v16 =	vld [tilespmem:s8+$0xFFFFFFDF];
	_ =	sdelay $0x3  }
0x33d: {  	s23 =	sor.u32 $0x60, s10  }
0x33e: {  	[tilespmem:s23+$0x14080] =	vst v16  }
0x33f: {  	v16 =	vld [tilespmem:s8+$0xFFFFFFEF];
	_ =	sdelay $0x3  }
0x340: {  	s10 =	sor.u32 $0x70, s10  }
0x341: {  	[tilespmem:s10+$0x14080] =	vst v16  }
0x342: {  	v16 =	vld [tilespmem:s8+$0x0];
	_ =	sdelay $0x4  }
0x343: {  	[tilespmem:s9+$0x0] =	vst v16  }
0x344: {  	v16 =	vld [tilespmem:s8+$0x10];
	_ =	sdelay $0x4  }
0x345: {  	[tilespmem:s9+$0x10] =	vst v16  }
0x346: {  	v16 =	vld [tilespmem:s8+$0x20];
	_ =	sdelay $0x4  }
0x347: {  	[tilespmem:s9+$0x20] =	vst v16  }
0x348: {  	v16 =	vld [tilespmem:s8+$0x30];
	_ =	sdelay $0x4  }
0x349: {  	[tilespmem:s9+$0x30] =	vst v16  }
0x34a: {  	v16 =	vld [tilespmem:s8+$0x41];
	_ =	sdelay $0x4  }
0x34b: {  	[tilespmem:s9+$0x40] =	vst v16  }
0x34c: {  	v16 =	vld [tilespmem:s8+$0x51];
	_ =	sdelay $0x3  }
0x34d: {  	s10 =	sor.u32 $0x50, s2  }
0x34e: {  	[tilespmem:s10+$0x14080] =	vst v16  }
0x34f: {  	v16 =	vld [tilespmem:s8+$0x61];
	_ =	sdelay $0x3  }
0x350: {  	s10 =	sor.u32 $0x60, s2  }
0x351: {  	[tilespmem:s10+$0x14080] =	vst v16  }
.Ltmp24:
0x352: {  	v16 =	vld [tilespmem:s8+$0x71];
	(pc) =	sbr.rel @p1 .LBB2_34-.Ltmp24, $2  }
0x353: {  	_ =	sdelay $0x2  }
0x354: {  	s10 =	sor.u32 $0x70, s2;
	s8 =	sadd.s32 $0x104, s8  }
.Ltmp25:
0x355: {  	_ = 	snop;
	(pc) =	sbr.rel .LBB2_35-.Ltmp25, $1  }
0x356: {  	_ =	sdelay $0x3  }
.LBB2_37:
0x357: {  	_ =	sfence.sel $0x180000  }
0x358: {  	[bflag:$0x0] =	sbarrier.arrive $0xFFFF  }
0x359: {  	_ =	strace $0x90000047  }
0x35a: {  	s0 =	stileid.u32;
	[bflag:$0x2] =	sbarrier.arrive $0xFFFF  }
0x35b: {  	p0 =	sne.s32 s0, $0x0;
	s0 =	rddreg [dreg:$0x4]  }
0x35c: {  	s0 =	sadd.s32 @!p0 $0x100000, s0  }
0x35d: {  	[sflag:s0] =	ssyncadd.tile.s32 @!p0 $0x1;
	_ =	shalt  }
.Lfunc_end2:
_tile_overlayer_lowered:
.L_overlay_start_2:
0x35e: {  	(tag) =	ssettag $0x2  }
0x35f: {  	s0 =	rddreg [dreg:$0x0];
	s2 =	stileid.u32  }
0x360: {  	s1 =	rddreg [dreg:$0x1];
	p0 =	sne.s32 s2, $0x0  }
0x361: {  	s3 =	rddreg [dreg:$0x2];
	[bflag:$0x3] =	sbarrier.arrive $0xFFFF;
	s2 =	simm.s32 @!p0 $0x1C07  }
0x362: {  	[timem:s3], [sflag:s2] =	dma.local @!p0 [hbm:s0], s1  }
0x363: {  	s0 =	simm.s32 @!p0 $0x7  }
0x364: {  	_ =	swait.ge @!p0 [sflag:s0], s1  }
0x365: {  	s1 =	ssub.s32 @!p0 $0x0, s1;
	[sflag:s0] =	ssyncset.done @!p0 $0x0  }
0x366: {  	[sflag:s0] =	ssyncadd.s32 @!p0 s1  }
0x367: {  	[bflag:$0x3] =	sbarrier.arrive $0xFFFF  }
0x368: {  	_ =	shalt  }

</sc_bundles>
